<compile_context>
chip_gen: v7x
topology: tpu7x:2x2x1
jax: 0.10.2.dev20260603
libtpu: 0.0.44.dev20260713+nightly
codegen_flags: <defaults>
</compile_context>

<pallas_src>
import functools
import math

import jax
import jax.numpy as jnp
from jax import lax
from jax.experimental import pallas as pl
from jax.experimental.pallas import tpu as pltpu
from jax.experimental.pallas import tpu_sc as plsc

CUTOFF_LOWER = 0.0
CUTOFF_UPPER = 10.0

_NUM_CORES = 2
_NUM_SUBCORES = 16
_NW = _NUM_CORES * _NUM_SUBCORES
_LANES = 16
_CHUNK = 2000


_COS_COEFFS = (1.0, -0.49999985098838806, 0.041666463017463684,
               -0.0013887732056900859, 2.4769053197815083e-05,
               -2.707544979330123e-07, 1.7243751981865785e-09)


def _sc_gather_kernel(edge_index, node_flat, group_flat):
    n_edges = edge_index.shape[0] // 2
    edges_per_w = n_edges // _NW
    n_chunks = edges_per_w // _CHUNK
    n_rows = n_edges // _CHUNK
    alpha = 5.0 / (CUTOFF_UPPER - CUTOFF_LOWER)
    u_scale = (math.pi / CUTOFF_UPPER) ** 2
    cut2 = CUTOFF_UPPER * CUTOFF_UPPER

    mesh = plsc.VectorSubcoreMesh(core_axis_name="c", subcore_axis_name="s")

    def body(ei_hbm, node_hbm, group_hbm,
             ew_hbm, cut_hbm, ex_hbm, ev_hbm,
             node_v, group_v,
             src_b0, dst_b0, ew_b0, cut_b0, ex_b0, ev_b0,
             src_b1, dst_b1, ew_b1, cut_b1, ex_b1, ev_b1,
             in_sem0, in_sem1, out_sem0, out_sem1):
        cid = lax.axis_index("c")
        sid = lax.axis_index("s")
        wid = sid * _NUM_CORES + cid
        base_w = wid * edges_per_w
        pltpu.sync_copy(node_hbm, node_v)
        pltpu.sync_copy(group_hbm, group_v)

        srcs = (src_b0, src_b1)
        dsts = (dst_b0, dst_b1)
        ews = (ew_b0, ew_b1)
        cuts = (cut_b0, cut_b1)
        exs = (ex_b0, ex_b1)
        evs = (ev_b0, ev_b1)
        in_sems = (in_sem0, in_sem1)
        out_sems = (out_sem0, out_sem1)

        lane_iota = lax.iota(jnp.int32, _LANES)

        def start_in(k, b):
            base = base_w + k * _CHUNK
            return (
                pltpu.async_copy(ei_hbm.at[pl.ds(base, _CHUNK)],
                                 srcs[b], in_sems[b]),
                pltpu.async_copy(ei_hbm.at[pl.ds(n_edges + base, _CHUNK)],
                                 dsts[b], in_sems[b]),
            )

        def start_out(k, b):
            base = base_w + k * _CHUNK
            row = wid * n_chunks + k
            return (
                pltpu.async_copy(ews[b], ew_hbm.at[pl.ds(base, _CHUNK)],
                                 out_sems[b]),
                pltpu.async_copy(cuts[b], cut_hbm.at[row, 0], out_sems[b]),
                pltpu.async_copy(exs[b], ex_hbm.at[row, 0], out_sems[b]),
                pltpu.async_copy(evs[b],
                                 ev_hbm.at[pl.ds(base * 3, _CHUNK * 3)],
                                 out_sems[b]),
            )

        def compute(b):
            src_v, dst_v = srcs[b], dsts[b]
            ew_v, cut_v, ex_v, ev_v = ews[b], cuts[b], exs[b], evs[b]

            def vec_body(j, carry2):
                off = j * _LANES
                si = src_v[pl.ds(off, _LANES)] * 3
                di = dst_v[pl.ds(off, _LANES)] * 3
                dx = (plsc.load_gather(node_v, [si])
                      - plsc.load_gather(group_v, [di]))
                dy = (plsc.load_gather(node_v, [si + 1])
                      - plsc.load_gather(group_v, [di + 1]))
                dz = (plsc.load_gather(node_v, [si + 2])
                      - plsc.load_gather(group_v, [di + 2]))
                d2 = dx * dx + dy * dy + dz * dz
                bits = plsc.bitcast(d2, jnp.int32)
                bits = 0x5F3759DF - lax.shift_right_logical(bits, 1)
                y = plsc.bitcast(bits, jnp.float32)
                y = y * (1.5 - 0.5 * d2 * y * y)
                y = y * (1.5 - 0.5 * d2 * y * y)
                y = y * (1.5 - 0.5 * d2 * y * y)
                d = d2 * y
                ew_v[pl.ds(off, _LANES)] = d
                u = u_scale * jnp.minimum(d2, cut2)
                cosv = jnp.full((_LANES,), _COS_COEFFS[6], jnp.float32)
                cosv = cosv * u + _COS_COEFFS[5]
                cosv = cosv * u + _COS_COEFFS[4]
                cosv = cosv * u + _COS_COEFFS[3]
                cosv = cosv * u + _COS_COEFFS[2]
                cosv = cosv * u + _COS_COEFFS[1]
                cosv = cosv * u + _COS_COEFFS[0]
                cut = jnp.where(d2 < cut2, 0.5 * (cosv + 1.0), 0.0)
                cut_v[pl.ds(off, _LANES)] = cut
                ex_v[pl.ds(off, _LANES)] = jnp.exp(-alpha * d)
                rows = off * 3 + lane_iota * 3
                plsc.store_scatter(ev_v, [rows], dx * y)
                plsc.store_scatter(ev_v, [rows + 1], dy * y)
                plsc.store_scatter(ev_v, [rows + 2], dz * y)
                return carry2

            lax.fori_loop(0, _CHUNK // _LANES, vec_body, 0)

        in_ds = [None] * n_chunks
        out_ds = [None] * n_chunks
        in_ds[0] = start_in(0, 0)
        for k in range(n_chunks):
            b = k & 1
            if k + 1 < n_chunks:
                in_ds[k + 1] = start_in(k + 1, 1 - b)
            for dsc in in_ds[k]:
                dsc.wait()
            if k >= 2:
                for dsc in out_ds[k - 2]:
                    dsc.wait()
            compute(b)
            out_ds[k] = start_out(k, b)
        for k in range(max(0, n_chunks - 2), n_chunks):
            for dsc in out_ds[k]:
                dsc.wait()

    slot = [
        pltpu.VMEM((_CHUNK,), jnp.int32),
        pltpu.VMEM((_CHUNK,), jnp.int32),
        pltpu.VMEM((_CHUNK,), jnp.float32),
        pltpu.VMEM((_CHUNK,), jnp.float32),
        pltpu.VMEM((_CHUNK,), jnp.float32),
        pltpu.VMEM((_CHUNK * 3,), jnp.float32),
    ]
    k = pl.kernel(
        body,
        out_type=(
            jax.ShapeDtypeStruct((n_edges,), jnp.float32),
            jax.ShapeDtypeStruct((n_rows, 1, _CHUNK), jnp.float32),
            jax.ShapeDtypeStruct((n_rows, 1, _CHUNK), jnp.float32),
            jax.ShapeDtypeStruct((n_edges * 3,), jnp.float32),
        ),
        mesh=mesh,
        compiler_params=pltpu.CompilerParams(needs_layout_passes=False),
        scratch_types=[
            pltpu.VMEM(node_flat.shape, jnp.float32),
            pltpu.VMEM(group_flat.shape, jnp.float32),
        ] + slot + [
            pltpu.VMEM((_CHUNK,), jnp.int32),
            pltpu.VMEM((_CHUNK,), jnp.int32),
            pltpu.VMEM((_CHUNK,), jnp.float32),
            pltpu.VMEM((_CHUNK,), jnp.float32),
            pltpu.VMEM((_CHUNK,), jnp.float32),
            pltpu.VMEM((_CHUNK * 3,), jnp.float32),
            pltpu.SemaphoreType.DMA,
            pltpu.SemaphoreType.DMA,
            pltpu.SemaphoreType.DMA,
            pltpu.SemaphoreType.DMA,
        ],
    )
    return k(edge_index, node_flat, group_flat)


_TC_BLK = _CHUNK


_TC_ROWS = 8


def _tc_rbf_body(cut_ref, ex_ref, means_ref, betas_ref, w_ref, b_ref,
                 attr_ref):
    for j in range(_TC_ROWS):
        ex_row = ex_ref[j].reshape(1, ex_ref.shape[-1])
        cut_row = cut_ref[j].reshape(1, cut_ref.shape[-1])
        t = ex_row - means_ref[...]
        rbf = cut_row * jnp.exp(-betas_ref[...] * t * t)
        attr_ref[pl.ds(j * _TC_BLK, _TC_BLK), :] = lax.dot_general(
            rbf, w_ref[...],
            dimension_numbers=(((0,), (0,)), ((), ())),
            preferred_element_type=jnp.float32,
        ) + b_ref[...]


def _tc_rbf_linear(cut, ex, means, betas, W, b):
    n_edges = cut.shape[0] * cut.shape[2]
    num_rbf, hidden = W.shape
    grid = (n_edges // (_TC_BLK * _TC_ROWS),)
    return pl.pallas_call(
        _tc_rbf_body,
        grid=grid,
        in_specs=[
            pl.BlockSpec((_TC_ROWS, 1, _TC_BLK), lambda i: (i, 0, 0)),
            pl.BlockSpec((_TC_ROWS, 1, _TC_BLK), lambda i: (i, 0, 0)),
            pl.BlockSpec((num_rbf, 1), lambda i: (0, 0)),
            pl.BlockSpec((num_rbf, 1), lambda i: (0, 0)),
            pl.BlockSpec((num_rbf, hidden), lambda i: (0, 0)),
            pl.BlockSpec((1, hidden), lambda i: (0, 0)),
        ],
        out_specs=pl.BlockSpec((_TC_BLK * _TC_ROWS, hidden),
                               lambda i: (i, 0)),
        out_shape=jax.ShapeDtypeStruct((n_edges, hidden), jnp.float32),
    )(
        cut,
        ex,
        means.reshape(num_rbf, 1),
        betas.reshape(num_rbf, 1),
        W,
        b.reshape(1, hidden),
    )


def kernel(edge_index, node_pos, group_pos, means, betas, W, b):
    edge_weight, cut, ex, ev_flat = _sc_gather_kernel(
        edge_index.reshape(-1), node_pos.reshape(-1), group_pos.reshape(-1))
    edge_vec = ev_flat.reshape(-1, 3)
    edge_attr = _tc_rbf_linear(cut, ex, means, betas, W, b)
    return (edge_index, edge_weight, edge_attr, edge_vec)

# --- scband reference (transcript-rebuilt; emitter-appended) ---
"""Pipeline reference for scband-bipartite-edge-feat-init-15607911153856 (READ-ONLY COPY).

The authoritative reference and input builder live on the scoring server;
editing this copy changes nothing except your own understanding.
"""

import jax, jax.numpy as jnp
import numpy as np

CUTOFF_LOWER = 0.0
CUTOFF_UPPER = 10.0
NUM_RBF = 50
HIDDEN = 128
N_NODES = 10000
N_GROUPS = 10000
N_EDGES = 320000


def setup_inputs(seed: int = 0) -> dict:
    key = jax.random.key(seed)
    k1, k2, k3, k4, k5 = jax.random.split(key, 5)
    node_pos = jax.random.normal(k1, (N_NODES, 3), dtype=jnp.float32)
    group_pos = jax.random.normal(k2, (N_GROUPS, 3), dtype=jnp.float32)
    edge_index = jax.random.randint(k3, (2, N_EDGES), 0, N_NODES)
    # ExpNormalSmearing trainable params (torchmd-net initialization)
    start_value = float(np.exp(-CUTOFF_UPPER + CUTOFF_LOWER))
    means = jnp.linspace(start_value, 1.0, NUM_RBF, dtype=jnp.float32)
    betas = jnp.full((NUM_RBF,), (2.0 / NUM_RBF * (1.0 - start_value)) ** -2, dtype=jnp.float32)
    # rbf_linear params (nn.Linear default init)
    bound = 1.0 / np.sqrt(NUM_RBF)
    W = jax.random.uniform(k4, (NUM_RBF, HIDDEN), minval=-bound, maxval=bound, dtype=jnp.float32)
    b = jax.random.uniform(k5, (HIDDEN,), minval=-bound, maxval=bound, dtype=jnp.float32)
    return {"edge_index": edge_index, "node_pos": node_pos, "group_pos": group_pos,
            "means": means, "betas": betas, "W": W, "b": b}


def _cosine_cutoff(dist):
    # CosineCutoff with cutoff_lower=0 (as used inside ExpNormalSmearing)
    cutoffs = 0.5 * (jnp.cos(dist * np.pi / CUTOFF_UPPER) + 1.0)
    return cutoffs * (dist < CUTOFF_UPPER).astype(jnp.float32)


def reference(edge_index, node_pos, group_pos, means, betas, W, b):
    alpha = 5.0 / (CUTOFF_UPPER - CUTOFF_LOWER)
    # gather endpoints (bipartite): src from node_pos, dst from group_pos
    edge_vec = jnp.take(node_pos, edge_index[0], axis=0) - jnp.take(group_pos, edge_index[1], axis=0)
    edge_weight = jnp.sqrt(jnp.sum(edge_vec * edge_vec, axis=1))
    edge_vec = edge_vec / edge_weight[:, None]
    # ExpNormalSmearing
    dist = edge_weight[:, None]
    rbf = _cosine_cutoff(dist) * jnp.exp(-betas * (jnp.exp(alpha * (-dist + CUTOFF_LOWER)) - means) ** 2)
    # rbf_linear
    edge_attr = rbf @ W + b
    return (edge_index, edge_weight, edge_attr, edge_vec)

if __name__ == "__main__":
    import jax
    _d = setup_inputs()
    print(jax.jit(kernel)(*tuple(_d.values())))

</pallas_src>

<mosaic_0001>
#map = affine_map<(d0, d1) -> (0)>
#map1 = affine_map<(d0, d1) -> (0, 0, 0)>
module attributes {stable_mosaic.version = 14 : i64} {
  func.func @body(%arg0: i32, %arg1: i32, %arg2: memref<640000xi32, #tpu.memory_space<hbm>>, %arg3: memref<30000xf32, #tpu.memory_space<hbm>>, %arg4: memref<30000xf32, #tpu.memory_space<hbm>>, %arg5: memref<320000xf32, #tpu.memory_space<hbm>>, %arg6: memref<160x1x2000xf32, #tpu.memory_space<hbm>>, %arg7: memref<160x1x2000xf32, #tpu.memory_space<hbm>>, %arg8: memref<960000xf32, #tpu.memory_space<hbm>>, %arg9: memref<30000xf32, #tpu.memory_space<vmem>>, %arg10: memref<30000xf32, #tpu.memory_space<vmem>>, %arg11: memref<2000xi32, #tpu.memory_space<vmem>>, %arg12: memref<2000xi32, #tpu.memory_space<vmem>>, %arg13: memref<2000xf32, #tpu.memory_space<vmem>>, %arg14: memref<2000xf32, #tpu.memory_space<vmem>>, %arg15: memref<2000xf32, #tpu.memory_space<vmem>>, %arg16: memref<6000xf32, #tpu.memory_space<vmem>>, %arg17: memref<2000xi32, #tpu.memory_space<vmem>>, %arg18: memref<2000xi32, #tpu.memory_space<vmem>>, %arg19: memref<2000xf32, #tpu.memory_space<vmem>>, %arg20: memref<2000xf32, #tpu.memory_space<vmem>>, %arg21: memref<2000xf32, #tpu.memory_space<vmem>>, %arg22: memref<6000xf32, #tpu.memory_space<vmem>>, %arg23: memref<!tpu.dma_semaphore, #tpu.memory_space<semaphore_mem>>, %arg24: memref<!tpu.dma_semaphore, #tpu.memory_space<semaphore_mem>>, %arg25: memref<!tpu.dma_semaphore, #tpu.memory_space<semaphore_mem>>, %arg26: memref<!tpu.dma_semaphore, #tpu.memory_space<semaphore_mem>>) attributes {dimension_semantics = [#tpu.dimension_semantics<core_parallel>, #tpu.dimension_semantics<subcore_parallel>], iteration_bounds = array<i64: 2, 16>, scalar_prefetch = 0 : i64, scratch_operands = 18 : i64, tpu.core_type = #tpu.core_type<sc_vector_subcore>, window_params = [{transform_indices = #map}, {transform_indices = #map}, {transform_indices = #map}, {transform_indices = #map}, {transform_indices = #map1}, {transform_indices = #map1}, {transform_indices = #map}]} {
    %mul3A = arith.constant 2 : i32
    %mul3A_0 = arith.muli %arg1, %mul3A : i32
    %add3A = arith.addi %mul3A_0, %arg0 : i32
    %mul3A_1 = arith.constant 10000 : i32
    %mul3A_2 = arith.muli %add3A, %mul3A_1 : i32
    "tpu.region"() ({
      %run_scoped3A = tpu.sem_alloc : memref<!tpu.dma_semaphore, #tpu.memory_space<semaphore_mem>>
      tpu.enqueue_dma source(%arg3 : memref<30000xf32, #tpu.memory_space<hbm>>) target(%arg9 : memref<30000xf32, #tpu.memory_space<vmem>>) target_semaphore(%run_scoped3A : memref<!tpu.dma_semaphore, #tpu.memory_space<semaphore_mem>>)
      tpu.wait_dma2 semaphore(%run_scoped3A : memref<!tpu.dma_semaphore, #tpu.memory_space<semaphore_mem>>) src(%arg3 : memref<30000xf32, #tpu.memory_space<hbm>>) dst(%arg9 : memref<30000xf32, #tpu.memory_space<vmem>>)
      tpu.yield
    }) : () -> ()
    "tpu.region"() ({
      %run_scoped3A = tpu.sem_alloc : memref<!tpu.dma_semaphore, #tpu.memory_space<semaphore_mem>>
      tpu.enqueue_dma source(%arg4 : memref<30000xf32, #tpu.memory_space<hbm>>) target(%arg10 : memref<30000xf32, #tpu.memory_space<vmem>>) target_semaphore(%run_scoped3A : memref<!tpu.dma_semaphore, #tpu.memory_space<semaphore_mem>>)
      tpu.wait_dma2 semaphore(%run_scoped3A : memref<!tpu.dma_semaphore, #tpu.memory_space<semaphore_mem>>) src(%arg4 : memref<30000xf32, #tpu.memory_space<hbm>>) dst(%arg10 : memref<30000xf32, #tpu.memory_space<vmem>>)
      tpu.yield
    }) : () -> ()
    %iota3A = tpu.iota {dimensions = array<i32: 0>} : vector<16xi32>
    %add3A_3 = arith.constant 0 : i32
    %add3A_4 = arith.addi %mul3A_2, %add3A_3 : i32
    %dma_start3A = tpu.memref_slice %arg2[%add3A_4] : memref<640000xi32, #tpu.memory_space<hbm>> -> memref<2000xi32, #tpu.memory_space<hbm>>
    %dma_start3A_5 = tpu.memref_slice %arg2[%add3A_4] : memref<640000xi32, #tpu.memory_space<hbm>> -> memref<2000xi32, #tpu.memory_space<hbm>>
    tpu.enqueue_dma source(%dma_start3A_5 : memref<2000xi32, #tpu.memory_space<hbm>>) target(%arg11 : memref<2000xi32, #tpu.memory_space<vmem>>) target_semaphore(%arg23 : memref<!tpu.dma_semaphore, #tpu.memory_space<semaphore_mem>>)
    %add3A_6 = arith.constant 320000 : i32
    %add3A_7 = arith.addi %add3A_6, %add3A_4 : i32
    %dma_start3A_8 = tpu.memref_slice %arg2[%add3A_7] : memref<640000xi32, #tpu.memory_space<hbm>> -> memref<2000xi32, #tpu.memory_space<hbm>>
    %dma_start3A_9 = tpu.memref_slice %arg2[%add3A_7] : memref<640000xi32, #tpu.memory_space<hbm>> -> memref<2000xi32, #tpu.memory_space<hbm>>
    tpu.enqueue_dma source(%dma_start3A_9 : memref<2000xi32, #tpu.memory_space<hbm>>) target(%arg12 : memref<2000xi32, #tpu.memory_space<vmem>>) target_semaphore(%arg23 : memref<!tpu.dma_semaphore, #tpu.memory_space<semaphore_mem>>)
    %add3A_10 = arith.constant 2000 : i32
    %add3A_11 = arith.addi %mul3A_2, %add3A_10 : i32
    %dma_start3A_12 = tpu.memref_slice %arg2[%add3A_11] : memref<640000xi32, #tpu.memory_space<hbm>> -> memref<2000xi32, #tpu.memory_space<hbm>>
    %dma_start3A_13 = tpu.memref_slice %arg2[%add3A_11] : memref<640000xi32, #tpu.memory_space<hbm>> -> memref<2000xi32, #tpu.memory_space<hbm>>
    tpu.enqueue_dma source(%dma_start3A_13 : memref<2000xi32, #tpu.memory_space<hbm>>) target(%arg17 : memref<2000xi32, #tpu.memory_space<vmem>>) target_semaphore(%arg24 : memref<!tpu.dma_semaphore, #tpu.memory_space<semaphore_mem>>)
    %add3A_14 = arith.constant 320000 : i32
    %add3A_15 = arith.addi %add3A_14, %add3A_11 : i32
    %dma_start3A_16 = tpu.memref_slice %arg2[%add3A_15] : memref<640000xi32, #tpu.memory_space<hbm>> -> memref<2000xi32, #tpu.memory_space<hbm>>
    %dma_start3A_17 = tpu.memref_slice %arg2[%add3A_15] : memref<640000xi32, #tpu.memory_space<hbm>> -> memref<2000xi32, #tpu.memory_space<hbm>>
    tpu.enqueue_dma source(%dma_start3A_17 : memref<2000xi32, #tpu.memory_space<hbm>>) target(%arg18 : memref<2000xi32, #tpu.memory_space<vmem>>) target_semaphore(%arg24 : memref<!tpu.dma_semaphore, #tpu.memory_space<semaphore_mem>>)
    %dma_wait3A = tpu.memref_slice %arg2[%add3A_4] : memref<640000xi32, #tpu.memory_space<hbm>> -> memref<2000xi32, #tpu.memory_space<hbm>>
    %dma_wait3A_18 = tpu.memref_slice %arg2[%add3A_4] : memref<640000xi32, #tpu.memory_space<hbm>> -> memref<2000xi32, #tpu.memory_space<hbm>>
    tpu.wait_dma2 semaphore(%arg23 : memref<!tpu.dma_semaphore, #tpu.memory_space<semaphore_mem>>) src(%dma_wait3A_18 : memref<2000xi32, #tpu.memory_space<hbm>>) dst(%arg11 : memref<2000xi32, #tpu.memory_space<vmem>>)
    %dma_wait3A_19 = tpu.memref_slice %arg2[%add3A_7] : memref<640000xi32, #tpu.memory_space<hbm>> -> memref<2000xi32, #tpu.memory_space<hbm>>
    %dma_wait3A_20 = tpu.memref_slice %arg2[%add3A_7] : memref<640000xi32, #tpu.memory_space<hbm>> -> memref<2000xi32, #tpu.memory_space<hbm>>
    tpu.wait_dma2 semaphore(%arg23 : memref<!tpu.dma_semaphore, #tpu.memory_space<semaphore_mem>>) src(%dma_wait3A_20 : memref<2000xi32, #tpu.memory_space<hbm>>) dst(%arg12 : memref<2000xi32, #tpu.memory_space<vmem>>)
    %scan3A = arith.constant 0 : i32
    %scan3A_21 = arith.constant 0 : i32
    %scan3A_22 = arith.constant 125 : i32
    %scan3A_23 = arith.addi %scan3A_21, %scan3A_22 : i32
    %scan3A_24 = arith.constant 1 : i32
    scf.for %scan3A_310 = %scan3A_21 to %scan3A_23 step %scan3A_24  : i32 {
      %mul3A_311 = arith.constant 16 : i32
      %mul3A_312 = arith.muli %scan3A_310, %mul3A_311 : i32
      %get3A = arith.index_cast %mul3A_312 : i32 to index
      %get3A_313 = tpu.vector_load %arg11[%get3A] {strides = array<i32>} : memref<2000xi32, #tpu.memory_space<vmem>>, vector<16xi32>,
      %mul3A_314 = arith.constant 3 : i32
      %mul3A_315 = vector.broadcast %mul3A_314 : i32 to vector<16xi32>
      %mul3A_316 = arith.muli %get3A_313, %mul3A_315 : vector<16xi32>
      %get3A_317 = arith.index_cast %mul3A_312 : i32 to index
      %get3A_318 = tpu.vector_load %arg12[%get3A_317] {strides = array<i32>} : memref<2000xi32, #tpu.memory_space<vmem>>, vector<16xi32>,
      %mul3A_319 = arith.constant 3 : i32
      %mul3A_320 = vector.broadcast %mul3A_319 : i32 to vector<16xi32>
      %mul3A_321 = arith.muli %get3A_318, %mul3A_320 : vector<16xi32>
      %gather3A = tpu.vector_load_idx %arg9[%mul3A_316] : memref<30000xf32, #tpu.memory_space<vmem>>[vector<16xi32>], vector<16xf32>,
      %gather3A_322 = tpu.vector_load_idx %arg10[%mul3A_321] : memref<30000xf32, #tpu.memory_space<vmem>>[vector<16xi32>], vector<16xf32>,
      %sub3A = arith.subf %gather3A, %gather3A_322 : vector<16xf32>
      %add3A_323 = arith.constant 1 : i32
      %add3A_324 = vector.broadcast %add3A_323 : i32 to vector<16xi32>
      %add3A_325 = arith.addi %mul3A_316, %add3A_324 : vector<16xi32>
      %gather3A_326 = tpu.vector_load_idx %arg9[%add3A_325] : memref<30000xf32, #tpu.memory_space<vmem>>[vector<16xi32>], vector<16xf32>,
      %add3A_327 = arith.constant 1 : i32
      %add3A_328 = vector.broadcast %add3A_327 : i32 to vector<16xi32>
      %add3A_329 = arith.addi %mul3A_321, %add3A_328 : vector<16xi32>
      %gather3A_330 = tpu.vector_load_idx %arg10[%add3A_329] : memref<30000xf32, #tpu.memory_space<vmem>>[vector<16xi32>], vector<16xf32>,
      %sub3A_331 = arith.subf %gather3A_326, %gather3A_330 : vector<16xf32>
      %add3A_332 = arith.constant 2 : i32
      %add3A_333 = vector.broadcast %add3A_332 : i32 to vector<16xi32>
      %add3A_334 = arith.addi %mul3A_316, %add3A_333 : vector<16xi32>
      %gather3A_335 = tpu.vector_load_idx %arg9[%add3A_334] : memref<30000xf32, #tpu.memory_space<vmem>>[vector<16xi32>], vector<16xf32>,
      %add3A_336 = arith.constant 2 : i32
      %add3A_337 = vector.broadcast %add3A_336 : i32 to vector<16xi32>
      %add3A_338 = arith.addi %mul3A_321, %add3A_337 : vector<16xi32>
      %gather3A_339 = tpu.vector_load_idx %arg10[%add3A_338] : memref<30000xf32, #tpu.memory_space<vmem>>[vector<16xi32>], vector<16xf32>,
      %sub3A_340 = arith.subf %gather3A_335, %gather3A_339 : vector<16xf32>
      %mul3A_341 = arith.mulf %sub3A, %sub3A : vector<16xf32>
      %mul3A_342 = arith.mulf %sub3A_331, %sub3A_331 : vector<16xf32>
      %add3A_343 = arith.addf %mul3A_341, %mul3A_342 : vector<16xf32>
      %mul3A_344 = arith.mulf %sub3A_340, %sub3A_340 : vector<16xf32>
      %add3A_345 = arith.addf %add3A_343, %mul3A_344 : vector<16xf32>
      %bitcast3A = vector.bitcast %add3A_345 : vector<16xf32> to vector<16xi32>
      %shift_right_logical3A = arith.constant 1 : i32
      %shift_right_logical3A_346 = vector.broadcast %shift_right_logical3A : i32 to vector<16xi32>
      %shift_right_logical3A_347 = arith.shrui %bitcast3A, %shift_right_logical3A_346 : vector<16xi32>
      %sub3A_348 = arith.constant 1597463007 : i32
      %sub3A_349 = vector.broadcast %sub3A_348 : i32 to vector<16xi32>
      %sub3A_350 = arith.subi %sub3A_349, %shift_right_logical3A_347 : vector<16xi32>
      %bitcast3A_351 = vector.bitcast %sub3A_350 : vector<16xi32> to vector<16xf32>
      %mul3A_352 = arith.constant 5.000000e-01 : f32
      %mul3A_353 = vector.broadcast %mul3A_352 : f32 to vector<16xf32>
      %mul3A_354 = arith.mulf %mul3A_353, %add3A_345 : vector<16xf32>
      %mul3A_355 = arith.mulf %mul3A_354, %bitcast3A_351 : vector<16xf32>
      %mul3A_356 = arith.mulf %mul3A_355, %bitcast3A_351 : vector<16xf32>
      %sub3A_357 = arith.constant 1.500000e+00 : f32
      %sub3A_358 = vector.broadcast %sub3A_357 : f32 to vector<16xf32>
      %sub3A_359 = arith.subf %sub3A_358, %mul3A_356 : vector<16xf32>
      %mul3A_360 = arith.mulf %bitcast3A_351, %sub3A_359 : vector<16xf32>
      %mul3A_361 = arith.constant 5.000000e-01 : f32
      %mul3A_362 = vector.broadcast %mul3A_361 : f32 to vector<16xf32>
      %mul3A_363 = arith.mulf %mul3A_362, %add3A_345 : vector<16xf32>
      %mul3A_364 = arith.mulf %mul3A_363, %mul3A_360 : vector<16xf32>
      %mul3A_365 = arith.mulf %mul3A_364, %mul3A_360 : vector<16xf32>
      %sub3A_366 = arith.constant 1.500000e+00 : f32
      %sub3A_367 = vector.broadcast %sub3A_366 : f32 to vector<16xf32>
      %sub3A_368 = arith.subf %sub3A_367, %mul3A_365 : vector<16xf32>
      %mul3A_369 = arith.mulf %mul3A_360, %sub3A_368 : vector<16xf32>
      %mul3A_370 = arith.constant 5.000000e-01 : f32
      %mul3A_371 = vector.broadcast %mul3A_370 : f32 to vector<16xf32>
      %mul3A_372 = arith.mulf %mul3A_371, %add3A_345 : vector<16xf32>
      %mul3A_373 = arith.mulf %mul3A_372, %mul3A_369 : vector<16xf32>
      %mul3A_374 = arith.mulf %mul3A_373, %mul3A_369 : vector<16xf32>
      %sub3A_375 = arith.constant 1.500000e+00 : f32
      %sub3A_376 = vector.broadcast %sub3A_375 : f32 to vector<16xf32>
      %sub3A_377 = arith.subf %sub3A_376, %mul3A_374 : vector<16xf32>
      %mul3A_378 = arith.mulf %mul3A_369, %sub3A_377 : vector<16xf32>
      %mul3A_379 = arith.mulf %add3A_345, %mul3A_378 : vector<16xf32>
      %swap3A = arith.index_cast %mul3A_312 : i32 to index
      %swap3A_380 = tpu.vector_load %arg13[%swap3A] {strides = array<i32>} : memref<2000xf32, #tpu.memory_space<vmem>>, vector<16xf32>,
      tpu.vector_store %arg13[%swap3A], %mul3A_379 {strides = array<i32>} : memref<2000xf32, #tpu.memory_space<vmem>>, vector<16xf32>,
      %min3A = arith.constant 1.000000e+02 : f32
      %min3A_381 = vector.broadcast %min3A : f32 to vector<16xf32>
      %min3A_382 = arith.minimumf %add3A_345, %min3A_381 : vector<16xf32>
      %mul3A_383 = arith.constant 0.0986960455 : f32
      %mul3A_384 = vector.broadcast %mul3A_383 : f32 to vector<16xf32>
      %mul3A_385 = arith.mulf %mul3A_384, %min3A_382 : vector<16xf32>
      %broadcast_in_dim3A = arith.constant 1.7243752E-9 : f32
      %broadcast_in_dim3A_386 = vector.broadcast %broadcast_in_dim3A : f32 to vector<16xf32>
      %mul3A_387 = arith.mulf %broadcast_in_dim3A_386, %mul3A_385 : vector<16xf32>
      %add3A_388 = arith.constant -2.70754498E-7 : f32
      %add3A_389 = vector.broadcast %add3A_388 : f32 to vector<16xf32>
      %add3A_390 = arith.addf %mul3A_387, %add3A_389 : vector<16xf32>
      %mul3A_391 = arith.mulf %add3A_390, %mul3A_385 : vector<16xf32>
      %add3A_392 = arith.constant 2.47690532E-5 : f32
      %add3A_393 = vector.broadcast %add3A_392 : f32 to vector<16xf32>
      %add3A_394 = arith.addf %mul3A_391, %add3A_393 : vector<16xf32>
      %mul3A_395 = arith.mulf %add3A_394, %mul3A_385 : vector<16xf32>
      %add3A_396 = arith.constant -0.00138877321 : f32
      %add3A_397 = vector.broadcast %add3A_396 : f32 to vector<16xf32>
      %add3A_398 = arith.addf %mul3A_395, %add3A_397 : vector<16xf32>
      %mul3A_399 = arith.mulf %add3A_398, %mul3A_385 : vector<16xf32>
      %add3A_400 = arith.constant 0.041666463 : f32
      %add3A_401 = vector.broadcast %add3A_400 : f32 to vector<16xf32>
      %add3A_402 = arith.addf %mul3A_399, %add3A_401 : vector<16xf32>
      %mul3A_403 = arith.mulf %add3A_402, %mul3A_385 : vector<16xf32>
      %add3A_404 = arith.constant -0.499999851 : f32
      %add3A_405 = vector.broadcast %add3A_404 : f32 to vector<16xf32>
      %add3A_406 = arith.addf %mul3A_403, %add3A_405 : vector<16xf32>
      %mul3A_407 = arith.mulf %add3A_406, %mul3A_385 : vector<16xf32>
      %add3A_408 = arith.constant 1.000000e+00 : f32
      %add3A_409 = vector.broadcast %add3A_408 : f32 to vector<16xf32>
      %add3A_410 = arith.addf %mul3A_407, %add3A_409 : vector<16xf32>
      %lt3A = arith.constant 1.000000e+02 : f32
      %lt3A_411 = vector.broadcast %lt3A : f32 to vector<16xf32>
      %lt3A_412 = arith.cmpf olt, %add3A_345, %lt3A_411 : vector<16xf32>
      %add3A_413 = arith.constant 1.000000e+00 : f32
      %add3A_414 = vector.broadcast %add3A_413 : f32 to vector<16xf32>
      %add3A_415 = arith.addf %add3A_410, %add3A_414 : vector<16xf32>
      %mul3A_416 = arith.constant 5.000000e-01 : f32
      %mul3A_417 = vector.broadcast %mul3A_416 : f32 to vector<16xf32>
      %mul3A_418 = arith.mulf %mul3A_417, %add3A_415 : vector<16xf32>
      %jit3A = arith.constant 0.000000e+00 : f32
      %broadcast_in_dim3A_419 = vector.broadcast %jit3A : f32 to vector<16xf32>
      %select_n3A = arith.select %lt3A_412, %mul3A_418, %broadcast_in_dim3A_419 : vector<16xi1>, vector<16xf32>
      %swap3A_420 = arith.index_cast %mul3A_312 : i32 to index
      %swap3A_421 = tpu.vector_load %arg14[%swap3A_420] {strides = array<i32>} : memref<2000xf32, #tpu.memory_space<vmem>>, vector<16xf32>,
      tpu.vector_store %arg14[%swap3A_420], %select_n3A {strides = array<i32>} : memref<2000xf32, #tpu.memory_space<vmem>>, vector<16xf32>,
      %mul3A_422 = arith.constant -5.000000e-01 : f32
      %mul3A_423 = vector.broadcast %mul3A_422 : f32 to vector<16xf32>
      %mul3A_424 = arith.mulf %mul3A_423, %mul3A_379 : vector<16xf32>
      %exp3A = math.exp %mul3A_424 : vector<16xf32>
      %swap3A_425 = arith.index_cast %mul3A_312 : i32 to index
      %swap3A_426 = tpu.vector_load %arg15[%swap3A_425] {strides = array<i32>} : memref<2000xf32, #tpu.memory_space<vmem>>, vector<16xf32>,
      tpu.vector_store %arg15[%swap3A_425], %exp3A {strides = array<i32>} : memref<2000xf32, #tpu.memory_space<vmem>>, vector<16xf32>,
      %mul3A_427 = arith.constant 3 : i32
      %mul3A_428 = arith.muli %mul3A_312, %mul3A_427 : i32
      %mul3A_429 = arith.constant 3 : i32
      %mul3A_430 = vector.broadcast %mul3A_429 : i32 to vector<16xi32>
      %mul3A_431 = arith.muli %iota3A, %mul3A_430 : vector<16xi32>
      %add3A_432 = vector.broadcast %mul3A_428 : i32 to vector<16xi32>
      %add3A_433 = arith.addi %add3A_432, %mul3A_431 : vector<16xi32>
      %mul3A_434 = arith.mulf %sub3A, %mul3A_378 : vector<16xf32>
      tpu.vector_store_idx %arg16[%add3A_433], %mul3A_434 : memref<6000xf32, #tpu.memory_space<vmem>>[vector<16xi32>], vector<16xf32>,
      %add3A_435 = arith.constant 1 : i32
      %add3A_436 = vector.broadcast %add3A_435 : i32 to vector<16xi32>
      %add3A_437 = arith.addi %add3A_433, %add3A_436 : vector<16xi32>
      %mul3A_438 = arith.mulf %sub3A_331, %mul3A_378 : vector<16xf32>
      tpu.vector_store_idx %arg16[%add3A_437], %mul3A_438 : memref<6000xf32, #tpu.memory_space<vmem>>[vector<16xi32>], vector<16xf32>,
      %add3A_439 = arith.constant 2 : i32
      %add3A_440 = vector.broadcast %add3A_439 : i32 to vector<16xi32>
      %add3A_441 = arith.addi %add3A_433, %add3A_440 : vector<16xi32>
      %mul3A_442 = arith.mulf %sub3A_340, %mul3A_378 : vector<16xf32>
      tpu.vector_store_idx %arg16[%add3A_441], %mul3A_442 : memref<6000xf32, #tpu.memory_space<vmem>>[vector<16xi32>], vector<16xf32>,
    }
    %scan3A_25 = arith.constant 125 : i32
    %add3A_26 = arith.constant 0 : i32
    %add3A_27 = arith.addi %mul3A_2, %add3A_26 : i32
    %mul3A_28 = arith.constant 5 : i32
    %mul3A_29 = arith.muli %add3A, %mul3A_28 : i32
    %add3A_30 = arith.constant 0 : i32
    %add3A_31 = arith.addi %mul3A_29, %add3A_30 : i32
    %dma_start3A_32 = tpu.memref_slice %arg5[%add3A_27] : memref<320000xf32, #tpu.memory_space<hbm>> -> memref<2000xf32, #tpu.memory_space<hbm>>
    %dma_start3A_33 = tpu.memref_slice %arg5[%add3A_27] : memref<320000xf32, #tpu.memory_space<hbm>> -> memref<2000xf32, #tpu.memory_space<hbm>>
    tpu.enqueue_dma source(%arg13 : memref<2000xf32, #tpu.memory_space<vmem>>) target(%dma_start3A_33 : memref<2000xf32, #tpu.memory_space<hbm>>) target_semaphore(%arg25 : memref<!tpu.dma_semaphore, #tpu.memory_space<semaphore_mem>>)
    %dma_start3A_34 = arith.constant 0 : i32
    %dma_start3A_35 = arith.constant 0 : i32
    %dma_start3A_36 = tpu.memref_slice %arg6[%add3A_31, %dma_start3A_34, %dma_start3A_35] : memref<160x1x2000xf32, #tpu.memory_space<hbm>> -> memref<1x1x2000xf32, #tpu.memory_space<hbm>>
    %dma_start3A_37 = tpu.memref_squeeze %dma_start3A_36 : memref<1x1x2000xf32, #tpu.memory_space<hbm>> -> memref<2000xf32, #tpu.memory_space<hbm>>
    %dma_start3A_38 = arith.constant 0 : i32
    %dma_start3A_39 = tpu.memref_slice %arg6[%add3A_31, %dma_start3A_34, %dma_start3A_38] : memref<160x1x2000xf32, #tpu.memory_space<hbm>> -> memref<1x1x2000xf32, #tpu.memory_space<hbm>>
    %dma_start3A_40 = tpu.memref_squeeze %dma_start3A_39 : memref<1x1x2000xf32, #tpu.memory_space<hbm>> -> memref<2000xf32, #tpu.memory_space<hbm>>
    tpu.enqueue_dma source(%arg14 : memref<2000xf32, #tpu.memory_space<vmem>>) target(%dma_start3A_40 : memref<2000xf32, #tpu.memory_space<hbm>>) target_semaphore(%arg25 : memref<!tpu.dma_semaphore, #tpu.memory_space<semaphore_mem>>)
    %dma_start3A_41 = arith.constant 0 : i32
    %dma_start3A_42 = arith.constant 0 : i32
    %dma_start3A_43 = tpu.memref_slice %arg7[%add3A_31, %dma_start3A_41, %dma_start3A_42] : memref<160x1x2000xf32, #tpu.memory_space<hbm>> -> memref<1x1x2000xf32, #tpu.memory_space<hbm>>
    %dma_start3A_44 = tpu.memref_squeeze %dma_start3A_43 : memref<1x1x2000xf32, #tpu.memory_space<hbm>> -> memref<2000xf32, #tpu.memory_space<hbm>>
    %dma_start3A_45 = arith.constant 0 : i32
    %dma_start3A_46 = tpu.memref_slice %arg7[%add3A_31, %dma_start3A_41, %dma_start3A_45] : memref<160x1x2000xf32, #tpu.memory_space<hbm>> -> memref<1x1x2000xf32, #tpu.memory_space<hbm>>
    %dma_start3A_47 = tpu.memref_squeeze %dma_start3A_46 : memref<1x1x2000xf32, #tpu.memory_space<hbm>> -> memref<2000xf32, #tpu.memory_space<hbm>>
    tpu.enqueue_dma source(%arg15 : memref<2000xf32, #tpu.memory_space<vmem>>) target(%dma_start3A_47 : memref<2000xf32, #tpu.memory_space<hbm>>) target_semaphore(%arg25 : memref<!tpu.dma_semaphore, #tpu.memory_space<semaphore_mem>>)
    %mul3A_48 = arith.constant 3 : i32
    %mul3A_49 = arith.muli %add3A_27, %mul3A_48 : i32
    %dma_start3A_50 = tpu.memref_slice %arg8[%mul3A_49] : memref<960000xf32, #tpu.memory_space<hbm>> -> memref<6000xf32, #tpu.memory_space<hbm>>
    %dma_start3A_51 = tpu.memref_slice %arg8[%mul3A_49] : memref<960000xf32, #tpu.memory_space<hbm>> -> memref<6000xf32, #tpu.memory_space<hbm>>
    tpu.enqueue_dma source(%arg16 : memref<6000xf32, #tpu.memory_space<vmem>>) target(%dma_start3A_51 : memref<6000xf32, #tpu.memory_space<hbm>>) target_semaphore(%arg25 : memref<!tpu.dma_semaphore, #tpu.memory_space<semaphore_mem>>)
    %add3A_52 = arith.constant 4000 : i32
    %add3A_53 = arith.addi %mul3A_2, %add3A_52 : i32
    %dma_start3A_54 = tpu.memref_slice %arg2[%add3A_53] : memref<640000xi32, #tpu.memory_space<hbm>> -> memref<2000xi32, #tpu.memory_space<hbm>>
    %dma_start3A_55 = tpu.memref_slice %arg2[%add3A_53] : memref<640000xi32, #tpu.memory_space<hbm>> -> memref<2000xi32, #tpu.memory_space<hbm>>
    tpu.enqueue_dma source(%dma_start3A_55 : memref<2000xi32, #tpu.memory_space<hbm>>) target(%arg11 : memref<2000xi32, #tpu.memory_space<vmem>>) target_semaphore(%arg23 : memref<!tpu.dma_semaphore, #tpu.memory_space<semaphore_mem>>)
    %add3A_56 = arith.constant 320000 : i32
    %add3A_57 = arith.addi %add3A_56, %add3A_53 : i32
    %dma_start3A_58 = tpu.memref_slice %arg2[%add3A_57] : memref<640000xi32, #tpu.memory_space<hbm>> -> memref<2000xi32, #tpu.memory_space<hbm>>
    %dma_start3A_59 = tpu.memref_slice %arg2[%add3A_57] : memref<640000xi32, #tpu.memory_space<hbm>> -> memref<2000xi32, #tpu.memory_space<hbm>>
    tpu.enqueue_dma source(%dma_start3A_59 : memref<2000xi32, #tpu.memory_space<hbm>>) target(%arg12 : memref<2000xi32, #tpu.memory_space<vmem>>) target_semaphore(%arg23 : memref<!tpu.dma_semaphore, #tpu.memory_space<semaphore_mem>>)
    %dma_wait3A_60 = tpu.memref_slice %arg2[%add3A_11] : memref<640000xi32, #tpu.memory_space<hbm>> -> memref<2000xi32, #tpu.memory_space<hbm>>
    %dma_wait3A_61 = tpu.memref_slice %arg2[%add3A_11] : memref<640000xi32, #tpu.memory_space<hbm>> -> memref<2000xi32, #tpu.memory_space<hbm>>
    tpu.wait_dma2 semaphore(%arg24 : memref<!tpu.dma_semaphore, #tpu.memory_space<semaphore_mem>>) src(%dma_wait3A_61 : memref<2000xi32, #tpu.memory_space<hbm>>) dst(%arg17 : memref<2000xi32, #tpu.memory_space<vmem>>)
    %dma_wait3A_62 = tpu.memref_slice %arg2[%add3A_15] : memref<640000xi32, #tpu.memory_space<hbm>> -> memref<2000xi32, #tpu.memory_space<hbm>>
    %dma_wait3A_63 = tpu.memref_slice %arg2[%add3A_15] : memref<640000xi32, #tpu.memory_space<hbm>> -> memref<2000xi32, #tpu.memory_space<hbm>>
    tpu.wait_dma2 semaphore(%arg24 : memref<!tpu.dma_semaphore, #tpu.memory_space<semaphore_mem>>) src(%dma_wait3A_63 : memref<2000xi32, #tpu.memory_space<hbm>>) dst(%arg18 : memref<2000xi32, #tpu.memory_space<vmem>>)
    %scan3A_64 = arith.constant 0 : i32
    %scan3A_65 = arith.constant 0 : i32
    %scan3A_66 = arith.constant 125 : i32
    %scan3A_67 = arith.addi %scan3A_65, %scan3A_66 : i32
    %scan3A_68 = arith.constant 1 : i32
    scf.for %scan3A_310 = %scan3A_65 to %scan3A_67 step %scan3A_68  : i32 {
      %mul3A_311 = arith.constant 16 : i32
      %mul3A_312 = arith.muli %scan3A_310, %mul3A_311 : i32
      %get3A = arith.index_cast %mul3A_312 : i32 to index
      %get3A_313 = tpu.vector_load %arg17[%get3A] {strides = array<i32>} : memref<2000xi32, #tpu.memory_space<vmem>>, vector<16xi32>,
      %mul3A_314 = arith.constant 3 : i32
      %mul3A_315 = vector.broadcast %mul3A_314 : i32 to vector<16xi32>
      %mul3A_316 = arith.muli %get3A_313, %mul3A_315 : vector<16xi32>
      %get3A_317 = arith.index_cast %mul3A_312 : i32 to index
      %get3A_318 = tpu.vector_load %arg18[%get3A_317] {strides = array<i32>} : memref<2000xi32, #tpu.memory_space<vmem>>, vector<16xi32>,
      %mul3A_319 = arith.constant 3 : i32
      %mul3A_320 = vector.broadcast %mul3A_319 : i32 to vector<16xi32>
      %mul3A_321 = arith.muli %get3A_318, %mul3A_320 : vector<16xi32>
      %gather3A = tpu.vector_load_idx %arg9[%mul3A_316] : memref<30000xf32, #tpu.memory_space<vmem>>[vector<16xi32>], vector<16xf32>,
      %gather3A_322 = tpu.vector_load_idx %arg10[%mul3A_321] : memref<30000xf32, #tpu.memory_space<vmem>>[vector<16xi32>], vector<16xf32>,
      %sub3A = arith.subf %gather3A, %gather3A_322 : vector<16xf32>
      %add3A_323 = arith.constant 1 : i32
      %add3A_324 = vector.broadcast %add3A_323 : i32 to vector<16xi32>
      %add3A_325 = arith.addi %mul3A_316, %add3A_324 : vector<16xi32>
      %gather3A_326 = tpu.vector_load_idx %arg9[%add3A_325] : memref<30000xf32, #tpu.memory_space<vmem>>[vector<16xi32>], vector<16xf32>,
      %add3A_327 = arith.constant 1 : i32
      %add3A_328 = vector.broadcast %add3A_327 : i32 to vector<16xi32>
      %add3A_329 = arith.addi %mul3A_321, %add3A_328 : vector<16xi32>
      %gather3A_330 = tpu.vector_load_idx %arg10[%add3A_329] : memref<30000xf32, #tpu.memory_space<vmem>>[vector<16xi32>], vector<16xf32>,
      %sub3A_331 = arith.subf %gather3A_326, %gather3A_330 : vector<16xf32>
      %add3A_332 = arith.constant 2 : i32
      %add3A_333 = vector.broadcast %add3A_332 : i32 to vector<16xi32>
      %add3A_334 = arith.addi %mul3A_316, %add3A_333 : vector<16xi32>
      %gather3A_335 = tpu.vector_load_idx %arg9[%add3A_334] : memref<30000xf32, #tpu.memory_space<vmem>>[vector<16xi32>], vector<16xf32>,
      %add3A_336 = arith.constant 2 : i32
      %add3A_337 = vector.broadcast %add3A_336 : i32 to vector<16xi32>
      %add3A_338 = arith.addi %mul3A_321, %add3A_337 : vector<16xi32>
      %gather3A_339 = tpu.vector_load_idx %arg10[%add3A_338] : memref<30000xf32, #tpu.memory_space<vmem>>[vector<16xi32>], vector<16xf32>,
      %sub3A_340 = arith.subf %gather3A_335, %gather3A_339 : vector<16xf32>
      %mul3A_341 = arith.mulf %sub3A, %sub3A : vector<16xf32>
      %mul3A_342 = arith.mulf %sub3A_331, %sub3A_331 : vector<16xf32>
      %add3A_343 = arith.addf %mul3A_341, %mul3A_342 : vector<16xf32>
      %mul3A_344 = arith.mulf %sub3A_340, %sub3A_340 : vector<16xf32>
      %add3A_345 = arith.addf %add3A_343, %mul3A_344 : vector<16xf32>
      %bitcast3A = vector.bitcast %add3A_345 : vector<16xf32> to vector<16xi32>
      %shift_right_logical3A = arith.constant 1 : i32
      %shift_right_logical3A_346 = vector.broadcast %shift_right_logical3A : i32 to vector<16xi32>
      %shift_right_logical3A_347 = arith.shrui %bitcast3A, %shift_right_logical3A_346 : vector<16xi32>
      %sub3A_348 = arith.constant 1597463007 : i32
      %sub3A_349 = vector.broadcast %sub3A_348 : i32 to vector<16xi32>
      %sub3A_350 = arith.subi %sub3A_349, %shift_right_logical3A_347 : vector<16xi32>
      %bitcast3A_351 = vector.bitcast %sub3A_350 : vector<16xi32> to vector<16xf32>
      %mul3A_352 = arith.constant 5.000000e-01 : f32
      %mul3A_353 = vector.broadcast %mul3A_352 : f32 to vector<16xf32>
      %mul3A_354 = arith.mulf %mul3A_353, %add3A_345 : vector<16xf32>
      %mul3A_355 = arith.mulf %mul3A_354, %bitcast3A_351 : vector<16xf32>
      %mul3A_356 = arith.mulf %mul3A_355, %bitcast3A_351 : vector<16xf32>
      %sub3A_357 = arith.constant 1.500000e+00 : f32
      %sub3A_358 = vector.broadcast %sub3A_357 : f32 to vector<16xf32>
      %sub3A_359 = arith.subf %sub3A_358, %mul3A_356 : vector<16xf32>
      %mul3A_360 = arith.mulf %bitcast3A_351, %sub3A_359 : vector<16xf32>
      %mul3A_361 = arith.constant 5.000000e-01 : f32
      %mul3A_362 = vector.broadcast %mul3A_361 : f32 to vector<16xf32>
      %mul3A_363 = arith.mulf %mul3A_362, %add3A_345 : vector<16xf32>
      %mul3A_364 = arith.mulf %mul3A_363, %mul3A_360 : vector<16xf32>
      %mul3A_365 = arith.mulf %mul3A_364, %mul3A_360 : vector<16xf32>
      %sub3A_366 = arith.constant 1.500000e+00 : f32
      %sub3A_367 = vector.broadcast %sub3A_366 : f32 to vector<16xf32>
      %sub3A_368 = arith.subf %sub3A_367, %mul3A_365 : vector<16xf32>
      %mul3A_369 = arith.mulf %mul3A_360, %sub3A_368 : vector<16xf32>
      %mul3A_370 = arith.constant 5.000000e-01 : f32
      %mul3A_371 = vector.broadcast %mul3A_370 : f32 to vector<16xf32>
      %mul3A_372 = arith.mulf %mul3A_371, %add3A_345 : vector<16xf32>
      %mul3A_373 = arith.mulf %mul3A_372, %mul3A_369 : vector<16xf32>
      %mul3A_374 = arith.mulf %mul3A_373, %mul3A_369 : vector<16xf32>
      %sub3A_375 = arith.constant 1.500000e+00 : f32
      %sub3A_376 = vector.broadcast %sub3A_375 : f32 to vector<16xf32>
      %sub3A_377 = arith.subf %sub3A_376, %mul3A_374 : vector<16xf32>
      %mul3A_378 = arith.mulf %mul3A_369, %sub3A_377 : vector<16xf32>
      %mul3A_379 = arith.mulf %add3A_345, %mul3A_378 : vector<16xf32>
      %swap3A = arith.index_cast %mul3A_312 : i32 to index
      %swap3A_380 = tpu.vector_load %arg19[%swap3A] {strides = array<i32>} : memref<2000xf32, #tpu.memory_space<vmem>>, vector<16xf32>,
      tpu.vector_store %arg19[%swap3A], %mul3A_379 {strides = array<i32>} : memref<2000xf32, #tpu.memory_space<vmem>>, vector<16xf32>,
      %min3A = arith.constant 1.000000e+02 : f32
      %min3A_381 = vector.broadcast %min3A : f32 to vector<16xf32>
      %min3A_382 = arith.minimumf %add3A_345, %min3A_381 : vector<16xf32>
      %mul3A_383 = arith.constant 0.0986960455 : f32
      %mul3A_384 = vector.broadcast %mul3A_383 : f32 to vector<16xf32>
      %mul3A_385 = arith.mulf %mul3A_384, %min3A_382 : vector<16xf32>
      %broadcast_in_dim3A = arith.constant 1.7243752E-9 : f32
      %broadcast_in_dim3A_386 = vector.broadcast %broadcast_in_dim3A : f32 to vector<16xf32>
      %mul3A_387 = arith.mulf %broadcast_in_dim3A_386, %mul3A_385 : vector<16xf32>
      %add3A_388 = arith.constant -2.70754498E-7 : f32
      %add3A_389 = vector.broadcast %add3A_388 : f32 to vector<16xf32>
      %add3A_390 = arith.addf %mul3A_387, %add3A_389 : vector<16xf32>
      %mul3A_391 = arith.mulf %add3A_390, %mul3A_385 : vector<16xf32>
      %add3A_392 = arith.constant 2.47690532E-5 : f32
      %add3A_393 = vector.broadcast %add3A_392 : f32 to vector<16xf32>
      %add3A_394 = arith.addf %mul3A_391, %add3A_393 : vector<16xf32>
      %mul3A_395 = arith.mulf %add3A_394, %mul3A_385 : vector<16xf32>
      %add3A_396 = arith.constant -0.00138877321 : f32
      %add3A_397 = vector.broadcast %add3A_396 : f32 to vector<16xf32>
      %add3A_398 = arith.addf %mul3A_395, %add3A_397 : vector<16xf32>
      %mul3A_399 = arith.mulf %add3A_398, %mul3A_385 : vector<16xf32>
      %add3A_400 = arith.constant 0.041666463 : f32
      %add3A_401 = vector.broadcast %add3A_400 : f32 to vector<16xf32>
      %add3A_402 = arith.addf %mul3A_399, %add3A_401 : vector<16xf32>
      %mul3A_403 = arith.mulf %add3A_402, %mul3A_385 : vector<16xf32>
      %add3A_404 = arith.constant -0.499999851 : f32
      %add3A_405 = vector.broadcast %add3A_404 : f32 to vector<16xf32>
      %add3A_406 = arith.addf %mul3A_403, %add3A_405 : vector<16xf32>
      %mul3A_407 = arith.mulf %add3A_406, %mul3A_385 : vector<16xf32>
      %add3A_408 = arith.constant 1.000000e+00 : f32
      %add3A_409 = vector.broadcast %add3A_408 : f32 to vector<16xf32>
      %add3A_410 = arith.addf %mul3A_407, %add3A_409 : vector<16xf32>
      %lt3A = arith.constant 1.000000e+02 : f32
      %lt3A_411 = vector.broadcast %lt3A : f32 to vector<16xf32>
      %lt3A_412 = arith.cmpf olt, %add3A_345, %lt3A_411 : vector<16xf32>
      %add3A_413 = arith.constant 1.000000e+00 : f32
      %add3A_414 = vector.broadcast %add3A_413 : f32 to vector<16xf32>
      %add3A_415 = arith.addf %add3A_410, %add3A_414 : vector<16xf32>
      %mul3A_416 = arith.constant 5.000000e-01 : f32
      %mul3A_417 = vector.broadcast %mul3A_416 : f32 to vector<16xf32>
      %mul3A_418 = arith.mulf %mul3A_417, %add3A_415 : vector<16xf32>
      %jit3A = arith.constant 0.000000e+00 : f32
      %broadcast_in_dim3A_419 = vector.broadcast %jit3A : f32 to vector<16xf32>
      %select_n3A = arith.select %lt3A_412, %mul3A_418, %broadcast_in_dim3A_419 : vector<16xi1>, vector<16xf32>
      %swap3A_420 = arith.index_cast %mul3A_312 : i32 to index
      %swap3A_421 = tpu.vector_load %arg20[%swap3A_420] {strides = array<i32>} : memref<2000xf32, #tpu.memory_space<vmem>>, vector<16xf32>,
      tpu.vector_store %arg20[%swap3A_420], %select_n3A {strides = array<i32>} : memref<2000xf32, #tpu.memory_space<vmem>>, vector<16xf32>,
      %mul3A_422 = arith.constant -5.000000e-01 : f32
      %mul3A_423 = vector.broadcast %mul3A_422 : f32 to vector<16xf32>
      %mul3A_424 = arith.mulf %mul3A_423, %mul3A_379 : vector<16xf32>
      %exp3A = math.exp %mul3A_424 : vector<16xf32>
      %swap3A_425 = arith.index_cast %mul3A_312 : i32 to index
      %swap3A_426 = tpu.vector_load %arg21[%swap3A_425] {strides = array<i32>} : memref<2000xf32, #tpu.memory_space<vmem>>, vector<16xf32>,
      tpu.vector_store %arg21[%swap3A_425], %exp3A {strides = array<i32>} : memref<2000xf32, #tpu.memory_space<vmem>>, vector<16xf32>,
      %mul3A_427 = arith.constant 3 : i32
      %mul3A_428 = arith.muli %mul3A_312, %mul3A_427 : i32
      %mul3A_429 = arith.constant 3 : i32
      %mul3A_430 = vector.broadcast %mul3A_429 : i32 to vector<16xi32>
      %mul3A_431 = arith.muli %iota3A, %mul3A_430 : vector<16xi32>
      %add3A_432 = vector.broadcast %mul3A_428 : i32 to vector<16xi32>
      %add3A_433 = arith.addi %add3A_432, %mul3A_431 : vector<16xi32>
      %mul3A_434 = arith.mulf %sub3A, %mul3A_378 : vector<16xf32>
      tpu.vector_store_idx %arg22[%add3A_433], %mul3A_434 : memref<6000xf32, #tpu.memory_space<vmem>>[vector<16xi32>], vector<16xf32>,
      %add3A_435 = arith.constant 1 : i32
      %add3A_436 = vector.broadcast %add3A_435 : i32 to vector<16xi32>
      %add3A_437 = arith.addi %add3A_433, %add3A_436 : vector<16xi32>
      %mul3A_438 = arith.mulf %sub3A_331, %mul3A_378 : vector<16xf32>
      tpu.vector_store_idx %arg22[%add3A_437], %mul3A_438 : memref<6000xf32, #tpu.memory_space<vmem>>[vector<16xi32>], vector<16xf32>,
      %add3A_439 = arith.constant 2 : i32
      %add3A_440 = vector.broadcast %add3A_439 : i32 to vector<16xi32>
      %add3A_441 = arith.addi %add3A_433, %add3A_440 : vector<16xi32>
      %mul3A_442 = arith.mulf %sub3A_340, %mul3A_378 : vector<16xf32>
      tpu.vector_store_idx %arg22[%add3A_441], %mul3A_442 : memref<6000xf32, #tpu.memory_space<vmem>>[vector<16xi32>], vector<16xf32>,
    }
    %scan3A_69 = arith.constant 125 : i32
    %add3A_70 = arith.constant 2000 : i32
    %add3A_71 = arith.addi %mul3A_2, %add3A_70 : i32
    %mul3A_72 = arith.constant 5 : i32
    %mul3A_73 = arith.muli %add3A, %mul3A_72 : i32
    %add3A_74 = arith.constant 1 : i32
    %add3A_75 = arith.addi %mul3A_73, %add3A_74 : i32
    %dma_start3A_76 = tpu.memref_slice %arg5[%add3A_71] : memref<320000xf32, #tpu.memory_space<hbm>> -> memref<2000xf32, #tpu.memory_space<hbm>>
    %dma_start3A_77 = tpu.memref_slice %arg5[%add3A_71] : memref<320000xf32, #tpu.memory_space<hbm>> -> memref<2000xf32, #tpu.memory_space<hbm>>
    tpu.enqueue_dma source(%arg19 : memref<2000xf32, #tpu.memory_space<vmem>>) target(%dma_start3A_77 : memref<2000xf32, #tpu.memory_space<hbm>>) target_semaphore(%arg26 : memref<!tpu.dma_semaphore, #tpu.memory_space<semaphore_mem>>)
    %dma_start3A_78 = arith.constant 0 : i32
    %dma_start3A_79 = arith.constant 0 : i32
    %dma_start3A_80 = tpu.memref_slice %arg6[%add3A_75, %dma_start3A_78, %dma_start3A_79] : memref<160x1x2000xf32, #tpu.memory_space<hbm>> -> memref<1x1x2000xf32, #tpu.memory_space<hbm>>
    %dma_start3A_81 = tpu.memref_squeeze %dma_start3A_80 : memref<1x1x2000xf32, #tpu.memory_space<hbm>> -> memref<2000xf32, #tpu.memory_space<hbm>>
    %dma_start3A_82 = arith.constant 0 : i32
    %dma_start3A_83 = tpu.memref_slice %arg6[%add3A_75, %dma_start3A_78, %dma_start3A_82] : memref<160x1x2000xf32, #tpu.memory_space<hbm>> -> memref<1x1x2000xf32, #tpu.memory_space<hbm>>
    %dma_start3A_84 = tpu.memref_squeeze %dma_start3A_83 : memref<1x1x2000xf32, #tpu.memory_space<hbm>> -> memref<2000xf32, #tpu.memory_space<hbm>>
    tpu.enqueue_dma source(%arg20 : memref<2000xf32, #tpu.memory_space<vmem>>) target(%dma_start3A_84 : memref<2000xf32, #tpu.memory_space<hbm>>) target_semaphore(%arg26 : memref<!tpu.dma_semaphore, #tpu.memory_space<semaphore_mem>>)
    %dma_start3A_85 = arith.constant 0 : i32
    %dma_start3A_86 = arith.constant 0 : i32
    %dma_start3A_87 = tpu.memref_slice %arg7[%add3A_75, %dma_start3A_85, %dma_start3A_86] : memref<160x1x2000xf32, #tpu.memory_space<hbm>> -> memref<1x1x2000xf32, #tpu.memory_space<hbm>>
    %dma_start3A_88 = tpu.memref_squeeze %dma_start3A_87 : memref<1x1x2000xf32, #tpu.memory_space<hbm>> -> memref<2000xf32, #tpu.memory_space<hbm>>
    %dma_start3A_89 = arith.constant 0 : i32
    %dma_start3A_90 = tpu.memref_slice %arg7[%add3A_75, %dma_start3A_85, %dma_start3A_89] : memref<160x1x2000xf32, #tpu.memory_space<hbm>> -> memref<1x1x2000xf32, #tpu.memory_space<hbm>>
    %dma_start3A_91 = tpu.memref_squeeze %dma_start3A_90 : memref<1x1x2000xf32, #tpu.memory_space<hbm>> -> memref<2000xf32, #tpu.memory_space<hbm>>
    tpu.enqueue_dma source(%arg21 : memref<2000xf32, #tpu.memory_space<vmem>>) target(%dma_start3A_91 : memref<2000xf32, #tpu.memory_space<hbm>>) target_semaphore(%arg26 : memref<!tpu.dma_semaphore, #tpu.memory_space<semaphore_mem>>)
    %mul3A_92 = arith.constant 3 : i32
    %mul3A_93 = arith.muli %add3A_71, %mul3A_92 : i32
    %dma_start3A_94 = tpu.memref_slice %arg8[%mul3A_93] : memref<960000xf32, #tpu.memory_space<hbm>> -> memref<6000xf32, #tpu.memory_space<hbm>>
    %dma_start3A_95 = tpu.memref_slice %arg8[%mul3A_93] : memref<960000xf32, #tpu.memory_space<hbm>> -> memref<6000xf32, #tpu.memory_space<hbm>>
    tpu.enqueue_dma source(%arg22 : memref<6000xf32, #tpu.memory_space<vmem>>) target(%dma_start3A_95 : memref<6000xf32, #tpu.memory_space<hbm>>) target_semaphore(%arg26 : memref<!tpu.dma_semaphore, #tpu.memory_space<semaphore_mem>>)
    %add3A_96 = arith.constant 6000 : i32
    %add3A_97 = arith.addi %mul3A_2, %add3A_96 : i32
    %dma_start3A_98 = tpu.memref_slice %arg2[%add3A_97] : memref<640000xi32, #tpu.memory_space<hbm>> -> memref<2000xi32, #tpu.memory_space<hbm>>
    %dma_start3A_99 = tpu.memref_slice %arg2[%add3A_97] : memref<640000xi32, #tpu.memory_space<hbm>> -> memref<2000xi32, #tpu.memory_space<hbm>>
    tpu.enqueue_dma source(%dma_start3A_99 : memref<2000xi32, #tpu.memory_space<hbm>>) target(%arg17 : memref<2000xi32, #tpu.memory_space<vmem>>) target_semaphore(%arg24 : memref<!tpu.dma_semaphore, #tpu.memory_space<semaphore_mem>>)
    %add3A_100 = arith.constant 320000 : i32
    %add3A_101 = arith.addi %add3A_100, %add3A_97 : i32
    %dma_start3A_102 = tpu.memref_slice %arg2[%add3A_101] : memref<640000xi32, #tpu.memory_space<hbm>> -> memref<2000xi32, #tpu.memory_space<hbm>>
    %dma_start3A_103 = tpu.memref_slice %arg2[%add3A_101] : memref<640000xi32, #tpu.memory_space<hbm>> -> memref<2000xi32, #tpu.memory_space<hbm>>
    tpu.enqueue_dma source(%dma_start3A_103 : memref<2000xi32, #tpu.memory_space<hbm>>) target(%arg18 : memref<2000xi32, #tpu.memory_space<vmem>>) target_semaphore(%arg24 : memref<!tpu.dma_semaphore, #tpu.memory_space<semaphore_mem>>)
    %dma_wait3A_104 = tpu.memref_slice %arg2[%add3A_53] : memref<640000xi32, #tpu.memory_space<hbm>> -> memref<2000xi32, #tpu.memory_space<hbm>>
    %dma_wait3A_105 = tpu.memref_slice %arg2[%add3A_53] : memref<640000xi32, #tpu.memory_space<hbm>> -> memref<2000xi32, #tpu.memory_space<hbm>>
    tpu.wait_dma2 semaphore(%arg23 : memref<!tpu.dma_semaphore, #tpu.memory_space<semaphore_mem>>) src(%dma_wait3A_105 : memref<2000xi32, #tpu.memory_space<hbm>>) dst(%arg11 : memref<2000xi32, #tpu.memory_space<vmem>>)
    %dma_wait3A_106 = tpu.memref_slice %arg2[%add3A_57] : memref<640000xi32, #tpu.memory_space<hbm>> -> memref<2000xi32, #tpu.memory_space<hbm>>
    %dma_wait3A_107 = tpu.memref_slice %arg2[%add3A_57] : memref<640000xi32, #tpu.memory_space<hbm>> -> memref<2000xi32, #tpu.memory_space<hbm>>
    tpu.wait_dma2 semaphore(%arg23 : memref<!tpu.dma_semaphore, #tpu.memory_space<semaphore_mem>>) src(%dma_wait3A_107 : memref<2000xi32, #tpu.memory_space<hbm>>) dst(%arg12 : memref<2000xi32, #tpu.memory_space<vmem>>)
    %dma_wait3A_108 = tpu.memref_slice %arg5[%add3A_27] : memref<320000xf32, #tpu.memory_space<hbm>> -> memref<2000xf32, #tpu.memory_space<hbm>>
    %dma_wait3A_109 = tpu.memref_slice %arg5[%add3A_27] : memref<320000xf32, #tpu.memory_space<hbm>> -> memref<2000xf32, #tpu.memory_space<hbm>>
    tpu.wait_dma2 semaphore(%arg25 : memref<!tpu.dma_semaphore, #tpu.memory_space<semaphore_mem>>) src(%arg13 : memref<2000xf32, #tpu.memory_space<vmem>>) dst(%dma_wait3A_109 : memref<2000xf32, #tpu.memory_space<hbm>>)
    %dma_wait3A_110 = arith.constant 0 : i32
    %dma_wait3A_111 = arith.constant 0 : i32
    %dma_wait3A_112 = tpu.memref_slice %arg6[%add3A_31, %dma_wait3A_110, %dma_wait3A_111] : memref<160x1x2000xf32, #tpu.memory_space<hbm>> -> memref<1x1x2000xf32, #tpu.memory_space<hbm>>
    %dma_wait3A_113 = tpu.memref_squeeze %dma_wait3A_112 : memref<1x1x2000xf32, #tpu.memory_space<hbm>> -> memref<2000xf32, #tpu.memory_space<hbm>>
    %dma_wait3A_114 = arith.constant 0 : i32
    %dma_wait3A_115 = tpu.memref_slice %arg6[%add3A_31, %dma_wait3A_110, %dma_wait3A_114] : memref<160x1x2000xf32, #tpu.memory_space<hbm>> -> memref<1x1x2000xf32, #tpu.memory_space<hbm>>
    %dma_wait3A_116 = tpu.memref_squeeze %dma_wait3A_115 : memref<1x1x2000xf32, #tpu.memory_space<hbm>> -> memref<2000xf32, #tpu.memory_space<hbm>>
    tpu.wait_dma2 semaphore(%arg25 : memref<!tpu.dma_semaphore, #tpu.memory_space<semaphore_mem>>) src(%arg14 : memref<2000xf32, #tpu.memory_space<vmem>>) dst(%dma_wait3A_116 : memref<2000xf32, #tpu.memory_space<hbm>>)
    %dma_wait3A_117 = arith.constant 0 : i32
    %dma_wait3A_118 = arith.constant 0 : i32
    %dma_wait3A_119 = tpu.memref_slice %arg7[%add3A_31, %dma_wait3A_117, %dma_wait3A_118] : memref<160x1x2000xf32, #tpu.memory_space<hbm>> -> memref<1x1x2000xf32, #tpu.memory_space<hbm>>
    %dma_wait3A_120 = tpu.memref_squeeze %dma_wait3A_119 : memref<1x1x2000xf32, #tpu.memory_space<hbm>> -> memref<2000xf32, #tpu.memory_space<hbm>>
    %dma_wait3A_121 = arith.constant 0 : i32
    %dma_wait3A_122 = tpu.memref_slice %arg7[%add3A_31, %dma_wait3A_117, %dma_wait3A_121] : memref<160x1x2000xf32, #tpu.memory_space<hbm>> -> memref<1x1x2000xf32, #tpu.memory_space<hbm>>
    %dma_wait3A_123 = tpu.memref_squeeze %dma_wait3A_122 : memref<1x1x2000xf32, #tpu.memory_space<hbm>> -> memref<2000xf32, #tpu.memory_space<hbm>>
    tpu.wait_dma2 semaphore(%arg25 : memref<!tpu.dma_semaphore, #tpu.memory_space<semaphore_mem>>) src(%arg15 : memref<2000xf32, #tpu.memory_space<vmem>>) dst(%dma_wait3A_123 : memref<2000xf32, #tpu.memory_space<hbm>>)
    %dma_wait3A_124 = tpu.memref_slice %arg8[%mul3A_49] : memref<960000xf32, #tpu.memory_space<hbm>> -> memref<6000xf32, #tpu.memory_space<hbm>>
    %dma_wait3A_125 = tpu.memref_slice %arg8[%mul3A_49] : memref<960000xf32, #tpu.memory_space<hbm>> -> memref<6000xf32, #tpu.memory_space<hbm>>
    tpu.wait_dma2 semaphore(%arg25 : memref<!tpu.dma_semaphore, #tpu.memory_space<semaphore_mem>>) src(%arg16 : memref<6000xf32, #tpu.memory_space<vmem>>) dst(%dma_wait3A_125 : memref<6000xf32, #tpu.memory_space<hbm>>)
    %scan3A_126 = arith.constant 0 : i32
    %scan3A_127 = arith.constant 0 : i32
    %scan3A_128 = arith.constant 125 : i32
    %scan3A_129 = arith.addi %scan3A_127, %scan3A_128 : i32
    %scan3A_130 = arith.constant 1 : i32
    scf.for %scan3A_310 = %scan3A_127 to %scan3A_129 step %scan3A_130  : i32 {
      %mul3A_311 = arith.constant 16 : i32
      %mul3A_312 = arith.muli %scan3A_310, %mul3A_311 : i32
      %get3A = arith.index_cast %mul3A_312 : i32 to index
      %get3A_313 = tpu.vector_load %arg11[%get3A] {strides = array<i32>} : memref<2000xi32, #tpu.memory_space<vmem>>, vector<16xi32>,
      %mul3A_314 = arith.constant 3 : i32
      %mul3A_315 = vector.broadcast %mul3A_314 : i32 to vector<16xi32>
      %mul3A_316 = arith.muli %get3A_313, %mul3A_315 : vector<16xi32>
      %get3A_317 = arith.index_cast %mul3A_312 : i32 to index
      %get3A_318 = tpu.vector_load %arg12[%get3A_317] {strides = array<i32>} : memref<2000xi32, #tpu.memory_space<vmem>>, vector<16xi32>,
      %mul3A_319 = arith.constant 3 : i32
      %mul3A_320 = vector.broadcast %mul3A_319 : i32 to vector<16xi32>
      %mul3A_321 = arith.muli %get3A_318, %mul3A_320 : vector<16xi32>
      %gather3A = tpu.vector_load_idx %arg9[%mul3A_316] : memref<30000xf32, #tpu.memory_space<vmem>>[vector<16xi32>], vector<16xf32>,
      %gather3A_322 = tpu.vector_load_idx %arg10[%mul3A_321] : memref<30000xf32, #tpu.memory_space<vmem>>[vector<16xi32>], vector<16xf32>,
      %sub3A = arith.subf %gather3A, %gather3A_322 : vector<16xf32>
      %add3A_323 = arith.constant 1 : i32
      %add3A_324 = vector.broadcast %add3A_323 : i32 to vector<16xi32>
      %add3A_325 = arith.addi %mul3A_316, %add3A_324 : vector<16xi32>
      %gather3A_326 = tpu.vector_load_idx %arg9[%add3A_325] : memref<30000xf32, #tpu.memory_space<vmem>>[vector<16xi32>], vector<16xf32>,
      %add3A_327 = arith.constant 1 : i32
      %add3A_328 = vector.broadcast %add3A_327 : i32 to vector<16xi32>
      %add3A_329 = arith.addi %mul3A_321, %add3A_328 : vector<16xi32>
      %gather3A_330 = tpu.vector_load_idx %arg10[%add3A_329] : memref<30000xf32, #tpu.memory_space<vmem>>[vector<16xi32>], vector<16xf32>,
      %sub3A_331 = arith.subf %gather3A_326, %gather3A_330 : vector<16xf32>
      %add3A_332 = arith.constant 2 : i32
      %add3A_333 = vector.broadcast %add3A_332 : i32 to vector<16xi32>
      %add3A_334 = arith.addi %mul3A_316, %add3A_333 : vector<16xi32>
      %gather3A_335 = tpu.vector_load_idx %arg9[%add3A_334] : memref<30000xf32, #tpu.memory_space<vmem>>[vector<16xi32>], vector<16xf32>,
      %add3A_336 = arith.constant 2 : i32
      %add3A_337 = vector.broadcast %add3A_336 : i32 to vector<16xi32>
      %add3A_338 = arith.addi %mul3A_321, %add3A_337 : vector<16xi32>
      %gather3A_339 = tpu.vector_load_idx %arg10[%add3A_338] : memref<30000xf32, #tpu.memory_space<vmem>>[vector<16xi32>], vector<16xf32>,
      %sub3A_340 = arith.subf %gather3A_335, %gather3A_339 : vector<16xf32>
      %mul3A_341 = arith.mulf %sub3A, %sub3A : vector<16xf32>
      %mul3A_342 = arith.mulf %sub3A_331, %sub3A_331 : vector<16xf32>
      %add3A_343 = arith.addf %mul3A_341, %mul3A_342 : vector<16xf32>
      %mul3A_344 = arith.mulf %sub3A_340, %sub3A_340 : vector<16xf32>
      %add3A_345 = arith.addf %add3A_343, %mul3A_344 : vector<16xf32>
      %bitcast3A = vector.bitcast %add3A_345 : vector<16xf32> to vector<16xi32>
      %shift_right_logical3A = arith.constant 1 : i32
      %shift_right_logical3A_346 = vector.broadcast %shift_right_logical3A : i32 to vector<16xi32>
      %shift_right_logical3A_347 = arith.shrui %bitcast3A, %shift_right_logical3A_346 : vector<16xi32>
      %sub3A_348 = arith.constant 1597463007 : i32
      %sub3A_349 = vector.broadcast %sub3A_348 : i32 to vector<16xi32>
      %sub3A_350 = arith.subi %sub3A_349, %shift_right_logical3A_347 : vector<16xi32>
      %bitcast3A_351 = vector.bitcast %sub3A_350 : vector<16xi32> to vector<16xf32>
      %mul3A_352 = arith.constant 5.000000e-01 : f32
      %mul3A_353 = vector.broadcast %mul3A_352 : f32 to vector<16xf32>
      %mul3A_354 = arith.mulf %mul3A_353, %add3A_345 : vector<16xf32>
      %mul3A_355 = arith.mulf %mul3A_354, %bitcast3A_351 : vector<16xf32>
      %mul3A_356 = arith.mulf %mul3A_355, %bitcast3A_351 : vector<16xf32>
      %sub3A_357 = arith.constant 1.500000e+00 : f32
      %sub3A_358 = vector.broadcast %sub3A_357 : f32 to vector<16xf32>
      %sub3A_359 = arith.subf %sub3A_358, %mul3A_356 : vector<16xf32>
      %mul3A_360 = arith.mulf %bitcast3A_351, %sub3A_359 : vector<16xf32>
      %mul3A_361 = arith.constant 5.000000e-01 : f32
      %mul3A_362 = vector.broadcast %mul3A_361 : f32 to vector<16xf32>
      %mul3A_363 = arith.mulf %mul3A_362, %add3A_345 : vector<16xf32>
      %mul3A_364 = arith.mulf %mul3A_363, %mul3A_360 : vector<16xf32>
      %mul3A_365 = arith.mulf %mul3A_364, %mul3A_360 : vector<16xf32>
      %sub3A_366 = arith.constant 1.500000e+00 : f32
      %sub3A_367 = vector.broadcast %sub3A_366 : f32 to vector<16xf32>
      %sub3A_368 = arith.subf %sub3A_367, %mul3A_365 : vector<16xf32>
      %mul3A_369 = arith.mulf %mul3A_360, %sub3A_368 : vector<16xf32>
      %mul3A_370 = arith.constant 5.000000e-01 : f32
      %mul3A_371 = vector.broadcast %mul3A_370 : f32 to vector<16xf32>
      %mul3A_372 = arith.mulf %mul3A_371, %add3A_345 : vector<16xf32>
      %mul3A_373 = arith.mulf %mul3A_372, %mul3A_369 : vector<16xf32>
      %mul3A_374 = arith.mulf %mul3A_373, %mul3A_369 : vector<16xf32>
      %sub3A_375 = arith.constant 1.500000e+00 : f32
      %sub3A_376 = vector.broadcast %sub3A_375 : f32 to vector<16xf32>
      %sub3A_377 = arith.subf %sub3A_376, %mul3A_374 : vector<16xf32>
      %mul3A_378 = arith.mulf %mul3A_369, %sub3A_377 : vector<16xf32>
      %mul3A_379 = arith.mulf %add3A_345, %mul3A_378 : vector<16xf32>
      %swap3A = arith.index_cast %mul3A_312 : i32 to index
      %swap3A_380 = tpu.vector_load %arg13[%swap3A] {strides = array<i32>} : memref<2000xf32, #tpu.memory_space<vmem>>, vector<16xf32>,
      tpu.vector_store %arg13[%swap3A], %mul3A_379 {strides = array<i32>} : memref<2000xf32, #tpu.memory_space<vmem>>, vector<16xf32>,
      %min3A = arith.constant 1.000000e+02 : f32
      %min3A_381 = vector.broadcast %min3A : f32 to vector<16xf32>
      %min3A_382 = arith.minimumf %add3A_345, %min3A_381 : vector<16xf32>
      %mul3A_383 = arith.constant 0.0986960455 : f32
      %mul3A_384 = vector.broadcast %mul3A_383 : f32 to vector<16xf32>
      %mul3A_385 = arith.mulf %mul3A_384, %min3A_382 : vector<16xf32>
      %broadcast_in_dim3A = arith.constant 1.7243752E-9 : f32
      %broadcast_in_dim3A_386 = vector.broadcast %broadcast_in_dim3A : f32 to vector<16xf32>
      %mul3A_387 = arith.mulf %broadcast_in_dim3A_386, %mul3A_385 : vector<16xf32>
      %add3A_388 = arith.constant -2.70754498E-7 : f32
      %add3A_389 = vector.broadcast %add3A_388 : f32 to vector<16xf32>
      %add3A_390 = arith.addf %mul3A_387, %add3A_389 : vector<16xf32>
      %mul3A_391 = arith.mulf %add3A_390, %mul3A_385 : vector<16xf32>
      %add3A_392 = arith.constant 2.47690532E-5 : f32
      %add3A_393 = vector.broadcast %add3A_392 : f32 to vector<16xf32>
      %add3A_394 = arith.addf %mul3A_391, %add3A_393 : vector<16xf32>
      %mul3A_395 = arith.mulf %add3A_394, %mul3A_385 : vector<16xf32>
      %add3A_396 = arith.constant -0.00138877321 : f32
      %add3A_397 = vector.broadcast %add3A_396 : f32 to vector<16xf32>
      %add3A_398 = arith.addf %mul3A_395, %add3A_397 : vector<16xf32>
      %mul3A_399 = arith.mulf %add3A_398, %mul3A_385 : vector<16xf32>
      %add3A_400 = arith.constant 0.041666463 : f32
      %add3A_401 = vector.broadcast %add3A_400 : f32 to vector<16xf32>
      %add3A_402 = arith.addf %mul3A_399, %add3A_401 : vector<16xf32>
      %mul3A_403 = arith.mulf %add3A_402, %mul3A_385 : vector<16xf32>
      %add3A_404 = arith.constant -0.499999851 : f32
      %add3A_405 = vector.broadcast %add3A_404 : f32 to vector<16xf32>
      %add3A_406 = arith.addf %mul3A_403, %add3A_405 : vector<16xf32>
      %mul3A_407 = arith.mulf %add3A_406, %mul3A_385 : vector<16xf32>
      %add3A_408 = arith.constant 1.000000e+00 : f32
      %add3A_409 = vector.broadcast %add3A_408 : f32 to vector<16xf32>
      %add3A_410 = arith.addf %mul3A_407, %add3A_409 : vector<16xf32>
      %lt3A = arith.constant 1.000000e+02 : f32
      %lt3A_411 = vector.broadcast %lt3A : f32 to vector<16xf32>
      %lt3A_412 = arith.cmpf olt, %add3A_345, %lt3A_411 : vector<16xf32>
      %add3A_413 = arith.constant 1.000000e+00 : f32
      %add3A_414 = vector.broadcast %add3A_413 : f32 to vector<16xf32>
      %add3A_415 = arith.addf %add3A_410, %add3A_414 : vector<16xf32>
      %mul3A_416 = arith.constant 5.000000e-01 : f32
      %mul3A_417 = vector.broadcast %mul3A_416 : f32 to vector<16xf32>
      %mul3A_418 = arith.mulf %mul3A_417, %add3A_415 : vector<16xf32>
      %jit3A = arith.constant 0.000000e+00 : f32
      %broadcast_in_dim3A_419 = vector.broadcast %jit3A : f32 to vector<16xf32>
      %select_n3A = arith.select %lt3A_412, %mul3A_418, %broadcast_in_dim3A_419 : vector<16xi1>, vector<16xf32>
      %swap3A_420 = arith.index_cast %mul3A_312 : i32 to index
      %swap3A_421 = tpu.vector_load %arg14[%swap3A_420] {strides = array<i32>} : memref<2000xf32, #tpu.memory_space<vmem>>, vector<16xf32>,
      tpu.vector_store %arg14[%swap3A_420], %select_n3A {strides = array<i32>} : memref<2000xf32, #tpu.memory_space<vmem>>, vector<16xf32>,
      %mul3A_422 = arith.constant -5.000000e-01 : f32
      %mul3A_423 = vector.broadcast %mul3A_422 : f32 to vector<16xf32>
      %mul3A_424 = arith.mulf %mul3A_423, %mul3A_379 : vector<16xf32>
      %exp3A = math.exp %mul3A_424 : vector<16xf32>
      %swap3A_425 = arith.index_cast %mul3A_312 : i32 to index
      %swap3A_426 = tpu.vector_load %arg15[%swap3A_425] {strides = array<i32>} : memref<2000xf32, #tpu.memory_space<vmem>>, vector<16xf32>,
      tpu.vector_store %arg15[%swap3A_425], %exp3A {strides = array<i32>} : memref<2000xf32, #tpu.memory_space<vmem>>, vector<16xf32>,
      %mul3A_427 = arith.constant 3 : i32
      %mul3A_428 = arith.muli %mul3A_312, %mul3A_427 : i32
      %mul3A_429 = arith.constant 3 : i32
      %mul3A_430 = vector.broadcast %mul3A_429 : i32 to vector<16xi32>
      %mul3A_431 = arith.muli %iota3A, %mul3A_430 : vector<16xi32>
      %add3A_432 = vector.broadcast %mul3A_428 : i32 to vector<16xi32>
      %add3A_433 = arith.addi %add3A_432, %mul3A_431 : vector<16xi32>
      %mul3A_434 = arith.mulf %sub3A, %mul3A_378 : vector<16xf32>
      tpu.vector_store_idx %arg16[%add3A_433], %mul3A_434 : memref<6000xf32, #tpu.memory_space<vmem>>[vector<16xi32>], vector<16xf32>,
      %add3A_435 = arith.constant 1 : i32
      %add3A_436 = vector.broadcast %add3A_435 : i32 to vector<16xi32>
      %add3A_437 = arith.addi %add3A_433, %add3A_436 : vector<16xi32>
      %mul3A_438 = arith.mulf %sub3A_331, %mul3A_378 : vector<16xf32>
      tpu.vector_store_idx %arg16[%add3A_437], %mul3A_438 : memref<6000xf32, #tpu.memory_space<vmem>>[vector<16xi32>], vector<16xf32>,
      %add3A_439 = arith.constant 2 : i32
      %add3A_440 = vector.broadcast %add3A_439 : i32 to vector<16xi32>
      %add3A_441 = arith.addi %add3A_433, %add3A_440 : vector<16xi32>
      %mul3A_442 = arith.mulf %sub3A_340, %mul3A_378 : vector<16xf32>
      tpu.vector_store_idx %arg16[%add3A_441], %mul3A_442 : memref<6000xf32, #tpu.memory_space<vmem>>[vector<16xi32>], vector<16xf32>,
    }
    %scan3A_131 = arith.constant 125 : i32
    %add3A_132 = arith.constant 4000 : i32
    %add3A_133 = arith.addi %mul3A_2, %add3A_132 : i32
    %mul3A_134 = arith.constant 5 : i32
    %mul3A_135 = arith.muli %add3A, %mul3A_134 : i32
    %add3A_136 = arith.constant 2 : i32
    %add3A_137 = arith.addi %mul3A_135, %add3A_136 : i32
    %dma_start3A_138 = tpu.memref_slice %arg5[%add3A_133] : memref<320000xf32, #tpu.memory_space<hbm>> -> memref<2000xf32, #tpu.memory_space<hbm>>
    %dma_start3A_139 = tpu.memref_slice %arg5[%add3A_133] : memref<320000xf32, #tpu.memory_space<hbm>> -> memref<2000xf32, #tpu.memory_space<hbm>>
    tpu.enqueue_dma source(%arg13 : memref<2000xf32, #tpu.memory_space<vmem>>) target(%dma_start3A_139 : memref<2000xf32, #tpu.memory_space<hbm>>) target_semaphore(%arg25 : memref<!tpu.dma_semaphore, #tpu.memory_space<semaphore_mem>>)
    %dma_start3A_140 = arith.constant 0 : i32
    %dma_start3A_141 = arith.constant 0 : i32
    %dma_start3A_142 = tpu.memref_slice %arg6[%add3A_137, %dma_start3A_140, %dma_start3A_141] : memref<160x1x2000xf32, #tpu.memory_space<hbm>> -> memref<1x1x2000xf32, #tpu.memory_space<hbm>>
    %dma_start3A_143 = tpu.memref_squeeze %dma_start3A_142 : memref<1x1x2000xf32, #tpu.memory_space<hbm>> -> memref<2000xf32, #tpu.memory_space<hbm>>
    %dma_start3A_144 = arith.constant 0 : i32
    %dma_start3A_145 = tpu.memref_slice %arg6[%add3A_137, %dma_start3A_140, %dma_start3A_144] : memref<160x1x2000xf32, #tpu.memory_space<hbm>> -> memref<1x1x2000xf32, #tpu.memory_space<hbm>>
    %dma_start3A_146 = tpu.memref_squeeze %dma_start3A_145 : memref<1x1x2000xf32, #tpu.memory_space<hbm>> -> memref<2000xf32, #tpu.memory_space<hbm>>
    tpu.enqueue_dma source(%arg14 : memref<2000xf32, #tpu.memory_space<vmem>>) target(%dma_start3A_146 : memref<2000xf32, #tpu.memory_space<hbm>>) target_semaphore(%arg25 : memref<!tpu.dma_semaphore, #tpu.memory_space<semaphore_mem>>)
    %dma_start3A_147 = arith.constant 0 : i32
    %dma_start3A_148 = arith.constant 0 : i32
    %dma_start3A_149 = tpu.memref_slice %arg7[%add3A_137, %dma_start3A_147, %dma_start3A_148] : memref<160x1x2000xf32, #tpu.memory_space<hbm>> -> memref<1x1x2000xf32, #tpu.memory_space<hbm>>
    %dma_start3A_150 = tpu.memref_squeeze %dma_start3A_149 : memref<1x1x2000xf32, #tpu.memory_space<hbm>> -> memref<2000xf32, #tpu.memory_space<hbm>>
    %dma_start3A_151 = arith.constant 0 : i32
    %dma_start3A_152 = tpu.memref_slice %arg7[%add3A_137, %dma_start3A_147, %dma_start3A_151] : memref<160x1x2000xf32, #tpu.memory_space<hbm>> -> memref<1x1x2000xf32, #tpu.memory_space<hbm>>
    %dma_start3A_153 = tpu.memref_squeeze %dma_start3A_152 : memref<1x1x2000xf32, #tpu.memory_space<hbm>> -> memref<2000xf32, #tpu.memory_space<hbm>>
    tpu.enqueue_dma source(%arg15 : memref<2000xf32, #tpu.memory_space<vmem>>) target(%dma_start3A_153 : memref<2000xf32, #tpu.memory_space<hbm>>) target_semaphore(%arg25 : memref<!tpu.dma_semaphore, #tpu.memory_space<semaphore_mem>>)
    %mul3A_154 = arith.constant 3 : i32
    %mul3A_155 = arith.muli %add3A_133, %mul3A_154 : i32
    %dma_start3A_156 = tpu.memref_slice %arg8[%mul3A_155] : memref<960000xf32, #tpu.memory_space<hbm>> -> memref<6000xf32, #tpu.memory_space<hbm>>
    %dma_start3A_157 = tpu.memref_slice %arg8[%mul3A_155] : memref<960000xf32, #tpu.memory_space<hbm>> -> memref<6000xf32, #tpu.memory_space<hbm>>
    tpu.enqueue_dma source(%arg16 : memref<6000xf32, #tpu.memory_space<vmem>>) target(%dma_start3A_157 : memref<6000xf32, #tpu.memory_space<hbm>>) target_semaphore(%arg25 : memref<!tpu.dma_semaphore, #tpu.memory_space<semaphore_mem>>)
    %add3A_158 = arith.constant 8000 : i32
    %add3A_159 = arith.addi %mul3A_2, %add3A_158 : i32
    %dma_start3A_160 = tpu.memref_slice %arg2[%add3A_159] : memref<640000xi32, #tpu.memory_space<hbm>> -> memref<2000xi32, #tpu.memory_space<hbm>>
    %dma_start3A_161 = tpu.memref_slice %arg2[%add3A_159] : memref<640000xi32, #tpu.memory_space<hbm>> -> memref<2000xi32, #tpu.memory_space<hbm>>
    tpu.enqueue_dma source(%dma_start3A_161 : memref<2000xi32, #tpu.memory_space<hbm>>) target(%arg11 : memref<2000xi32, #tpu.memory_space<vmem>>) target_semaphore(%arg23 : memref<!tpu.dma_semaphore, #tpu.memory_space<semaphore_mem>>)
    %add3A_162 = arith.constant 320000 : i32
    %add3A_163 = arith.addi %add3A_162, %add3A_159 : i32
    %dma_start3A_164 = tpu.memref_slice %arg2[%add3A_163] : memref<640000xi32, #tpu.memory_space<hbm>> -> memref<2000xi32, #tpu.memory_space<hbm>>
    %dma_start3A_165 = tpu.memref_slice %arg2[%add3A_163] : memref<640000xi32, #tpu.memory_space<hbm>> -> memref<2000xi32, #tpu.memory_space<hbm>>
    tpu.enqueue_dma source(%dma_start3A_165 : memref<2000xi32, #tpu.memory_space<hbm>>) target(%arg12 : memref<2000xi32, #tpu.memory_space<vmem>>) target_semaphore(%arg23 : memref<!tpu.dma_semaphore, #tpu.memory_space<semaphore_mem>>)
    %dma_wait3A_166 = tpu.memref_slice %arg2[%add3A_97] : memref<640000xi32, #tpu.memory_space<hbm>> -> memref<2000xi32, #tpu.memory_space<hbm>>
    %dma_wait3A_167 = tpu.memref_slice %arg2[%add3A_97] : memref<640000xi32, #tpu.memory_space<hbm>> -> memref<2000xi32, #tpu.memory_space<hbm>>
    tpu.wait_dma2 semaphore(%arg24 : memref<!tpu.dma_semaphore, #tpu.memory_space<semaphore_mem>>) src(%dma_wait3A_167 : memref<2000xi32, #tpu.memory_space<hbm>>) dst(%arg17 : memref<2000xi32, #tpu.memory_space<vmem>>)
    %dma_wait3A_168 = tpu.memref_slice %arg2[%add3A_101] : memref<640000xi32, #tpu.memory_space<hbm>> -> memref<2000xi32, #tpu.memory_space<hbm>>
    %dma_wait3A_169 = tpu.memref_slice %arg2[%add3A_101] : memref<640000xi32, #tpu.memory_space<hbm>> -> memref<2000xi32, #tpu.memory_space<hbm>>
    tpu.wait_dma2 semaphore(%arg24 : memref<!tpu.dma_semaphore, #tpu.memory_space<semaphore_mem>>) src(%dma_wait3A_169 : memref<2000xi32, #tpu.memory_space<hbm>>) dst(%arg18 : memref<2000xi32, #tpu.memory_space<vmem>>)
    %dma_wait3A_170 = tpu.memref_slice %arg5[%add3A_71] : memref<320000xf32, #tpu.memory_space<hbm>> -> memref<2000xf32, #tpu.memory_space<hbm>>
    %dma_wait3A_171 = tpu.memref_slice %arg5[%add3A_71] : memref<320000xf32, #tpu.memory_space<hbm>> -> memref<2000xf32, #tpu.memory_space<hbm>>
    tpu.wait_dma2 semaphore(%arg26 : memref<!tpu.dma_semaphore, #tpu.memory_space<semaphore_mem>>) src(%arg19 : memref<2000xf32, #tpu.memory_space<vmem>>) dst(%dma_wait3A_171 : memref<2000xf32, #tpu.memory_space<hbm>>)
    %dma_wait3A_172 = arith.constant 0 : i32
    %dma_wait3A_173 = arith.constant 0 : i32
    %dma_wait3A_174 = tpu.memref_slice %arg6[%add3A_75, %dma_wait3A_172, %dma_wait3A_173] : memref<160x1x2000xf32, #tpu.memory_space<hbm>> -> memref<1x1x2000xf32, #tpu.memory_space<hbm>>
    %dma_wait3A_175 = tpu.memref_squeeze %dma_wait3A_174 : memref<1x1x2000xf32, #tpu.memory_space<hbm>> -> memref<2000xf32, #tpu.memory_space<hbm>>
    %dma_wait3A_176 = arith.constant 0 : i32
    %dma_wait3A_177 = tpu.memref_slice %arg6[%add3A_75, %dma_wait3A_172, %dma_wait3A_176] : memref<160x1x2000xf32, #tpu.memory_space<hbm>> -> memref<1x1x2000xf32, #tpu.memory_space<hbm>>
    %dma_wait3A_178 = tpu.memref_squeeze %dma_wait3A_177 : memref<1x1x2000xf32, #tpu.memory_space<hbm>> -> memref<2000xf32, #tpu.memory_space<hbm>>
    tpu.wait_dma2 semaphore(%arg26 : memref<!tpu.dma_semaphore, #tpu.memory_space<semaphore_mem>>) src(%arg20 : memref<2000xf32, #tpu.memory_space<vmem>>) dst(%dma_wait3A_178 : memref<2000xf32, #tpu.memory_space<hbm>>)
    %dma_wait3A_179 = arith.constant 0 : i32
    %dma_wait3A_180 = arith.constant 0 : i32
    %dma_wait3A_181 = tpu.memref_slice %arg7[%add3A_75, %dma_wait3A_179, %dma_wait3A_180] : memref<160x1x2000xf32, #tpu.memory_space<hbm>> -> memref<1x1x2000xf32, #tpu.memory_space<hbm>>
    %dma_wait3A_182 = tpu.memref_squeeze %dma_wait3A_181 : memref<1x1x2000xf32, #tpu.memory_space<hbm>> -> memref<2000xf32, #tpu.memory_space<hbm>>
    %dma_wait3A_183 = arith.constant 0 : i32
    %dma_wait3A_184 = tpu.memref_slice %arg7[%add3A_75, %dma_wait3A_179, %dma_wait3A_183] : memref<160x1x2000xf32, #tpu.memory_space<hbm>> -> memref<1x1x2000xf32, #tpu.memory_space<hbm>>
    %dma_wait3A_185 = tpu.memref_squeeze %dma_wait3A_184 : memref<1x1x2000xf32, #tpu.memory_space<hbm>> -> memref<2000xf32, #tpu.memory_space<hbm>>
    tpu.wait_dma2 semaphore(%arg26 : memref<!tpu.dma_semaphore, #tpu.memory_space<semaphore_mem>>) src(%arg21 : memref<2000xf32, #tpu.memory_space<vmem>>) dst(%dma_wait3A_185 : memref<2000xf32, #tpu.memory_space<hbm>>)
    %dma_wait3A_186 = tpu.memref_slice %arg8[%mul3A_93] : memref<960000xf32, #tpu.memory_space<hbm>> -> memref<6000xf32, #tpu.memory_space<hbm>>
    %dma_wait3A_187 = tpu.memref_slice %arg8[%mul3A_93] : memref<960000xf32, #tpu.memory_space<hbm>> -> memref<6000xf32, #tpu.memory_space<hbm>>
    tpu.wait_dma2 semaphore(%arg26 : memref<!tpu.dma_semaphore, #tpu.memory_space<semaphore_mem>>) src(%arg22 : memref<6000xf32, #tpu.memory_space<vmem>>) dst(%dma_wait3A_187 : memref<6000xf32, #tpu.memory_space<hbm>>)
    %scan3A_188 = arith.constant 0 : i32
    %scan3A_189 = arith.constant 0 : i32
    %scan3A_190 = arith.constant 125 : i32
    %scan3A_191 = arith.addi %scan3A_189, %scan3A_190 : i32
    %scan3A_192 = arith.constant 1 : i32
    scf.for %scan3A_310 = %scan3A_189 to %scan3A_191 step %scan3A_192  : i32 {
      %mul3A_311 = arith.constant 16 : i32
      %mul3A_312 = arith.muli %scan3A_310, %mul3A_311 : i32
      %get3A = arith.index_cast %mul3A_312 : i32 to index
      %get3A_313 = tpu.vector_load %arg17[%get3A] {strides = array<i32>} : memref<2000xi32, #tpu.memory_space<vmem>>, vector<16xi32>,
      %mul3A_314 = arith.constant 3 : i32
      %mul3A_315 = vector.broadcast %mul3A_314 : i32 to vector<16xi32>
      %mul3A_316 = arith.muli %get3A_313, %mul3A_315 : vector<16xi32>
      %get3A_317 = arith.index_cast %mul3A_312 : i32 to index
      %get3A_318 = tpu.vector_load %arg18[%get3A_317] {strides = array<i32>} : memref<2000xi32, #tpu.memory_space<vmem>>, vector<16xi32>,
      %mul3A_319 = arith.constant 3 : i32
      %mul3A_320 = vector.broadcast %mul3A_319 : i32 to vector<16xi32>
      %mul3A_321 = arith.muli %get3A_318, %mul3A_320 : vector<16xi32>
      %gather3A = tpu.vector_load_idx %arg9[%mul3A_316] : memref<30000xf32, #tpu.memory_space<vmem>>[vector<16xi32>], vector<16xf32>,
      %gather3A_322 = tpu.vector_load_idx %arg10[%mul3A_321] : memref<30000xf32, #tpu.memory_space<vmem>>[vector<16xi32>], vector<16xf32>,
      %sub3A = arith.subf %gather3A, %gather3A_322 : vector<16xf32>
      %add3A_323 = arith.constant 1 : i32
      %add3A_324 = vector.broadcast %add3A_323 : i32 to vector<16xi32>
      %add3A_325 = arith.addi %mul3A_316, %add3A_324 : vector<16xi32>
      %gather3A_326 = tpu.vector_load_idx %arg9[%add3A_325] : memref<30000xf32, #tpu.memory_space<vmem>>[vector<16xi32>], vector<16xf32>,
      %add3A_327 = arith.constant 1 : i32
      %add3A_328 = vector.broadcast %add3A_327 : i32 to vector<16xi32>
      %add3A_329 = arith.addi %mul3A_321, %add3A_328 : vector<16xi32>
      %gather3A_330 = tpu.vector_load_idx %arg10[%add3A_329] : memref<30000xf32, #tpu.memory_space<vmem>>[vector<16xi32>], vector<16xf32>,
      %sub3A_331 = arith.subf %gather3A_326, %gather3A_330 : vector<16xf32>
      %add3A_332 = arith.constant 2 : i32
      %add3A_333 = vector.broadcast %add3A_332 : i32 to vector<16xi32>
      %add3A_334 = arith.addi %mul3A_316, %add3A_333 : vector<16xi32>
      %gather3A_335 = tpu.vector_load_idx %arg9[%add3A_334] : memref<30000xf32, #tpu.memory_space<vmem>>[vector<16xi32>], vector<16xf32>,
      %add3A_336 = arith.constant 2 : i32
      %add3A_337 = vector.broadcast %add3A_336 : i32 to vector<16xi32>
      %add3A_338 = arith.addi %mul3A_321, %add3A_337 : vector<16xi32>
      %gather3A_339 = tpu.vector_load_idx %arg10[%add3A_338] : memref<30000xf32, #tpu.memory_space<vmem>>[vector<16xi32>], vector<16xf32>,
      %sub3A_340 = arith.subf %gather3A_335, %gather3A_339 : vector<16xf32>
      %mul3A_341 = arith.mulf %sub3A, %sub3A : vector<16xf32>
      %mul3A_342 = arith.mulf %sub3A_331, %sub3A_331 : vector<16xf32>
      %add3A_343 = arith.addf %mul3A_341, %mul3A_342 : vector<16xf32>
      %mul3A_344 = arith.mulf %sub3A_340, %sub3A_340 : vector<16xf32>
      %add3A_345 = arith.addf %add3A_343, %mul3A_344 : vector<16xf32>
      %bitcast3A = vector.bitcast %add3A_345 : vector<16xf32> to vector<16xi32>
      %shift_right_logical3A = arith.constant 1 : i32
      %shift_right_logical3A_346 = vector.broadcast %shift_right_logical3A : i32 to vector<16xi32>
      %shift_right_logical3A_347 = arith.shrui %bitcast3A, %shift_right_logical3A_346 : vector<16xi32>
      %sub3A_348 = arith.constant 1597463007 : i32
      %sub3A_349 = vector.broadcast %sub3A_348 : i32 to vector<16xi32>
      %sub3A_350 = arith.subi %sub3A_349, %shift_right_logical3A_347 : vector<16xi32>
      %bitcast3A_351 = vector.bitcast %sub3A_350 : vector<16xi32> to vector<16xf32>
      %mul3A_352 = arith.constant 5.000000e-01 : f32
      %mul3A_353 = vector.broadcast %mul3A_352 : f32 to vector<16xf32>
      %mul3A_354 = arith.mulf %mul3A_353, %add3A_345 : vector<16xf32>
      %mul3A_355 = arith.mulf %mul3A_354, %bitcast3A_351 : vector<16xf32>
      %mul3A_356 = arith.mulf %mul3A_355, %bitcast3A_351 : vector<16xf32>
      %sub3A_357 = arith.constant 1.500000e+00 : f32
      %sub3A_358 = vector.broadcast %sub3A_357 : f32 to vector<16xf32>
      %sub3A_359 = arith.subf %sub3A_358, %mul3A_356 : vector<16xf32>
      %mul3A_360 = arith.mulf %bitcast3A_351, %sub3A_359 : vector<16xf32>
      %mul3A_361 = arith.constant 5.000000e-01 : f32
      %mul3A_362 = vector.broadcast %mul3A_361 : f32 to vector<16xf32>
      %mul3A_363 = arith.mulf %mul3A_362, %add3A_345 : vector<16xf32>
      %mul3A_364 = arith.mulf %mul3A_363, %mul3A_360 : vector<16xf32>
      %mul3A_365 = arith.mulf %mul3A_364, %mul3A_360 : vector<16xf32>
      %sub3A_366 = arith.constant 1.500000e+00 : f32
      %sub3A_367 = vector.broadcast %sub3A_366 : f32 to vector<16xf32>
      %sub3A_368 = arith.subf %sub3A_367, %mul3A_365 : vector<16xf32>
      %mul3A_369 = arith.mulf %mul3A_360, %sub3A_368 : vector<16xf32>
      %mul3A_370 = arith.constant 5.000000e-01 : f32
      %mul3A_371 = vector.broadcast %mul3A_370 : f32 to vector<16xf32>
      %mul3A_372 = arith.mulf %mul3A_371, %add3A_345 : vector<16xf32>
      %mul3A_373 = arith.mulf %mul3A_372, %mul3A_369 : vector<16xf32>
      %mul3A_374 = arith.mulf %mul3A_373, %mul3A_369 : vector<16xf32>
      %sub3A_375 = arith.constant 1.500000e+00 : f32
      %sub3A_376 = vector.broadcast %sub3A_375 : f32 to vector<16xf32>
      %sub3A_377 = arith.subf %sub3A_376, %mul3A_374 : vector<16xf32>
      %mul3A_378 = arith.mulf %mul3A_369, %sub3A_377 : vector<16xf32>
      %mul3A_379 = arith.mulf %add3A_345, %mul3A_378 : vector<16xf32>
      %swap3A = arith.index_cast %mul3A_312 : i32 to index
      %swap3A_380 = tpu.vector_load %arg19[%swap3A] {strides = array<i32>} : memref<2000xf32, #tpu.memory_space<vmem>>, vector<16xf32>,
      tpu.vector_store %arg19[%swap3A], %mul3A_379 {strides = array<i32>} : memref<2000xf32, #tpu.memory_space<vmem>>, vector<16xf32>,
      %min3A = arith.constant 1.000000e+02 : f32
      %min3A_381 = vector.broadcast %min3A : f32 to vector<16xf32>
      %min3A_382 = arith.minimumf %add3A_345, %min3A_381 : vector<16xf32>
      %mul3A_383 = arith.constant 0.0986960455 : f32
      %mul3A_384 = vector.broadcast %mul3A_383 : f32 to vector<16xf32>
      %mul3A_385 = arith.mulf %mul3A_384, %min3A_382 : vector<16xf32>
      %broadcast_in_dim3A = arith.constant 1.7243752E-9 : f32
      %broadcast_in_dim3A_386 = vector.broadcast %broadcast_in_dim3A : f32 to vector<16xf32>
      %mul3A_387 = arith.mulf %broadcast_in_dim3A_386, %mul3A_385 : vector<16xf32>
      %add3A_388 = arith.constant -2.70754498E-7 : f32
      %add3A_389 = vector.broadcast %add3A_388 : f32 to vector<16xf32>
      %add3A_390 = arith.addf %mul3A_387, %add3A_389 : vector<16xf32>
      %mul3A_391 = arith.mulf %add3A_390, %mul3A_385 : vector<16xf32>
      %add3A_392 = arith.constant 2.47690532E-5 : f32
      %add3A_393 = vector.broadcast %add3A_392 : f32 to vector<16xf32>
      %add3A_394 = arith.addf %mul3A_391, %add3A_393 : vector<16xf32>
      %mul3A_395 = arith.mulf %add3A_394, %mul3A_385 : vector<16xf32>
      %add3A_396 = arith.constant -0.00138877321 : f32
      %add3A_397 = vector.broadcast %add3A_396 : f32 to vector<16xf32>
      %add3A_398 = arith.addf %mul3A_395, %add3A_397 : vector<16xf32>
      %mul3A_399 = arith.mulf %add3A_398, %mul3A_385 : vector<16xf32>
      %add3A_400 = arith.constant 0.041666463 : f32
      %add3A_401 = vector.broadcast %add3A_400 : f32 to vector<16xf32>
      %add3A_402 = arith.addf %mul3A_399, %add3A_401 : vector<16xf32>
      %mul3A_403 = arith.mulf %add3A_402, %mul3A_385 : vector<16xf32>
      %add3A_404 = arith.constant -0.499999851 : f32
      %add3A_405 = vector.broadcast %add3A_404 : f32 to vector<16xf32>
      %add3A_406 = arith.addf %mul3A_403, %add3A_405 : vector<16xf32>
      %mul3A_407 = arith.mulf %add3A_406, %mul3A_385 : vector<16xf32>
      %add3A_408 = arith.constant 1.000000e+00 : f32
      %add3A_409 = vector.broadcast %add3A_408 : f32 to vector<16xf32>
      %add3A_410 = arith.addf %mul3A_407, %add3A_409 : vector<16xf32>
      %lt3A = arith.constant 1.000000e+02 : f32
      %lt3A_411 = vector.broadcast %lt3A : f32 to vector<16xf32>
      %lt3A_412 = arith.cmpf olt, %add3A_345, %lt3A_411 : vector<16xf32>
      %add3A_413 = arith.constant 1.000000e+00 : f32
      %add3A_414 = vector.broadcast %add3A_413 : f32 to vector<16xf32>
      %add3A_415 = arith.addf %add3A_410, %add3A_414 : vector<16xf32>
      %mul3A_416 = arith.constant 5.000000e-01 : f32
      %mul3A_417 = vector.broadcast %mul3A_416 : f32 to vector<16xf32>
      %mul3A_418 = arith.mulf %mul3A_417, %add3A_415 : vector<16xf32>
      %jit3A = arith.constant 0.000000e+00 : f32
      %broadcast_in_dim3A_419 = vector.broadcast %jit3A : f32 to vector<16xf32>
      %select_n3A = arith.select %lt3A_412, %mul3A_418, %broadcast_in_dim3A_419 : vector<16xi1>, vector<16xf32>
      %swap3A_420 = arith.index_cast %mul3A_312 : i32 to index
      %swap3A_421 = tpu.vector_load %arg20[%swap3A_420] {strides = array<i32>} : memref<2000xf32, #tpu.memory_space<vmem>>, vector<16xf32>,
      tpu.vector_store %arg20[%swap3A_420], %select_n3A {strides = array<i32>} : memref<2000xf32, #tpu.memory_space<vmem>>, vector<16xf32>,
      %mul3A_422 = arith.constant -5.000000e-01 : f32
      %mul3A_423 = vector.broadcast %mul3A_422 : f32 to vector<16xf32>
      %mul3A_424 = arith.mulf %mul3A_423, %mul3A_379 : vector<16xf32>
      %exp3A = math.exp %mul3A_424 : vector<16xf32>
      %swap3A_425 = arith.index_cast %mul3A_312 : i32 to index
      %swap3A_426 = tpu.vector_load %arg21[%swap3A_425] {strides = array<i32>} : memref<2000xf32, #tpu.memory_space<vmem>>, vector<16xf32>,
      tpu.vector_store %arg21[%swap3A_425], %exp3A {strides = array<i32>} : memref<2000xf32, #tpu.memory_space<vmem>>, vector<16xf32>,
      %mul3A_427 = arith.constant 3 : i32
      %mul3A_428 = arith.muli %mul3A_312, %mul3A_427 : i32
      %mul3A_429 = arith.constant 3 : i32
      %mul3A_430 = vector.broadcast %mul3A_429 : i32 to vector<16xi32>
      %mul3A_431 = arith.muli %iota3A, %mul3A_430 : vector<16xi32>
      %add3A_432 = vector.broadcast %mul3A_428 : i32 to vector<16xi32>
      %add3A_433 = arith.addi %add3A_432, %mul3A_431 : vector<16xi32>
      %mul3A_434 = arith.mulf %sub3A, %mul3A_378 : vector<16xf32>
      tpu.vector_store_idx %arg22[%add3A_433], %mul3A_434 : memref<6000xf32, #tpu.memory_space<vmem>>[vector<16xi32>], vector<16xf32>,
      %add3A_435 = arith.constant 1 : i32
      %add3A_436 = vector.broadcast %add3A_435 : i32 to vector<16xi32>
      %add3A_437 = arith.addi %add3A_433, %add3A_436 : vector<16xi32>
      %mul3A_438 = arith.mulf %sub3A_331, %mul3A_378 : vector<16xf32>
      tpu.vector_store_idx %arg22[%add3A_437], %mul3A_438 : memref<6000xf32, #tpu.memory_space<vmem>>[vector<16xi32>], vector<16xf32>,
      %add3A_439 = arith.constant 2 : i32
      %add3A_440 = vector.broadcast %add3A_439 : i32 to vector<16xi32>
      %add3A_441 = arith.addi %add3A_433, %add3A_440 : vector<16xi32>
      %mul3A_442 = arith.mulf %sub3A_340, %mul3A_378 : vector<16xf32>
      tpu.vector_store_idx %arg22[%add3A_441], %mul3A_442 : memref<6000xf32, #tpu.memory_space<vmem>>[vector<16xi32>], vector<16xf32>,
    }
    %scan3A_193 = arith.constant 125 : i32
    %add3A_194 = arith.constant 6000 : i32
    %add3A_195 = arith.addi %mul3A_2, %add3A_194 : i32
    %mul3A_196 = arith.constant 5 : i32
    %mul3A_197 = arith.muli %add3A, %mul3A_196 : i32
    %add3A_198 = arith.constant 3 : i32
    %add3A_199 = arith.addi %mul3A_197, %add3A_198 : i32
    %dma_start3A_200 = tpu.memref_slice %arg5[%add3A_195] : memref<320000xf32, #tpu.memory_space<hbm>> -> memref<2000xf32, #tpu.memory_space<hbm>>
    %dma_start3A_201 = tpu.memref_slice %arg5[%add3A_195] : memref<320000xf32, #tpu.memory_space<hbm>> -> memref<2000xf32, #tpu.memory_space<hbm>>
    tpu.enqueue_dma source(%arg19 : memref<2000xf32, #tpu.memory_space<vmem>>) target(%dma_start3A_201 : memref<2000xf32, #tpu.memory_space<hbm>>) target_semaphore(%arg26 : memref<!tpu.dma_semaphore, #tpu.memory_space<semaphore_mem>>)
    %dma_start3A_202 = arith.constant 0 : i32
    %dma_start3A_203 = arith.constant 0 : i32
    %dma_start3A_204 = tpu.memref_slice %arg6[%add3A_199, %dma_start3A_202, %dma_start3A_203] : memref<160x1x2000xf32, #tpu.memory_space<hbm>> -> memref<1x1x2000xf32, #tpu.memory_space<hbm>>
    %dma_start3A_205 = tpu.memref_squeeze %dma_start3A_204 : memref<1x1x2000xf32, #tpu.memory_space<hbm>> -> memref<2000xf32, #tpu.memory_space<hbm>>
    %dma_start3A_206 = arith.constant 0 : i32
    %dma_start3A_207 = tpu.memref_slice %arg6[%add3A_199, %dma_start3A_202, %dma_start3A_206] : memref<160x1x2000xf32, #tpu.memory_space<hbm>> -> memref<1x1x2000xf32, #tpu.memory_space<hbm>>
    %dma_start3A_208 = tpu.memref_squeeze %dma_start3A_207 : memref<1x1x2000xf32, #tpu.memory_space<hbm>> -> memref<2000xf32, #tpu.memory_space<hbm>>
    tpu.enqueue_dma source(%arg20 : memref<2000xf32, #tpu.memory_space<vmem>>) target(%dma_start3A_208 : memref<2000xf32, #tpu.memory_space<hbm>>) target_semaphore(%arg26 : memref<!tpu.dma_semaphore, #tpu.memory_space<semaphore_mem>>)
    %dma_start3A_209 = arith.constant 0 : i32
    %dma_start3A_210 = arith.constant 0 : i32
    %dma_start3A_211 = tpu.memref_slice %arg7[%add3A_199, %dma_start3A_209, %dma_start3A_210] : memref<160x1x2000xf32, #tpu.memory_space<hbm>> -> memref<1x1x2000xf32, #tpu.memory_space<hbm>>
    %dma_start3A_212 = tpu.memref_squeeze %dma_start3A_211 : memref<1x1x2000xf32, #tpu.memory_space<hbm>> -> memref<2000xf32, #tpu.memory_space<hbm>>
    %dma_start3A_213 = arith.constant 0 : i32
    %dma_start3A_214 = tpu.memref_slice %arg7[%add3A_199, %dma_start3A_209, %dma_start3A_213] : memref<160x1x2000xf32, #tpu.memory_space<hbm>> -> memref<1x1x2000xf32, #tpu.memory_space<hbm>>
    %dma_start3A_215 = tpu.memref_squeeze %dma_start3A_214 : memref<1x1x2000xf32, #tpu.memory_space<hbm>> -> memref<2000xf32, #tpu.memory_space<hbm>>
    tpu.enqueue_dma source(%arg21 : memref<2000xf32, #tpu.memory_space<vmem>>) target(%dma_start3A_215 : memref<2000xf32, #tpu.memory_space<hbm>>) target_semaphore(%arg26 : memref<!tpu.dma_semaphore, #tpu.memory_space<semaphore_mem>>)
    %mul3A_216 = arith.constant 3 : i32
    %mul3A_217 = arith.muli %add3A_195, %mul3A_216 : i32
    %dma_start3A_218 = tpu.memref_slice %arg8[%mul3A_217] : memref<960000xf32, #tpu.memory_space<hbm>> -> memref<6000xf32, #tpu.memory_space<hbm>>
    %dma_start3A_219 = tpu.memref_slice %arg8[%mul3A_217] : memref<960000xf32, #tpu.memory_space<hbm>> -> memref<6000xf32, #tpu.memory_space<hbm>>
    tpu.enqueue_dma source(%arg22 : memref<6000xf32, #tpu.memory_space<vmem>>) target(%dma_start3A_219 : memref<6000xf32, #tpu.memory_space<hbm>>) target_semaphore(%arg26 : memref<!tpu.dma_semaphore, #tpu.memory_space<semaphore_mem>>)
    %dma_wait3A_220 = tpu.memref_slice %arg2[%add3A_159] : memref<640000xi32, #tpu.memory_space<hbm>> -> memref<2000xi32, #tpu.memory_space<hbm>>
    %dma_wait3A_221 = tpu.memref_slice %arg2[%add3A_159] : memref<640000xi32, #tpu.memory_space<hbm>> -> memref<2000xi32, #tpu.memory_space<hbm>>
    tpu.wait_dma2 semaphore(%arg23 : memref<!tpu.dma_semaphore, #tpu.memory_space<semaphore_mem>>) src(%dma_wait3A_221 : memref<2000xi32, #tpu.memory_space<hbm>>) dst(%arg11 : memref<2000xi32, #tpu.memory_space<vmem>>)
    %dma_wait3A_222 = tpu.memref_slice %arg2[%add3A_163] : memref<640000xi32, #tpu.memory_space<hbm>> -> memref<2000xi32, #tpu.memory_space<hbm>>
    %dma_wait3A_223 = tpu.memref_slice %arg2[%add3A_163] : memref<640000xi32, #tpu.memory_space<hbm>> -> memref<2000xi32, #tpu.memory_space<hbm>>
    tpu.wait_dma2 semaphore(%arg23 : memref<!tpu.dma_semaphore, #tpu.memory_space<semaphore_mem>>) src(%dma_wait3A_223 : memref<2000xi32, #tpu.memory_space<hbm>>) dst(%arg12 : memref<2000xi32, #tpu.memory_space<vmem>>)
    %dma_wait3A_224 = tpu.memref_slice %arg5[%add3A_133] : memref<320000xf32, #tpu.memory_space<hbm>> -> memref<2000xf32, #tpu.memory_space<hbm>>
    %dma_wait3A_225 = tpu.memref_slice %arg5[%add3A_133] : memref<320000xf32, #tpu.memory_space<hbm>> -> memref<2000xf32, #tpu.memory_space<hbm>>
    tpu.wait_dma2 semaphore(%arg25 : memref<!tpu.dma_semaphore, #tpu.memory_space<semaphore_mem>>) src(%arg13 : memref<2000xf32, #tpu.memory_space<vmem>>) dst(%dma_wait3A_225 : memref<2000xf32, #tpu.memory_space<hbm>>)
    %dma_wait3A_226 = arith.constant 0 : i32
    %dma_wait3A_227 = arith.constant 0 : i32
    %dma_wait3A_228 = tpu.memref_slice %arg6[%add3A_137, %dma_wait3A_226, %dma_wait3A_227] : memref<160x1x2000xf32, #tpu.memory_space<hbm>> -> memref<1x1x2000xf32, #tpu.memory_space<hbm>>
    %dma_wait3A_229 = tpu.memref_squeeze %dma_wait3A_228 : memref<1x1x2000xf32, #tpu.memory_space<hbm>> -> memref<2000xf32, #tpu.memory_space<hbm>>
    %dma_wait3A_230 = arith.constant 0 : i32
    %dma_wait3A_231 = tpu.memref_slice %arg6[%add3A_137, %dma_wait3A_226, %dma_wait3A_230] : memref<160x1x2000xf32, #tpu.memory_space<hbm>> -> memref<1x1x2000xf32, #tpu.memory_space<hbm>>
    %dma_wait3A_232 = tpu.memref_squeeze %dma_wait3A_231 : memref<1x1x2000xf32, #tpu.memory_space<hbm>> -> memref<2000xf32, #tpu.memory_space<hbm>>
    tpu.wait_dma2 semaphore(%arg25 : memref<!tpu.dma_semaphore, #tpu.memory_space<semaphore_mem>>) src(%arg14 : memref<2000xf32, #tpu.memory_space<vmem>>) dst(%dma_wait3A_232 : memref<2000xf32, #tpu.memory_space<hbm>>)
    %dma_wait3A_233 = arith.constant 0 : i32
    %dma_wait3A_234 = arith.constant 0 : i32
    %dma_wait3A_235 = tpu.memref_slice %arg7[%add3A_137, %dma_wait3A_233, %dma_wait3A_234] : memref<160x1x2000xf32, #tpu.memory_space<hbm>> -> memref<1x1x2000xf32, #tpu.memory_space<hbm>>
    %dma_wait3A_236 = tpu.memref_squeeze %dma_wait3A_235 : memref<1x1x2000xf32, #tpu.memory_space<hbm>> -> memref<2000xf32, #tpu.memory_space<hbm>>
    %dma_wait3A_237 = arith.constant 0 : i32
    %dma_wait3A_238 = tpu.memref_slice %arg7[%add3A_137, %dma_wait3A_233, %dma_wait3A_237] : memref<160x1x2000xf32, #tpu.memory_space<hbm>> -> memref<1x1x2000xf32, #tpu.memory_space<hbm>>
    %dma_wait3A_239 = tpu.memref_squeeze %dma_wait3A_238 : memref<1x1x2000xf32, #tpu.memory_space<hbm>> -> memref<2000xf32, #tpu.memory_space<hbm>>
    tpu.wait_dma2 semaphore(%arg25 : memref<!tpu.dma_semaphore, #tpu.memory_space<semaphore_mem>>) src(%arg15 : memref<2000xf32, #tpu.memory_space<vmem>>) dst(%dma_wait3A_239 : memref<2000xf32, #tpu.memory_space<hbm>>)
    %dma_wait3A_240 = tpu.memref_slice %arg8[%mul3A_155] : memref<960000xf32, #tpu.memory_space<hbm>> -> memref<6000xf32, #tpu.memory_space<hbm>>
    %dma_wait3A_241 = tpu.memref_slice %arg8[%mul3A_155] : memref<960000xf32, #tpu.memory_space<hbm>> -> memref<6000xf32, #tpu.memory_space<hbm>>
    tpu.wait_dma2 semaphore(%arg25 : memref<!tpu.dma_semaphore, #tpu.memory_space<semaphore_mem>>) src(%arg16 : memref<6000xf32, #tpu.memory_space<vmem>>) dst(%dma_wait3A_241 : memref<6000xf32, #tpu.memory_space<hbm>>)
    %scan3A_242 = arith.constant 0 : i32
    %scan3A_243 = arith.constant 0 : i32
    %scan3A_244 = arith.constant 125 : i32
    %scan3A_245 = arith.addi %scan3A_243, %scan3A_244 : i32
    %scan3A_246 = arith.constant 1 : i32
    scf.for %scan3A_310 = %scan3A_243 to %scan3A_245 step %scan3A_246  : i32 {
      %mul3A_311 = arith.constant 16 : i32
      %mul3A_312 = arith.muli %scan3A_310, %mul3A_311 : i32
      %get3A = arith.index_cast %mul3A_312 : i32 to index
      %get3A_313 = tpu.vector_load %arg11[%get3A] {strides = array<i32>} : memref<2000xi32, #tpu.memory_space<vmem>>, vector<16xi32>,
      %mul3A_314 = arith.constant 3 : i32
      %mul3A_315 = vector.broadcast %mul3A_314 : i32 to vector<16xi32>
      %mul3A_316 = arith.muli %get3A_313, %mul3A_315 : vector<16xi32>
      %get3A_317 = arith.index_cast %mul3A_312 : i32 to index
      %get3A_318 = tpu.vector_load %arg12[%get3A_317] {strides = array<i32>} : memref<2000xi32, #tpu.memory_space<vmem>>, vector<16xi32>,
      %mul3A_319 = arith.constant 3 : i32
      %mul3A_320 = vector.broadcast %mul3A_319 : i32 to vector<16xi32>
      %mul3A_321 = arith.muli %get3A_318, %mul3A_320 : vector<16xi32>
      %gather3A = tpu.vector_load_idx %arg9[%mul3A_316] : memref<30000xf32, #tpu.memory_space<vmem>>[vector<16xi32>], vector<16xf32>,
      %gather3A_322 = tpu.vector_load_idx %arg10[%mul3A_321] : memref<30000xf32, #tpu.memory_space<vmem>>[vector<16xi32>], vector<16xf32>,
      %sub3A = arith.subf %gather3A, %gather3A_322 : vector<16xf32>
      %add3A_323 = arith.constant 1 : i32
      %add3A_324 = vector.broadcast %add3A_323 : i32 to vector<16xi32>
      %add3A_325 = arith.addi %mul3A_316, %add3A_324 : vector<16xi32>
      %gather3A_326 = tpu.vector_load_idx %arg9[%add3A_325] : memref<30000xf32, #tpu.memory_space<vmem>>[vector<16xi32>], vector<16xf32>,
      %add3A_327 = arith.constant 1 : i32
      %add3A_328 = vector.broadcast %add3A_327 : i32 to vector<16xi32>
      %add3A_329 = arith.addi %mul3A_321, %add3A_328 : vector<16xi32>
      %gather3A_330 = tpu.vector_load_idx %arg10[%add3A_329] : memref<30000xf32, #tpu.memory_space<vmem>>[vector<16xi32>], vector<16xf32>,
      %sub3A_331 = arith.subf %gather3A_326, %gather3A_330 : vector<16xf32>
      %add3A_332 = arith.constant 2 : i32
      %add3A_333 = vector.broadcast %add3A_332 : i32 to vector<16xi32>
      %add3A_334 = arith.addi %mul3A_316, %add3A_333 : vector<16xi32>
      %gather3A_335 = tpu.vector_load_idx %arg9[%add3A_334] : memref<30000xf32, #tpu.memory_space<vmem>>[vector<16xi32>], vector<16xf32>,
      %add3A_336 = arith.constant 2 : i32
      %add3A_337 = vector.broadcast %add3A_336 : i32 to vector<16xi32>
      %add3A_338 = arith.addi %mul3A_321, %add3A_337 : vector<16xi32>
      %gather3A_339 = tpu.vector_load_idx %arg10[%add3A_338] : memref<30000xf32, #tpu.memory_space<vmem>>[vector<16xi32>], vector<16xf32>,
      %sub3A_340 = arith.subf %gather3A_335, %gather3A_339 : vector<16xf32>
      %mul3A_341 = arith.mulf %sub3A, %sub3A : vector<16xf32>
      %mul3A_342 = arith.mulf %sub3A_331, %sub3A_331 : vector<16xf32>
      %add3A_343 = arith.addf %mul3A_341, %mul3A_342 : vector<16xf32>
      %mul3A_344 = arith.mulf %sub3A_340, %sub3A_340 : vector<16xf32>
      %add3A_345 = arith.addf %add3A_343, %mul3A_344 : vector<16xf32>
      %bitcast3A = vector.bitcast %add3A_345 : vector<16xf32> to vector<16xi32>
      %shift_right_logical3A = arith.constant 1 : i32
      %shift_right_logical3A_346 = vector.broadcast %shift_right_logical3A : i32 to vector<16xi32>
      %shift_right_logical3A_347 = arith.shrui %bitcast3A, %shift_right_logical3A_346 : vector<16xi32>
      %sub3A_348 = arith.constant 1597463007 : i32
      %sub3A_349 = vector.broadcast %sub3A_348 : i32 to vector<16xi32>
      %sub3A_350 = arith.subi %sub3A_349, %shift_right_logical3A_347 : vector<16xi32>
      %bitcast3A_351 = vector.bitcast %sub3A_350 : vector<16xi32> to vector<16xf32>
      %mul3A_352 = arith.constant 5.000000e-01 : f32
      %mul3A_353 = vector.broadcast %mul3A_352 : f32 to vector<16xf32>
      %mul3A_354 = arith.mulf %mul3A_353, %add3A_345 : vector<16xf32>
      %mul3A_355 = arith.mulf %mul3A_354, %bitcast3A_351 : vector<16xf32>
      %mul3A_356 = arith.mulf %mul3A_355, %bitcast3A_351 : vector<16xf32>
      %sub3A_357 = arith.constant 1.500000e+00 : f32
      %sub3A_358 = vector.broadcast %sub3A_357 : f32 to vector<16xf32>
      %sub3A_359 = arith.subf %sub3A_358, %mul3A_356 : vector<16xf32>
      %mul3A_360 = arith.mulf %bitcast3A_351, %sub3A_359 : vector<16xf32>
      %mul3A_361 = arith.constant 5.000000e-01 : f32
      %mul3A_362 = vector.broadcast %mul3A_361 : f32 to vector<16xf32>
      %mul3A_363 = arith.mulf %mul3A_362, %add3A_345 : vector<16xf32>
      %mul3A_364 = arith.mulf %mul3A_363, %mul3A_360 : vector<16xf32>
      %mul3A_365 = arith.mulf %mul3A_364, %mul3A_360 : vector<16xf32>
      %sub3A_366 = arith.constant 1.500000e+00 : f32
      %sub3A_367 = vector.broadcast %sub3A_366 : f32 to vector<16xf32>
      %sub3A_368 = arith.subf %sub3A_367, %mul3A_365 : vector<16xf32>
      %mul3A_369 = arith.mulf %mul3A_360, %sub3A_368 : vector<16xf32>
      %mul3A_370 = arith.constant 5.000000e-01 : f32
      %mul3A_371 = vector.broadcast %mul3A_370 : f32 to vector<16xf32>
      %mul3A_372 = arith.mulf %mul3A_371, %add3A_345 : vector<16xf32>
      %mul3A_373 = arith.mulf %mul3A_372, %mul3A_369 : vector<16xf32>
      %mul3A_374 = arith.mulf %mul3A_373, %mul3A_369 : vector<16xf32>
      %sub3A_375 = arith.constant 1.500000e+00 : f32
      %sub3A_376 = vector.broadcast %sub3A_375 : f32 to vector<16xf32>
      %sub3A_377 = arith.subf %sub3A_376, %mul3A_374 : vector<16xf32>
      %mul3A_378 = arith.mulf %mul3A_369, %sub3A_377 : vector<16xf32>
      %mul3A_379 = arith.mulf %add3A_345, %mul3A_378 : vector<16xf32>
      %swap3A = arith.index_cast %mul3A_312 : i32 to index
      %swap3A_380 = tpu.vector_load %arg13[%swap3A] {strides = array<i32>} : memref<2000xf32, #tpu.memory_space<vmem>>, vector<16xf32>,
      tpu.vector_store %arg13[%swap3A], %mul3A_379 {strides = array<i32>} : memref<2000xf32, #tpu.memory_space<vmem>>, vector<16xf32>,
      %min3A = arith.constant 1.000000e+02 : f32
      %min3A_381 = vector.broadcast %min3A : f32 to vector<16xf32>
      %min3A_382 = arith.minimumf %add3A_345, %min3A_381 : vector<16xf32>
      %mul3A_383 = arith.constant 0.0986960455 : f32
      %mul3A_384 = vector.broadcast %mul3A_383 : f32 to vector<16xf32>
      %mul3A_385 = arith.mulf %mul3A_384, %min3A_382 : vector<16xf32>
      %broadcast_in_dim3A = arith.constant 1.7243752E-9 : f32
      %broadcast_in_dim3A_386 = vector.broadcast %broadcast_in_dim3A : f32 to vector<16xf32>
      %mul3A_387 = arith.mulf %broadcast_in_dim3A_386, %mul3A_385 : vector<16xf32>
      %add3A_388 = arith.constant -2.70754498E-7 : f32
      %add3A_389 = vector.broadcast %add3A_388 : f32 to vector<16xf32>
      %add3A_390 = arith.addf %mul3A_387, %add3A_389 : vector<16xf32>
      %mul3A_391 = arith.mulf %add3A_390, %mul3A_385 : vector<16xf32>
      %add3A_392 = arith.constant 2.47690532E-5 : f32
      %add3A_393 = vector.broadcast %add3A_392 : f32 to vector<16xf32>
      %add3A_394 = arith.addf %mul3A_391, %add3A_393 : vector<16xf32>
      %mul3A_395 = arith.mulf %add3A_394, %mul3A_385 : vector<16xf32>
      %add3A_396 = arith.constant -0.00138877321 : f32
      %add3A_397 = vector.broadcast %add3A_396 : f32 to vector<16xf32>
      %add3A_398 = arith.addf %mul3A_395, %add3A_397 : vector<16xf32>
      %mul3A_399 = arith.mulf %add3A_398, %mul3A_385 : vector<16xf32>
      %add3A_400 = arith.constant 0.041666463 : f32
      %add3A_401 = vector.broadcast %add3A_400 : f32 to vector<16xf32>
      %add3A_402 = arith.addf %mul3A_399, %add3A_401 : vector<16xf32>
      %mul3A_403 = arith.mulf %add3A_402, %mul3A_385 : vector<16xf32>
      %add3A_404 = arith.constant -0.499999851 : f32
      %add3A_405 = vector.broadcast %add3A_404 : f32 to vector<16xf32>
      %add3A_406 = arith.addf %mul3A_403, %add3A_405 : vector<16xf32>
      %mul3A_407 = arith.mulf %add3A_406, %mul3A_385 : vector<16xf32>
      %add3A_408 = arith.constant 1.000000e+00 : f32
      %add3A_409 = vector.broadcast %add3A_408 : f32 to vector<16xf32>
      %add3A_410 = arith.addf %mul3A_407, %add3A_409 : vector<16xf32>
      %lt3A = arith.constant 1.000000e+02 : f32
      %lt3A_411 = vector.broadcast %lt3A : f32 to vector<16xf32>
      %lt3A_412 = arith.cmpf olt, %add3A_345, %lt3A_411 : vector<16xf32>
      %add3A_413 = arith.constant 1.000000e+00 : f32
      %add3A_414 = vector.broadcast %add3A_413 : f32 to vector<16xf32>
      %add3A_415 = arith.addf %add3A_410, %add3A_414 : vector<16xf32>
      %mul3A_416 = arith.constant 5.000000e-01 : f32
      %mul3A_417 = vector.broadcast %mul3A_416 : f32 to vector<16xf32>
      %mul3A_418 = arith.mulf %mul3A_417, %add3A_415 : vector<16xf32>
      %jit3A = arith.constant 0.000000e+00 : f32
      %broadcast_in_dim3A_419 = vector.broadcast %jit3A : f32 to vector<16xf32>
      %select_n3A = arith.select %lt3A_412, %mul3A_418, %broadcast_in_dim3A_419 : vector<16xi1>, vector<16xf32>
      %swap3A_420 = arith.index_cast %mul3A_312 : i32 to index
      %swap3A_421 = tpu.vector_load %arg14[%swap3A_420] {strides = array<i32>} : memref<2000xf32, #tpu.memory_space<vmem>>, vector<16xf32>,
      tpu.vector_store %arg14[%swap3A_420], %select_n3A {strides = array<i32>} : memref<2000xf32, #tpu.memory_space<vmem>>, vector<16xf32>,
      %mul3A_422 = arith.constant -5.000000e-01 : f32
      %mul3A_423 = vector.broadcast %mul3A_422 : f32 to vector<16xf32>
      %mul3A_424 = arith.mulf %mul3A_423, %mul3A_379 : vector<16xf32>
      %exp3A = math.exp %mul3A_424 : vector<16xf32>
      %swap3A_425 = arith.index_cast %mul3A_312 : i32 to index
      %swap3A_426 = tpu.vector_load %arg15[%swap3A_425] {strides = array<i32>} : memref<2000xf32, #tpu.memory_space<vmem>>, vector<16xf32>,
      tpu.vector_store %arg15[%swap3A_425], %exp3A {strides = array<i32>} : memref<2000xf32, #tpu.memory_space<vmem>>, vector<16xf32>,
      %mul3A_427 = arith.constant 3 : i32
      %mul3A_428 = arith.muli %mul3A_312, %mul3A_427 : i32
      %mul3A_429 = arith.constant 3 : i32
      %mul3A_430 = vector.broadcast %mul3A_429 : i32 to vector<16xi32>
      %mul3A_431 = arith.muli %iota3A, %mul3A_430 : vector<16xi32>
      %add3A_432 = vector.broadcast %mul3A_428 : i32 to vector<16xi32>
      %add3A_433 = arith.addi %add3A_432, %mul3A_431 : vector<16xi32>
      %mul3A_434 = arith.mulf %sub3A, %mul3A_378 : vector<16xf32>
      tpu.vector_store_idx %arg16[%add3A_433], %mul3A_434 : memref<6000xf32, #tpu.memory_space<vmem>>[vector<16xi32>], vector<16xf32>,
      %add3A_435 = arith.constant 1 : i32
      %add3A_436 = vector.broadcast %add3A_435 : i32 to vector<16xi32>
      %add3A_437 = arith.addi %add3A_433, %add3A_436 : vector<16xi32>
      %mul3A_438 = arith.mulf %sub3A_331, %mul3A_378 : vector<16xf32>
      tpu.vector_store_idx %arg16[%add3A_437], %mul3A_438 : memref<6000xf32, #tpu.memory_space<vmem>>[vector<16xi32>], vector<16xf32>,
      %add3A_439 = arith.constant 2 : i32
      %add3A_440 = vector.broadcast %add3A_439 : i32 to vector<16xi32>
      %add3A_441 = arith.addi %add3A_433, %add3A_440 : vector<16xi32>
      %mul3A_442 = arith.mulf %sub3A_340, %mul3A_378 : vector<16xf32>
      tpu.vector_store_idx %arg16[%add3A_441], %mul3A_442 : memref<6000xf32, #tpu.memory_space<vmem>>[vector<16xi32>], vector<16xf32>,
    }
    %scan3A_247 = arith.constant 125 : i32
    %add3A_248 = arith.constant 8000 : i32
    %add3A_249 = arith.addi %mul3A_2, %add3A_248 : i32
    %mul3A_250 = arith.constant 5 : i32
    %mul3A_251 = arith.muli %add3A, %mul3A_250 : i32
    %add3A_252 = arith.constant 4 : i32
    %add3A_253 = arith.addi %mul3A_251, %add3A_252 : i32
    %dma_start3A_254 = tpu.memref_slice %arg5[%add3A_249] : memref<320000xf32, #tpu.memory_space<hbm>> -> memref<2000xf32, #tpu.memory_space<hbm>>
    %dma_start3A_255 = tpu.memref_slice %arg5[%add3A_249] : memref<320000xf32, #tpu.memory_space<hbm>> -> memref<2000xf32, #tpu.memory_space<hbm>>
    tpu.enqueue_dma source(%arg13 : memref<2000xf32, #tpu.memory_space<vmem>>) target(%dma_start3A_255 : memref<2000xf32, #tpu.memory_space<hbm>>) target_semaphore(%arg25 : memref<!tpu.dma_semaphore, #tpu.memory_space<semaphore_mem>>)
    %dma_start3A_256 = arith.constant 0 : i32
    %dma_start3A_257 = arith.constant 0 : i32
    %dma_start3A_258 = tpu.memref_slice %arg6[%add3A_253, %dma_start3A_256, %dma_start3A_257] : memref<160x1x2000xf32, #tpu.memory_space<hbm>> -> memref<1x1x2000xf32, #tpu.memory_space<hbm>>
    %dma_start3A_259 = tpu.memref_squeeze %dma_start3A_258 : memref<1x1x2000xf32, #tpu.memory_space<hbm>> -> memref<2000xf32, #tpu.memory_space<hbm>>
    %dma_start3A_260 = arith.constant 0 : i32
    %dma_start3A_261 = tpu.memref_slice %arg6[%add3A_253, %dma_start3A_256, %dma_start3A_260] : memref<160x1x2000xf32, #tpu.memory_space<hbm>> -> memref<1x1x2000xf32, #tpu.memory_space<hbm>>
    %dma_start3A_262 = tpu.memref_squeeze %dma_start3A_261 : memref<1x1x2000xf32, #tpu.memory_space<hbm>> -> memref<2000xf32, #tpu.memory_space<hbm>>
    tpu.enqueue_dma source(%arg14 : memref<2000xf32, #tpu.memory_space<vmem>>) target(%dma_start3A_262 : memref<2000xf32, #tpu.memory_space<hbm>>) target_semaphore(%arg25 : memref<!tpu.dma_semaphore, #tpu.memory_space<semaphore_mem>>)
    %dma_start3A_263 = arith.constant 0 : i32
    %dma_start3A_264 = arith.constant 0 : i32
    %dma_start3A_265 = tpu.memref_slice %arg7[%add3A_253, %dma_start3A_263, %dma_start3A_264] : memref<160x1x2000xf32, #tpu.memory_space<hbm>> -> memref<1x1x2000xf32, #tpu.memory_space<hbm>>
    %dma_start3A_266 = tpu.memref_squeeze %dma_start3A_265 : memref<1x1x2000xf32, #tpu.memory_space<hbm>> -> memref<2000xf32, #tpu.memory_space<hbm>>
    %dma_start3A_267 = arith.constant 0 : i32
    %dma_start3A_268 = tpu.memref_slice %arg7[%add3A_253, %dma_start3A_263, %dma_start3A_267] : memref<160x1x2000xf32, #tpu.memory_space<hbm>> -> memref<1x1x2000xf32, #tpu.memory_space<hbm>>
    %dma_start3A_269 = tpu.memref_squeeze %dma_start3A_268 : memref<1x1x2000xf32, #tpu.memory_space<hbm>> -> memref<2000xf32, #tpu.memory_space<hbm>>
    tpu.enqueue_dma source(%arg15 : memref<2000xf32, #tpu.memory_space<vmem>>) target(%dma_start3A_269 : memref<2000xf32, #tpu.memory_space<hbm>>) target_semaphore(%arg25 : memref<!tpu.dma_semaphore, #tpu.memory_space<semaphore_mem>>)
    %mul3A_270 = arith.constant 3 : i32
    %mul3A_271 = arith.muli %add3A_249, %mul3A_270 : i32
    %dma_start3A_272 = tpu.memref_slice %arg8[%mul3A_271] : memref<960000xf32, #tpu.memory_space<hbm>> -> memref<6000xf32, #tpu.memory_space<hbm>>
    %dma_start3A_273 = tpu.memref_slice %arg8[%mul3A_271] : memref<960000xf32, #tpu.memory_space<hbm>> -> memref<6000xf32, #tpu.memory_space<hbm>>
    tpu.enqueue_dma source(%arg16 : memref<6000xf32, #tpu.memory_space<vmem>>) target(%dma_start3A_273 : memref<6000xf32, #tpu.memory_space<hbm>>) target_semaphore(%arg25 : memref<!tpu.dma_semaphore, #tpu.memory_space<semaphore_mem>>)
    %dma_wait3A_274 = tpu.memref_slice %arg5[%add3A_195] : memref<320000xf32, #tpu.memory_space<hbm>> -> memref<2000xf32, #tpu.memory_space<hbm>>
    %dma_wait3A_275 = tpu.memref_slice %arg5[%add3A_195] : memref<320000xf32, #tpu.memory_space<hbm>> -> memref<2000xf32, #tpu.memory_space<hbm>>
    tpu.wait_dma2 semaphore(%arg26 : memref<!tpu.dma_semaphore, #tpu.memory_space<semaphore_mem>>) src(%arg19 : memref<2000xf32, #tpu.memory_space<vmem>>) dst(%dma_wait3A_275 : memref<2000xf32, #tpu.memory_space<hbm>>)
    %dma_wait3A_276 = arith.constant 0 : i32
    %dma_wait3A_277 = arith.constant 0 : i32
    %dma_wait3A_278 = tpu.memref_slice %arg6[%add3A_199, %dma_wait3A_276, %dma_wait3A_277] : memref<160x1x2000xf32, #tpu.memory_space<hbm>> -> memref<1x1x2000xf32, #tpu.memory_space<hbm>>
    %dma_wait3A_279 = tpu.memref_squeeze %dma_wait3A_278 : memref<1x1x2000xf32, #tpu.memory_space<hbm>> -> memref<2000xf32, #tpu.memory_space<hbm>>
    %dma_wait3A_280 = arith.constant 0 : i32
    %dma_wait3A_281 = tpu.memref_slice %arg6[%add3A_199, %dma_wait3A_276, %dma_wait3A_280] : memref<160x1x2000xf32, #tpu.memory_space<hbm>> -> memref<1x1x2000xf32, #tpu.memory_space<hbm>>
    %dma_wait3A_282 = tpu.memref_squeeze %dma_wait3A_281 : memref<1x1x2000xf32, #tpu.memory_space<hbm>> -> memref<2000xf32, #tpu.memory_space<hbm>>
    tpu.wait_dma2 semaphore(%arg26 : memref<!tpu.dma_semaphore, #tpu.memory_space<semaphore_mem>>) src(%arg20 : memref<2000xf32, #tpu.memory_space<vmem>>) dst(%dma_wait3A_282 : memref<2000xf32, #tpu.memory_space<hbm>>)
    %dma_wait3A_283 = arith.constant 0 : i32
    %dma_wait3A_284 = arith.constant 0 : i32
    %dma_wait3A_285 = tpu.memref_slice %arg7[%add3A_199, %dma_wait3A_283, %dma_wait3A_284] : memref<160x1x2000xf32, #tpu.memory_space<hbm>> -> memref<1x1x2000xf32, #tpu.memory_space<hbm>>
    %dma_wait3A_286 = tpu.memref_squeeze %dma_wait3A_285 : memref<1x1x2000xf32, #tpu.memory_space<hbm>> -> memref<2000xf32, #tpu.memory_space<hbm>>
    %dma_wait3A_287 = arith.constant 0 : i32
    %dma_wait3A_288 = tpu.memref_slice %arg7[%add3A_199, %dma_wait3A_283, %dma_wait3A_287] : memref<160x1x2000xf32, #tpu.memory_space<hbm>> -> memref<1x1x2000xf32, #tpu.memory_space<hbm>>
    %dma_wait3A_289 = tpu.memref_squeeze %dma_wait3A_288 : memref<1x1x2000xf32, #tpu.memory_space<hbm>> -> memref<2000xf32, #tpu.memory_space<hbm>>
    tpu.wait_dma2 semaphore(%arg26 : memref<!tpu.dma_semaphore, #tpu.memory_space<semaphore_mem>>) src(%arg21 : memref<2000xf32, #tpu.memory_space<vmem>>) dst(%dma_wait3A_289 : memref<2000xf32, #tpu.memory_space<hbm>>)
    %dma_wait3A_290 = tpu.memref_slice %arg8[%mul3A_217] : memref<960000xf32, #tpu.memory_space<hbm>> -> memref<6000xf32, #tpu.memory_space<hbm>>
    %dma_wait3A_291 = tpu.memref_slice %arg8[%mul3A_217] : memref<960000xf32, #tpu.memory_space<hbm>> -> memref<6000xf32, #tpu.memory_space<hbm>>
    tpu.wait_dma2 semaphore(%arg26 : memref<!tpu.dma_semaphore, #tpu.memory_space<semaphore_mem>>) src(%arg22 : memref<6000xf32, #tpu.memory_space<vmem>>) dst(%dma_wait3A_291 : memref<6000xf32, #tpu.memory_space<hbm>>)
    %dma_wait3A_292 = tpu.memref_slice %arg5[%add3A_249] : memref<320000xf32, #tpu.memory_space<hbm>> -> memref<2000xf32, #tpu.memory_space<hbm>>
    %dma_wait3A_293 = tpu.memref_slice %arg5[%add3A_249] : memref<320000xf32, #tpu.memory_space<hbm>> -> memref<2000xf32, #tpu.memory_space<hbm>>
    tpu.wait_dma2 semaphore(%arg25 : memref<!tpu.dma_semaphore, #tpu.memory_space<semaphore_mem>>) src(%arg13 : memref<2000xf32, #tpu.memory_space<vmem>>) dst(%dma_wait3A_293 : memref<2000xf32, #tpu.memory_space<hbm>>)
    %dma_wait3A_294 = arith.constant 0 : i32
    %dma_wait3A_295 = arith.constant 0 : i32
    %dma_wait3A_296 = tpu.memref_slice %arg6[%add3A_253, %dma_wait3A_294, %dma_wait3A_295] : memref<160x1x2000xf32, #tpu.memory_space<hbm>> -> memref<1x1x2000xf32, #tpu.memory_space<hbm>>
    %dma_wait3A_297 = tpu.memref_squeeze %dma_wait3A_296 : memref<1x1x2000xf32, #tpu.memory_space<hbm>> -> memref<2000xf32, #tpu.memory_space<hbm>>
    %dma_wait3A_298 = arith.constant 0 : i32
    %dma_wait3A_299 = tpu.memref_slice %arg6[%add3A_253, %dma_wait3A_294, %dma_wait3A_298] : memref<160x1x2000xf32, #tpu.memory_space<hbm>> -> memref<1x1x2000xf32, #tpu.memory_space<hbm>>
    %dma_wait3A_300 = tpu.memref_squeeze %dma_wait3A_299 : memref<1x1x2000xf32, #tpu.memory_space<hbm>> -> memref<2000xf32, #tpu.memory_space<hbm>>
    tpu.wait_dma2 semaphore(%arg25 : memref<!tpu.dma_semaphore, #tpu.memory_space<semaphore_mem>>) src(%arg14 : memref<2000xf32, #tpu.memory_space<vmem>>) dst(%dma_wait3A_300 : memref<2000xf32, #tpu.memory_space<hbm>>)
    %dma_wait3A_301 = arith.constant 0 : i32
    %dma_wait3A_302 = arith.constant 0 : i32
    %dma_wait3A_303 = tpu.memref_slice %arg7[%add3A_253, %dma_wait3A_301, %dma_wait3A_302] : memref<160x1x2000xf32, #tpu.memory_space<hbm>> -> memref<1x1x2000xf32, #tpu.memory_space<hbm>>
    %dma_wait3A_304 = tpu.memref_squeeze %dma_wait3A_303 : memref<1x1x2000xf32, #tpu.memory_space<hbm>> -> memref<2000xf32, #tpu.memory_space<hbm>>
    %dma_wait3A_305 = arith.constant 0 : i32
    %dma_wait3A_306 = tpu.memref_slice %arg7[%add3A_253, %dma_wait3A_301, %dma_wait3A_305] : memref<160x1x2000xf32, #tpu.memory_space<hbm>> -> memref<1x1x2000xf32, #tpu.memory_space<hbm>>
    %dma_wait3A_307 = tpu.memref_squeeze %dma_wait3A_306 : memref<1x1x2000xf32, #tpu.memory_space<hbm>> -> memref<2000xf32, #tpu.memory_space<hbm>>
    tpu.wait_dma2 semaphore(%arg25 : memref<!tpu.dma_semaphore, #tpu.memory_space<semaphore_mem>>) src(%arg15 : memref<2000xf32, #tpu.memory_space<vmem>>) dst(%dma_wait3A_307 : memref<2000xf32, #tpu.memory_space<hbm>>)
    %dma_wait3A_308 = tpu.memref_slice %arg8[%mul3A_271] : memref<960000xf32, #tpu.memory_space<hbm>> -> memref<6000xf32, #tpu.memory_space<hbm>>
    %dma_wait3A_309 = tpu.memref_slice %arg8[%mul3A_271] : memref<960000xf32, #tpu.memory_space<hbm>> -> memref<6000xf32, #tpu.memory_space<hbm>>
    tpu.wait_dma2 semaphore(%arg25 : memref<!tpu.dma_semaphore, #tpu.memory_space<semaphore_mem>>) src(%arg16 : memref<6000xf32, #tpu.memory_space<vmem>>) dst(%dma_wait3A_309 : memref<6000xf32, #tpu.memory_space<hbm>>)
    return
  }
}

module attributes {stable_mosaic.version = 14 : i64} {
  func.func @_tc_rbf_body(%arg0: i32, %arg1: memref<8x1x2000xf32, #tpu.memory_space<vmem>>, %arg2: memref<8x1x2000xf32, #tpu.memory_space<vmem>>, %arg3: memref<50x1xf32, #tpu.memory_space<vmem>>, %arg4: memref<50x1xf32, #tpu.memory_space<vmem>>, %arg5: memref<50x128xf32, #tpu.memory_space<vmem>>, %arg6: memref<1x128xf32, #tpu.memory_space<vmem>>, %arg7: memref<16000x128xf32, #tpu.memory_space<vmem>>) attributes {dimension_semantics = [#tpu.dimension_semantics<arbitrary>], iteration_bounds = array<i64: 20>, scalar_prefetch = 0 : i64, scratch_operands = 0 : i64, tpu.core_type = #tpu.core_type<tc>, window_params = [{transform_indices = @transform_0, window_bounds = array<i64: 8, 1, 2000>}, {transform_indices = @transform_1, window_bounds = array<i64: 8, 1, 2000>}, {pipeline_mode = #tpu.pipeline_mode<synchronous>, transform_indices = @transform_2, window_bounds = array<i64: 50, 1>}, {pipeline_mode = #tpu.pipeline_mode<synchronous>, transform_indices = @transform_3, window_bounds = array<i64: 50, 1>}, {pipeline_mode = #tpu.pipeline_mode<synchronous>, transform_indices = @transform_4, window_bounds = array<i64: 50, 128>}, {pipeline_mode = #tpu.pipeline_mode<synchronous>, transform_indices = @transform_5, window_bounds = array<i64: 1, 128>}, {transform_indices = @transform_6, window_bounds = array<i64: 16000, 128>}]} {
    %get3A = arith.constant 0 : index
    %get3A_0 = arith.constant 0 : index
    %get3A_1 = arith.constant 0 : index
    %get3A_2 = vector.load %arg2[%get3A, %get3A_0, %get3A_1] : memref<8x1x2000xf32, #tpu.memory_space<vmem>>, vector<1x1x2000xf32>
    %get3A_3 = vector.shape_cast %get3A_2 : vector<1x1x2000xf32> to vector<1x2000xf32>
    %get3A_4 = arith.constant 0 : index
    %get3A_5 = arith.constant 0 : index
    %get3A_6 = arith.constant 0 : index
    %get3A_7 = vector.load %arg1[%get3A_4, %get3A_5, %get3A_6] : memref<8x1x2000xf32, #tpu.memory_space<vmem>>, vector<1x1x2000xf32>
    %get3A_8 = vector.shape_cast %get3A_7 : vector<1x1x2000xf32> to vector<1x2000xf32>
    %get3A_9 = arith.constant 0 : index
    %get3A_10 = arith.constant 0 : index
    %get3A_11 = vector.load %arg3[%get3A_9, %get3A_10] : memref<50x1xf32, #tpu.memory_space<vmem>>, vector<50x1xf32>
    %sub3A = vector.broadcast %get3A_3 : vector<1x2000xf32> to vector<50x2000xf32>
    %sub3A_12 = vector.broadcast %get3A_11 : vector<50x1xf32> to vector<50x2000xf32>
    %sub3A_13 = arith.subf %sub3A, %sub3A_12 : vector<50x2000xf32>
    %get3A_14 = arith.constant 0 : index
    %get3A_15 = arith.constant 0 : index
    %get3A_16 = vector.load %arg4[%get3A_14, %get3A_15] : memref<50x1xf32, #tpu.memory_space<vmem>>, vector<50x1xf32>
    %neg3A = arith.constant 0.000000e+00 : f32
    %neg3A_17 = vector.broadcast %neg3A : f32 to vector<50x1xf32>
    %neg3A_18 = arith.subf %neg3A_17, %get3A_16 : vector<50x1xf32>
    %mul3A = vector.broadcast %neg3A_18 : vector<50x1xf32> to vector<50x2000xf32>
    %mul3A_19 = arith.mulf %mul3A, %sub3A_13 : vector<50x2000xf32>
    %mul3A_20 = arith.mulf %mul3A_19, %sub3A_13 : vector<50x2000xf32>
    %exp3A = math.exp %mul3A_20 : vector<50x2000xf32>
    %mul3A_21 = vector.broadcast %get3A_8 : vector<1x2000xf32> to vector<50x2000xf32>
    %mul3A_22 = arith.mulf %mul3A_21, %exp3A : vector<50x2000xf32>
    %get3A_23 = arith.constant 0 : index
    %get3A_24 = arith.constant 0 : index
    %get3A_25 = vector.load %arg5[%get3A_23, %get3A_24] : memref<50x128xf32, #tpu.memory_space<vmem>>, vector<50x128xf32>
    %dot_general3A = arith.constant dense<0.000000e+00> : vector<2000x128xf32>
    %dot_general3A_26 = tpu.matmul %mul3A_22, %get3A_25, %dot_general3A {dimension_numbers = #tpu.dot_dimension_numbers<[0], [0], [1], [1], [0, 1, 1, 1], [], []>, transpose_lhs_hint = false} : vector<50x2000xf32>, vector<50x128xf32>, vector<2000x128xf32> -> vector<2000x128xf32>
    %get3A_27 = arith.constant 0 : index
    %get3A_28 = arith.constant 0 : index
    %get3A_29 = vector.load %arg6[%get3A_27, %get3A_28] : memref<1x128xf32, #tpu.memory_space<vmem>>, vector<1x128xf32>
    %add3A = vector.broadcast %get3A_29 : vector<1x128xf32> to vector<2000x128xf32>
    %add3A_30 = arith.addf %dot_general3A_26, %add3A : vector<2000x128xf32>
    %swap3A = arith.constant 0 : index
    %swap3A_31 = arith.constant 0 : index
    %swap3A_32 = vector.load %arg7[%swap3A, %swap3A_31] : memref<16000x128xf32, #tpu.memory_space<vmem>>, vector<2000x128xf32>
    tpu.vector_store %arg7[%swap3A, %swap3A_31], %add3A_30 {strides = array<i32>} : memref<16000x128xf32, #tpu.memory_space<vmem>>, vector<2000x128xf32>,
    %get3A_33 = arith.constant 1 : index
    %get3A_34 = arith.constant 0 : index
    %get3A_35 = arith.constant 0 : index
    %get3A_36 = vector.load %arg2[%get3A_33, %get3A_34, %get3A_35] : memref<8x1x2000xf32, #tpu.memory_space<vmem>>, vector<1x1x2000xf32>
    %get3A_37 = vector.shape_cast %get3A_36 : vector<1x1x2000xf32> to vector<1x2000xf32>
    %get3A_38 = arith.constant 1 : index
    %get3A_39 = arith.constant 0 : index
    %get3A_40 = arith.constant 0 : index
    %get3A_41 = vector.load %arg1[%get3A_38, %get3A_39, %get3A_40] : memref<8x1x2000xf32, #tpu.memory_space<vmem>>, vector<1x1x2000xf32>
    %get3A_42 = vector.shape_cast %get3A_41 : vector<1x1x2000xf32> to vector<1x2000xf32>
    %get3A_43 = arith.constant 0 : index
    %get3A_44 = arith.constant 0 : index
    %get3A_45 = vector.load %arg3[%get3A_43, %get3A_44] : memref<50x1xf32, #tpu.memory_space<vmem>>, vector<50x1xf32>
    %sub3A_46 = vector.broadcast %get3A_37 : vector<1x2000xf32> to vector<50x2000xf32>
    %sub3A_47 = vector.broadcast %get3A_45 : vector<50x1xf32> to vector<50x2000xf32>
    %sub3A_48 = arith.subf %sub3A_46, %sub3A_47 : vector<50x2000xf32>
    %get3A_49 = arith.constant 0 : index
    %get3A_50 = arith.constant 0 : index
    %get3A_51 = vector.load %arg4[%get3A_49, %get3A_50] : memref<50x1xf32, #tpu.memory_space<vmem>>, vector<50x1xf32>
    %neg3A_52 = arith.constant 0.000000e+00 : f32
    %neg3A_53 = vector.broadcast %neg3A_52 : f32 to vector<50x1xf32>
    %neg3A_54 = arith.subf %neg3A_53, %get3A_51 : vector<50x1xf32>
    %mul3A_55 = vector.broadcast %neg3A_54 : vector<50x1xf32> to vector<50x2000xf32>
    %mul3A_56 = arith.mulf %mul3A_55, %sub3A_48 : vector<50x2000xf32>
    %mul3A_57 = arith.mulf %mul3A_56, %sub3A_48 : vector<50x2000xf32>
    %exp3A_58 = math.exp %mul3A_57 : vector<50x2000xf32>
    %mul3A_59 = vector.broadcast %get3A_42 : vector<1x2000xf32> to vector<50x2000xf32>
    %mul3A_60 = arith.mulf %mul3A_59, %exp3A_58 : vector<50x2000xf32>
    %get3A_61 = arith.constant 0 : index
    %get3A_62 = arith.constant 0 : index
    %get3A_63 = vector.load %arg5[%get3A_61, %get3A_62] : memref<50x128xf32, #tpu.memory_space<vmem>>, vector<50x128xf32>
    %dot_general3A_64 = arith.constant dense<0.000000e+00> : vector<2000x128xf32>
    %dot_general3A_65 = tpu.matmul %mul3A_60, %get3A_63, %dot_general3A_64 {dimension_numbers = #tpu.dot_dimension_numbers<[0], [0], [1], [1], [0, 1, 1, 1], [], []>, transpose_lhs_hint = false} : vector<50x2000xf32>, vector<50x128xf32>, vector<2000x128xf32> -> vector<2000x128xf32>
    %get3A_66 = arith.constant 0 : index
    %get3A_67 = arith.constant 0 : index
    %get3A_68 = vector.load %arg6[%get3A_66, %get3A_67] : memref<1x128xf32, #tpu.memory_space<vmem>>, vector<1x128xf32>
    %add3A_69 = vector.broadcast %get3A_68 : vector<1x128xf32> to vector<2000x128xf32>
    %add3A_70 = arith.addf %dot_general3A_65, %add3A_69 : vector<2000x128xf32>
    %swap3A_71 = arith.constant 2000 : index
    %swap3A_72 = arith.constant 0 : index
    %swap3A_73 = vector.load %arg7[%swap3A_71, %swap3A_72] : memref<16000x128xf32, #tpu.memory_space<vmem>>, vector<2000x128xf32>
    tpu.vector_store %arg7[%swap3A_71, %swap3A_72], %add3A_70 {strides = array<i32>} : memref<16000x128xf32, #tpu.memory_space<vmem>>, vector<2000x128xf32>,
    %get3A_74 = arith.constant 2 : index
    %get3A_75 = arith.constant 0 : index
    %get3A_76 = arith.constant 0 : index
    %get3A_77 = vector.load %arg2[%get3A_74, %get3A_75, %get3A_76] : memref<8x1x2000xf32, #tpu.memory_space<vmem>>, vector<1x1x2000xf32>
    %get3A_78 = vector.shape_cast %get3A_77 : vector<1x1x2000xf32> to vector<1x2000xf32>
    %get3A_79 = arith.constant 2 : index
    %get3A_80 = arith.constant 0 : index
    %get3A_81 = arith.constant 0 : index
    %get3A_82 = vector.load %arg1[%get3A_79, %get3A_80, %get3A_81] : memref<8x1x2000xf32, #tpu.memory_space<vmem>>, vector<1x1x2000xf32>
    %get3A_83 = vector.shape_cast %get3A_82 : vector<1x1x2000xf32> to vector<1x2000xf32>
    %get3A_84 = arith.constant 0 : index
    %get3A_85 = arith.constant 0 : index
    %get3A_86 = vector.load %arg3[%get3A_84, %get3A_85] : memref<50x1xf32, #tpu.memory_space<vmem>>, vector<50x1xf32>
    %sub3A_87 = vector.broadcast %get3A_78 : vector<1x2000xf32> to vector<50x2000xf32>
    %sub3A_88 = vector.broadcast %get3A_86 : vector<50x1xf32> to vector<50x2000xf32>
    %sub3A_89 = arith.subf %sub3A_87, %sub3A_88 : vector<50x2000xf32>
    %get3A_90 = arith.constant 0 : index
    %get3A_91 = arith.constant 0 : index
    %get3A_92 = vector.load %arg4[%get3A_90, %get3A_91] : memref<50x1xf32, #tpu.memory_space<vmem>>, vector<50x1xf32>
    %neg3A_93 = arith.constant 0.000000e+00 : f32
    %neg3A_94 = vector.broadcast %neg3A_93 : f32 to vector<50x1xf32>
    %neg3A_95 = arith.subf %neg3A_94, %get3A_92 : vector<50x1xf32>
    %mul3A_96 = vector.broadcast %neg3A_95 : vector<50x1xf32> to vector<50x2000xf32>
    %mul3A_97 = arith.mulf %mul3A_96, %sub3A_89 : vector<50x2000xf32>
    %mul3A_98 = arith.mulf %mul3A_97, %sub3A_89 : vector<50x2000xf32>
    %exp3A_99 = math.exp %mul3A_98 : vector<50x2000xf32>
    %mul3A_100 = vector.broadcast %get3A_83 : vector<1x2000xf32> to vector<50x2000xf32>
    %mul3A_101 = arith.mulf %mul3A_100, %exp3A_99 : vector<50x2000xf32>
    %get3A_102 = arith.constant 0 : index
    %get3A_103 = arith.constant 0 : index
    %get3A_104 = vector.load %arg5[%get3A_102, %get3A_103] : memref<50x128xf32, #tpu.memory_space<vmem>>, vector<50x128xf32>
    %dot_general3A_105 = arith.constant dense<0.000000e+00> : vector<2000x128xf32>
    %dot_general3A_106 = tpu.matmul %mul3A_101, %get3A_104, %dot_general3A_105 {dimension_numbers = #tpu.dot_dimension_numbers<[0], [0], [1], [1], [0, 1, 1, 1], [], []>, transpose_lhs_hint = false} : vector<50x2000xf32>, vector<50x128xf32>, vector<2000x128xf32> -> vector<2000x128xf32>
    %get3A_107 = arith.constant 0 : index
    %get3A_108 = arith.constant 0 : index
    %get3A_109 = vector.load %arg6[%get3A_107, %get3A_108] : memref<1x128xf32, #tpu.memory_space<vmem>>, vector<1x128xf32>
    %add3A_110 = vector.broadcast %get3A_109 : vector<1x128xf32> to vector<2000x128xf32>
    %add3A_111 = arith.addf %dot_general3A_106, %add3A_110 : vector<2000x128xf32>
    %swap3A_112 = arith.constant 4000 : index
    %swap3A_113 = arith.constant 0 : index
    %swap3A_114 = vector.load %arg7[%swap3A_112, %swap3A_113] : memref<16000x128xf32, #tpu.memory_space<vmem>>, vector<2000x128xf32>
    tpu.vector_store %arg7[%swap3A_112, %swap3A_113], %add3A_111 {strides = array<i32>} : memref<16000x128xf32, #tpu.memory_space<vmem>>, vector<2000x128xf32>,
    %get3A_115 = arith.constant 3 : index
    %get3A_116 = arith.constant 0 : index
    %get3A_117 = arith.constant 0 : index
    %get3A_118 = vector.load %arg2[%get3A_115, %get3A_116, %get3A_117] : memref<8x1x2000xf32, #tpu.memory_space<vmem>>, vector<1x1x2000xf32>
    %get3A_119 = vector.shape_cast %get3A_118 : vector<1x1x2000xf32> to vector<1x2000xf32>
    %get3A_120 = arith.constant 3 : index
    %get3A_121 = arith.constant 0 : index
    %get3A_122 = arith.constant 0 : index
    %get3A_123 = vector.load %arg1[%get3A_120, %get3A_121, %get3A_122] : memref<8x1x2000xf32, #tpu.memory_space<vmem>>, vector<1x1x2000xf32>
    %get3A_124 = vector.shape_cast %get3A_123 : vector<1x1x2000xf32> to vector<1x2000xf32>
    %get3A_125 = arith.constant 0 : index
    %get3A_126 = arith.constant 0 : index
    %get3A_127 = vector.load %arg3[%get3A_125, %get3A_126] : memref<50x1xf32, #tpu.memory_space<vmem>>, vector<50x1xf32>
    %sub3A_128 = vector.broadcast %get3A_119 : vector<1x2000xf32> to vector<50x2000xf32>
    %sub3A_129 = vector.broadcast %get3A_127 : vector<50x1xf32> to vector<50x2000xf32>
    %sub3A_130 = arith.subf %sub3A_128, %sub3A_129 : vector<50x2000xf32>
    %get3A_131 = arith.constant 0 : index
    %get3A_132 = arith.constant 0 : index
    %get3A_133 = vector.load %arg4[%get3A_131, %get3A_132] : memref<50x1xf32, #tpu.memory_space<vmem>>, vector<50x1xf32>
    %neg3A_134 = arith.constant 0.000000e+00 : f32
    %neg3A_135 = vector.broadcast %neg3A_134 : f32 to vector<50x1xf32>
    %neg3A_136 = arith.subf %neg3A_135, %get3A_133 : vector<50x1xf32>
    %mul3A_137 = vector.broadcast %neg3A_136 : vector<50x1xf32> to vector<50x2000xf32>
    %mul3A_138 = arith.mulf %mul3A_137, %sub3A_130 : vector<50x2000xf32>
    %mul3A_139 = arith.mulf %mul3A_138, %sub3A_130 : vector<50x2000xf32>
    %exp3A_140 = math.exp %mul3A_139 : vector<50x2000xf32>
    %mul3A_141 = vector.broadcast %get3A_124 : vector<1x2000xf32> to vector<50x2000xf32>
    %mul3A_142 = arith.mulf %mul3A_141, %exp3A_140 : vector<50x2000xf32>
    %get3A_143 = arith.constant 0 : index
    %get3A_144 = arith.constant 0 : index
    %get3A_145 = vector.load %arg5[%get3A_143, %get3A_144] : memref<50x128xf32, #tpu.memory_space<vmem>>, vector<50x128xf32>
    %dot_general3A_146 = arith.constant dense<0.000000e+00> : vector<2000x128xf32>
    %dot_general3A_147 = tpu.matmul %mul3A_142, %get3A_145, %dot_general3A_146 {dimension_numbers = #tpu.dot_dimension_numbers<[0], [0], [1], [1], [0, 1, 1, 1], [], []>, transpose_lhs_hint = false} : vector<50x2000xf32>, vector<50x128xf32>, vector<2000x128xf32> -> vector<2000x128xf32>
    %get3A_148 = arith.constant 0 : index
    %get3A_149 = arith.constant 0 : index
    %get3A_150 = vector.load %arg6[%get3A_148, %get3A_149] : memref<1x128xf32, #tpu.memory_space<vmem>>, vector<1x128xf32>
    %add3A_151 = vector.broadcast %get3A_150 : vector<1x128xf32> to vector<2000x128xf32>
    %add3A_152 = arith.addf %dot_general3A_147, %add3A_151 : vector<2000x128xf32>
    %swap3A_153 = arith.constant 6000 : index
    %swap3A_154 = arith.constant 0 : index
    %swap3A_155 = vector.load %arg7[%swap3A_153, %swap3A_154] : memref<16000x128xf32, #tpu.memory_space<vmem>>, vector<2000x128xf32>
    tpu.vector_store %arg7[%swap3A_153, %swap3A_154], %add3A_152 {strides = array<i32>} : memref<16000x128xf32, #tpu.memory_space<vmem>>, vector<2000x128xf32>,
    %get3A_156 = arith.constant 4 : index
    %get3A_157 = arith.constant 0 : index
    %get3A_158 = arith.constant 0 : index
    %get3A_159 = vector.load %arg2[%get3A_156, %get3A_157, %get3A_158] : memref<8x1x2000xf32, #tpu.memory_space<vmem>>, vector<1x1x2000xf32>
    %get3A_160 = vector.shape_cast %get3A_159 : vector<1x1x2000xf32> to vector<1x2000xf32>
    %get3A_161 = arith.constant 4 : index
    %get3A_162 = arith.constant 0 : index
    %get3A_163 = arith.constant 0 : index
    %get3A_164 = vector.load %arg1[%get3A_161, %get3A_162, %get3A_163] : memref<8x1x2000xf32, #tpu.memory_space<vmem>>, vector<1x1x2000xf32>
    %get3A_165 = vector.shape_cast %get3A_164 : vector<1x1x2000xf32> to vector<1x2000xf32>
    %get3A_166 = arith.constant 0 : index
    %get3A_167 = arith.constant 0 : index
    %get3A_168 = vector.load %arg3[%get3A_166, %get3A_167] : memref<50x1xf32, #tpu.memory_space<vmem>>, vector<50x1xf32>
    %sub3A_169 = vector.broadcast %get3A_160 : vector<1x2000xf32> to vector<50x2000xf32>
    %sub3A_170 = vector.broadcast %get3A_168 : vector<50x1xf32> to vector<50x2000xf32>
    %sub3A_171 = arith.subf %sub3A_169, %sub3A_170 : vector<50x2000xf32>
    %get3A_172 = arith.constant 0 : index
    %get3A_173 = arith.constant 0 : index
    %get3A_174 = vector.load %arg4[%get3A_172, %get3A_173] : memref<50x1xf32, #tpu.memory_space<vmem>>, vector<50x1xf32>
    %neg3A_175 = arith.constant 0.000000e+00 : f32
    %neg3A_176 = vector.broadcast %neg3A_175 : f32 to vector<50x1xf32>
    %neg3A_177 = arith.subf %neg3A_176, %get3A_174 : vector<50x1xf32>
    %mul3A_178 = vector.broadcast %neg3A_177 : vector<50x1xf32> to vector<50x2000xf32>
    %mul3A_179 = arith.mulf %mul3A_178, %sub3A_171 : vector<50x2000xf32>
    %mul3A_180 = arith.mulf %mul3A_179, %sub3A_171 : vector<50x2000xf32>
    %exp3A_181 = math.exp %mul3A_180 : vector<50x2000xf32>
    %mul3A_182 = vector.broadcast %get3A_165 : vector<1x2000xf32> to vector<50x2000xf32>
    %mul3A_183 = arith.mulf %mul3A_182, %exp3A_181 : vector<50x2000xf32>
    %get3A_184 = arith.constant 0 : index
    %get3A_185 = arith.constant 0 : index
    %get3A_186 = vector.load %arg5[%get3A_184, %get3A_185] : memref<50x128xf32, #tpu.memory_space<vmem>>, vector<50x128xf32>
    %dot_general3A_187 = arith.constant dense<0.000000e+00> : vector<2000x128xf32>
    %dot_general3A_188 = tpu.matmul %mul3A_183, %get3A_186, %dot_general3A_187 {dimension_numbers = #tpu.dot_dimension_numbers<[0], [0], [1], [1], [0, 1, 1, 1], [], []>, transpose_lhs_hint = false} : vector<50x2000xf32>, vector<50x128xf32>, vector<2000x128xf32> -> vector<2000x128xf32>
    %get3A_189 = arith.constant 0 : index
    %get3A_190 = arith.constant 0 : index
    %get3A_191 = vector.load %arg6[%get3A_189, %get3A_190] : memref<1x128xf32, #tpu.memory_space<vmem>>, vector<1x128xf32>
    %add3A_192 = vector.broadcast %get3A_191 : vector<1x128xf32> to vector<2000x128xf32>
    %add3A_193 = arith.addf %dot_general3A_188, %add3A_192 : vector<2000x128xf32>
    %swap3A_194 = arith.constant 8000 : index
    %swap3A_195 = arith.constant 0 : index
    %swap3A_196 = vector.load %arg7[%swap3A_194, %swap3A_195] : memref<16000x128xf32, #tpu.memory_space<vmem>>, vector<2000x128xf32>
    tpu.vector_store %arg7[%swap3A_194, %swap3A_195], %add3A_193 {strides = array<i32>} : memref<16000x128xf32, #tpu.memory_space<vmem>>, vector<2000x128xf32>,
    %get3A_197 = arith.constant 5 : index
    %get3A_198 = arith.constant 0 : index
    %get3A_199 = arith.constant 0 : index
    %get3A_200 = vector.load %arg2[%get3A_197, %get3A_198, %get3A_199] : memref<8x1x2000xf32, #tpu.memory_space<vmem>>, vector<1x1x2000xf32>
    %get3A_201 = vector.shape_cast %get3A_200 : vector<1x1x2000xf32> to vector<1x2000xf32>
    %get3A_202 = arith.constant 5 : index
    %get3A_203 = arith.constant 0 : index
    %get3A_204 = arith.constant 0 : index
    %get3A_205 = vector.load %arg1[%get3A_202, %get3A_203, %get3A_204] : memref<8x1x2000xf32, #tpu.memory_space<vmem>>, vector<1x1x2000xf32>
    %get3A_206 = vector.shape_cast %get3A_205 : vector<1x1x2000xf32> to vector<1x2000xf32>
    %get3A_207 = arith.constant 0 : index
    %get3A_208 = arith.constant 0 : index
    %get3A_209 = vector.load %arg3[%get3A_207, %get3A_208] : memref<50x1xf32, #tpu.memory_space<vmem>>, vector<50x1xf32>
    %sub3A_210 = vector.broadcast %get3A_201 : vector<1x2000xf32> to vector<50x2000xf32>
    %sub3A_211 = vector.broadcast %get3A_209 : vector<50x1xf32> to vector<50x2000xf32>
    %sub3A_212 = arith.subf %sub3A_210, %sub3A_211 : vector<50x2000xf32>
    %get3A_213 = arith.constant 0 : index
    %get3A_214 = arith.constant 0 : index
    %get3A_215 = vector.load %arg4[%get3A_213, %get3A_214] : memref<50x1xf32, #tpu.memory_space<vmem>>, vector<50x1xf32>
    %neg3A_216 = arith.constant 0.000000e+00 : f32
    %neg3A_217 = vector.broadcast %neg3A_216 : f32 to vector<50x1xf32>
    %neg3A_218 = arith.subf %neg3A_217, %get3A_215 : vector<50x1xf32>
    %mul3A_219 = vector.broadcast %neg3A_218 : vector<50x1xf32> to vector<50x2000xf32>
    %mul3A_220 = arith.mulf %mul3A_219, %sub3A_212 : vector<50x2000xf32>
    %mul3A_221 = arith.mulf %mul3A_220, %sub3A_212 : vector<50x2000xf32>
    %exp3A_222 = math.exp %mul3A_221 : vector<50x2000xf32>
    %mul3A_223 = vector.broadcast %get3A_206 : vector<1x2000xf32> to vector<50x2000xf32>
    %mul3A_224 = arith.mulf %mul3A_223, %exp3A_222 : vector<50x2000xf32>
    %get3A_225 = arith.constant 0 : index
    %get3A_226 = arith.constant 0 : index
    %get3A_227 = vector.load %arg5[%get3A_225, %get3A_226] : memref<50x128xf32, #tpu.memory_space<vmem>>, vector<50x128xf32>
    %dot_general3A_228 = arith.constant dense<0.000000e+00> : vector<2000x128xf32>
    %dot_general3A_229 = tpu.matmul %mul3A_224, %get3A_227, %dot_general3A_228 {dimension_numbers = #tpu.dot_dimension_numbers<[0], [0], [1], [1], [0, 1, 1, 1], [], []>, transpose_lhs_hint = false} : vector<50x2000xf32>, vector<50x128xf32>, vector<2000x128xf32> -> vector<2000x128xf32>
    %get3A_230 = arith.constant 0 : index
    %get3A_231 = arith.constant 0 : index
    %get3A_232 = vector.load %arg6[%get3A_230, %get3A_231] : memref<1x128xf32, #tpu.memory_space<vmem>>, vector<1x128xf32>
    %add3A_233 = vector.broadcast %get3A_232 : vector<1x128xf32> to vector<2000x128xf32>
    %add3A_234 = arith.addf %dot_general3A_229, %add3A_233 : vector<2000x128xf32>
    %swap3A_235 = arith.constant 10000 : index
    %swap3A_236 = arith.constant 0 : index
    %swap3A_237 = vector.load %arg7[%swap3A_235, %swap3A_236] : memref<16000x128xf32, #tpu.memory_space<vmem>>, vector<2000x128xf32>
    tpu.vector_store %arg7[%swap3A_235, %swap3A_236], %add3A_234 {strides = array<i32>} : memref<16000x128xf32, #tpu.memory_space<vmem>>, vector<2000x128xf32>,
    %get3A_238 = arith.constant 6 : index
    %get3A_239 = arith.constant 0 : index
    %get3A_240 = arith.constant 0 : index
    %get3A_241 = vector.load %arg2[%get3A_238, %get3A_239, %get3A_240] : memref<8x1x2000xf32, #tpu.memory_space<vmem>>, vector<1x1x2000xf32>
    %get3A_242 = vector.shape_cast %get3A_241 : vector<1x1x2000xf32> to vector<1x2000xf32>
    %get3A_243 = arith.constant 6 : index
    %get3A_244 = arith.constant 0 : index
    %get3A_245 = arith.constant 0 : index
    %get3A_246 = vector.load %arg1[%get3A_243, %get3A_244, %get3A_245] : memref<8x1x2000xf32, #tpu.memory_space<vmem>>, vector<1x1x2000xf32>
    %get3A_247 = vector.shape_cast %get3A_246 : vector<1x1x2000xf32> to vector<1x2000xf32>
    %get3A_248 = arith.constant 0 : index
    %get3A_249 = arith.constant 0 : index
    %get3A_250 = vector.load %arg3[%get3A_248, %get3A_249] : memref<50x1xf32, #tpu.memory_space<vmem>>, vector<50x1xf32>
    %sub3A_251 = vector.broadcast %get3A_242 : vector<1x2000xf32> to vector<50x2000xf32>
    %sub3A_252 = vector.broadcast %get3A_250 : vector<50x1xf32> to vector<50x2000xf32>
    %sub3A_253 = arith.subf %sub3A_251, %sub3A_252 : vector<50x2000xf32>
    %get3A_254 = arith.constant 0 : index
    %get3A_255 = arith.constant 0 : index
    %get3A_256 = vector.load %arg4[%get3A_254, %get3A_255] : memref<50x1xf32, #tpu.memory_space<vmem>>, vector<50x1xf32>
    %neg3A_257 = arith.constant 0.000000e+00 : f32
    %neg3A_258 = vector.broadcast %neg3A_257 : f32 to vector<50x1xf32>
    %neg3A_259 = arith.subf %neg3A_258, %get3A_256 : vector<50x1xf32>
    %mul3A_260 = vector.broadcast %neg3A_259 : vector<50x1xf32> to vector<50x2000xf32>
    %mul3A_261 = arith.mulf %mul3A_260, %sub3A_253 : vector<50x2000xf32>
    %mul3A_262 = arith.mulf %mul3A_261, %sub3A_253 : vector<50x2000xf32>
    %exp3A_263 = math.exp %mul3A_262 : vector<50x2000xf32>
    %mul3A_264 = vector.broadcast %get3A_247 : vector<1x2000xf32> to vector<50x2000xf32>
    %mul3A_265 = arith.mulf %mul3A_264, %exp3A_263 : vector<50x2000xf32>
    %get3A_266 = arith.constant 0 : index
    %get3A_267 = arith.constant 0 : index
    %get3A_268 = vector.load %arg5[%get3A_266, %get3A_267] : memref<50x128xf32, #tpu.memory_space<vmem>>, vector<50x128xf32>
    %dot_general3A_269 = arith.constant dense<0.000000e+00> : vector<2000x128xf32>
    %dot_general3A_270 = tpu.matmul %mul3A_265, %get3A_268, %dot_general3A_269 {dimension_numbers = #tpu.dot_dimension_numbers<[0], [0], [1], [1], [0, 1, 1, 1], [], []>, transpose_lhs_hint = false} : vector<50x2000xf32>, vector<50x128xf32>, vector<2000x128xf32> -> vector<2000x128xf32>
    %get3A_271 = arith.constant 0 : index
    %get3A_272 = arith.constant 0 : index
    %get3A_273 = vector.load %arg6[%get3A_271, %get3A_272] : memref<1x128xf32, #tpu.memory_space<vmem>>, vector<1x128xf32>
    %add3A_274 = vector.broadcast %get3A_273 : vector<1x128xf32> to vector<2000x128xf32>
    %add3A_275 = arith.addf %dot_general3A_270, %add3A_274 : vector<2000x128xf32>
    %swap3A_276 = arith.constant 12000 : index
    %swap3A_277 = arith.constant 0 : index
    %swap3A_278 = vector.load %arg7[%swap3A_276, %swap3A_277] : memref<16000x128xf32, #tpu.memory_space<vmem>>, vector<2000x128xf32>
    tpu.vector_store %arg7[%swap3A_276, %swap3A_277], %add3A_275 {strides = array<i32>} : memref<16000x128xf32, #tpu.memory_space<vmem>>, vector<2000x128xf32>,
    %get3A_279 = arith.constant 7 : index
    %get3A_280 = arith.constant 0 : index
    %get3A_281 = arith.constant 0 : index
    %get3A_282 = vector.load %arg2[%get3A_279, %get3A_280, %get3A_281] : memref<8x1x2000xf32, #tpu.memory_space<vmem>>, vector<1x1x2000xf32>
    %get3A_283 = vector.shape_cast %get3A_282 : vector<1x1x2000xf32> to vector<1x2000xf32>
    %get3A_284 = arith.constant 7 : index
    %get3A_285 = arith.constant 0 : index
    %get3A_286 = arith.constant 0 : index
    %get3A_287 = vector.load %arg1[%get3A_284, %get3A_285, %get3A_286] : memref<8x1x2000xf32, #tpu.memory_space<vmem>>, vector<1x1x2000xf32>
    %get3A_288 = vector.shape_cast %get3A_287 : vector<1x1x2000xf32> to vector<1x2000xf32>
    %get3A_289 = arith.constant 0 : index
    %get3A_290 = arith.constant 0 : index
    %get3A_291 = vector.load %arg3[%get3A_289, %get3A_290] : memref<50x1xf32, #tpu.memory_space<vmem>>, vector<50x1xf32>
    %sub3A_292 = vector.broadcast %get3A_283 : vector<1x2000xf32> to vector<50x2000xf32>
    %sub3A_293 = vector.broadcast %get3A_291 : vector<50x1xf32> to vector<50x2000xf32>
    %sub3A_294 = arith.subf %sub3A_292, %sub3A_293 : vector<50x2000xf32>
    %get3A_295 = arith.constant 0 : index
    %get3A_296 = arith.constant 0 : index
    %get3A_297 = vector.load %arg4[%get3A_295, %get3A_296] : memref<50x1xf32, #tpu.memory_space<vmem>>, vector<50x1xf32>
    %neg3A_298 = arith.constant 0.000000e+00 : f32
    %neg3A_299 = vector.broadcast %neg3A_298 : f32 to vector<50x1xf32>
    %neg3A_300 = arith.subf %neg3A_299, %get3A_297 : vector<50x1xf32>
    %mul3A_301 = vector.broadcast %neg3A_300 : vector<50x1xf32> to vector<50x2000xf32>
    %mul3A_302 = arith.mulf %mul3A_301, %sub3A_294 : vector<50x2000xf32>
    %mul3A_303 = arith.mulf %mul3A_302, %sub3A_294 : vector<50x2000xf32>
    %exp3A_304 = math.exp %mul3A_303 : vector<50x2000xf32>
    %mul3A_305 = vector.broadcast %get3A_288 : vector<1x2000xf32> to vector<50x2000xf32>
    %mul3A_306 = arith.mulf %mul3A_305, %exp3A_304 : vector<50x2000xf32>
    %get3A_307 = arith.constant 0 : index
    %get3A_308 = arith.constant 0 : index
    %get3A_309 = vector.load %arg5[%get3A_307, %get3A_308] : memref<50x128xf32, #tpu.memory_space<vmem>>, vector<50x128xf32>
    %dot_general3A_310 = arith.constant dense<0.000000e+00> : vector<2000x128xf32>
    %dot_general3A_311 = tpu.matmul %mul3A_306, %get3A_309, %dot_general3A_310 {dimension_numbers = #tpu.dot_dimension_numbers<[0], [0], [1], [1], [0, 1, 1, 1], [], []>, transpose_lhs_hint = false} : vector<50x2000xf32>, vector<50x128xf32>, vector<2000x128xf32> -> vector<2000x128xf32>
    %get3A_312 = arith.constant 0 : index
    %get3A_313 = arith.constant 0 : index
    %get3A_314 = vector.load %arg6[%get3A_312, %get3A_313] : memref<1x128xf32, #tpu.memory_space<vmem>>, vector<1x128xf32>
    %add3A_315 = vector.broadcast %get3A_314 : vector<1x128xf32> to vector<2000x128xf32>
    %add3A_316 = arith.addf %dot_general3A_311, %add3A_315 : vector<2000x128xf32>
    %swap3A_317 = arith.constant 14000 : index
    %swap3A_318 = arith.constant 0 : index
    %swap3A_319 = vector.load %arg7[%swap3A_317, %swap3A_318] : memref<16000x128xf32, #tpu.memory_space<vmem>>, vector<2000x128xf32>
    tpu.vector_store %arg7[%swap3A_317, %swap3A_318], %add3A_316 {strides = array<i32>} : memref<16000x128xf32, #tpu.memory_space<vmem>>, vector<2000x128xf32>,
    return
  }
  func.func @transform_0(%arg0: i32) -> (i32, i32, i32) {
    %c0_i32 = arith.constant 0 : i32
    %c0_i32_0 = arith.constant 0 : i32
    %c0_i32_1 = arith.constant 0 : i32
    return %arg0, %c0_i32, %c0_i32_0 : i32, i32, i32
  }
  func.func @transform_1(%arg0: i32) -> (i32, i32, i32) {
    %c0_i32 = arith.constant 0 : i32
    %c0_i32_0 = arith.constant 0 : i32
    %c0_i32_1 = arith.constant 0 : i32
    return %arg0, %c0_i32, %c0_i32_0 : i32, i32, i32
  }
  func.func @transform_2(%arg0: i32) -> (i32, i32) {
    %c0_i32 = arith.constant 0 : i32
    %c0_i32_0 = arith.constant 0 : i32
    %c0_i32_1 = arith.constant 0 : i32
    return %c0_i32, %c0_i32_0 : i32, i32
  }
  func.func @transform_3(%arg0: i32) -> (i32, i32) {
    %c0_i32 = arith.constant 0 : i32
    %c0_i32_0 = arith.constant 0 : i32
    %c0_i32_1 = arith.constant 0 : i32
    return %c0_i32, %c0_i32_0 : i32, i32
  }
  func.func @transform_4(%arg0: i32) -> (i32, i32) {
    %c0_i32 = arith.constant 0 : i32
    %c0_i32_0 = arith.constant 0 : i32
    %c0_i32_1 = arith.constant 0 : i32
    return %c0_i32, %c0_i32_0 : i32, i32
  }
  func.func @transform_5(%arg0: i32) -> (i32, i32) {
    %c0_i32 = arith.constant 0 : i32
    %c0_i32_0 = arith.constant 0 : i32
    %c0_i32_1 = arith.constant 0 : i32
    return %c0_i32, %c0_i32_0 : i32, i32
  }
  func.func @transform_6(%arg0: i32) -> (i32, i32) {
    %c0_i32 = arith.constant 0 : i32
    %c0_i32_0 = arith.constant 0 : i32
    return %arg0, %c0_i32 : i32, i32
  }
}

</mosaic_0001>

<sc_bundles>
// kernel: kernel.4.cloned.1.call-start
scs
__scs_entry_jumppad:
0x0: {  	(pc) =	sbr.rel $0x88, $3  }
0x1: {  	(tag) =	ssettag $0x0;
	lr =	simm.s32 $0x1  }
0x2: {  	[smem:$0x3F9A] =	sst lr;
	_ =	strace $0xD0000000  }
0x3: {  	_ = 	snop  }
0x4: {  	_ = 	snop  }
0x5: {  	_ = 	snop  }
0x6: {  	_ = 	snop  }
0x7: {  	_ = 	snop  }
__scs_overlays_trampoline_lowered:
0x8: {  	[smem:$0x3FA9] =	sst s0  }
0x9: {  	[smem:$0x3FAA] =	sst s1  }
0xa: {  	[smem:$0x3FAB] =	sst s2  }
0xb: {  	[smem:$0x3FAC] =	sst s3  }
0xc: {  	[smem:$0x3FAD] =	sst s4  }
0xd: {  	[smem:$0x3FAE] =	sst s5  }
0xe: {  	[smem:$0x3FAF] =	sst s6  }
0xf: {  	[smem:$0x3FB0] =	sst s7  }
0x10: {  	[smem:$0x3FB1] =	sst s8  }
0x11: {  	[smem:$0x3FB2] =	sst s9;
	s0 =	simm.s32 @!p0 $0x0  }
0x12: {  	s1 =	sld [smem:$0x3F98];
	s0 =	simm.s32 @p0 $0x1  }
0x13: {  	[smem:$0x3FB3] =	sst s0;
	s0 =	simm.s32 @!p1 $0x0  }
0x14: {  	s2 =	sld [smem:$0x3F97];
	s0 =	simm.s32 @p1 $0x1  }
0x15: {  	[smem:$0x3FB4] =	sst s0;
	s0 =	simm.s32 @!p2 $0x0  }
0x16: {  	s3 =	sld [smem:$0x3FDB];
	s0 =	simm.s32 @p2 $0x1  }
0x17: {  	s4 =	simm.s32 $0x1BF5;
	[smem:$0x3FB6] =	sst s0  }
0x18: {  	s0 =	sld [smem:$0x3F99];
	_ =	swait.ge [sflag:s4], $0x0  }
0x19: {  	s7 =	sld [smem:$0x3F9A]  }
0x1a: {  	s8 =	sadd.s32 $0xFFFFE003, lr  }
0x1b: {  	s9 =	sadd.s32 $0xFFFFFEF7, lr;
	s5 =	simm.s32 $0xFFFFFFFF;
	p2 =	slt.u32 s8, $0xFFFFF086  }
0x1c: {  	p1 =	slt.u32 s9, $0xF7A;
	s5 =	simm.s32 @!p2 $0x0  }
0x1d: {  	s5 =	simm.s32 @p1 $0x1;
	p0 =	seq.s32 s7, s2  }
0x1e: {  	s7 =	smul.u32 @!p0 $0xF7A, s2;
	p2 =	seq.s32 @!p0 s5, $0x0  }
0x1f: {  	s9 =	smul.u32 $0xF7A, s1;
	s8 =	simm.s32 @!p0 $0x1BF5;
	p2 =	por !p2, p0  }
0x20: {  	[sflag:s8] =	ssyncset.s32 @!p0 $0xFFFFF086;
	s6 =	sadd.s32 @!p0 s3, s7;
	s7 =	simm.s32 @!p0 $0x108  }
0x21: {  	s3 =	sadd.s32 s3, s9;
	s6 =	sadd.s32 @!p0 $0x88, s6;
	s7 =	simm.s32 @p2 $0x1082  }
0x22: {  	[simem:s7], [sflag:s8] =	dma.local @!p0 [hbm:s6], $0xF7A  }
0x23: {  	s9 =	sor.u32 $0xD0000000, s2;
	s6 =	simm.s32 $0x108;
	_ =	swait.ge @!p0 [sflag:s8], $0x0  }
0x24: {  	s3 =	sadd.s32 $0x88, s3;
	s6 =	simm.s32 @!p1 $0x1082;
	[sflag:s4] =	ssyncset.s32 $0xFFFFF086  }
0x25: {  	[simem:s6], [sflag:s4] =	dma.local [hbm:s3], $0xF7A  }
0x26: {  	[smem:$0x3F9A] =	sst s1;
	(tag) =	ssettag s2;
	_ =	strace s9  }
0x27: {  	s1 =	sld [smem:$0x3FAA]  }
0x28: {  	s2 =	sld [smem:$0x3FAB]  }
0x29: {  	s4 =	sld [smem:$0x3FAD]  }
0x2a: {  	p0 =	seq.s32 s5, $0x0;
	s5 =	sld [smem:$0x3FAE]  }
0x2b: {  	s6 =	sld [smem:$0x3FAF]  }
0x2c: {  	s7 =	sld [smem:$0x3FB0]  }
0x2d: {  	s3 =	simm.s32 $0x108;
	s8 =	sld [smem:$0x3FB1]  }
0x2e: {  	s3 =	simm.s32 @!p0 $0x1082;
	s9 =	sld [smem:$0x3FB2]  }
0x2f: {  	lr =	sadd.s32 s0, s3;
	s0 =	sld [smem:$0x3FA9]  }
0x30: {  	s3 =	sld [smem:$0x3FAC]  }
0x31: {  	[smem:$0x3FB5] =	sst s10  }
0x32: {  	s10 =	sld [smem:$0x3FB3];
	_ =	sdelay $0x3  }
0x33: {  	p0 =	seq.s32 s10, $0x1;
	s10 =	sld [smem:$0x3FB5];
	_ =	sdelay $0x3  }
0x34: {  	[smem:$0x3FB5] =	sst s10  }
0x35: {  	s10 =	sld [smem:$0x3FB4];
	_ =	sdelay $0x3  }
0x36: {  	p1 =	seq.s32 s10, $0x1;
	s10 =	sld [smem:$0x3FB5];
	_ =	sdelay $0x3  }
0x37: {  	[smem:$0x3FB5] =	sst s10  }
0x38: {  	s10 =	sld [smem:$0x3FB6]  }
0x39: {  	_ = 	snop;
	(pc) =	sbr.ind lr, $3  }
0x3a: {  	_ = 	snop  }
0x3b: {  	_ = 	snop  }
0x3c: {  	p2 =	seq.s32 s10, $0x1;
	s10 =	sld [smem:$0x3FB5]  }
0x3d: {  	_ =	shalt  }
0x3e: {  	_ =	shalt  }
0x3f: {  	_ =	shalt  }
0x40: {  	_ =	shalt  }
0x41: {  	_ =	shalt  }
0x42: {  	_ =	shalt  }
0x43: {  	_ =	shalt  }
0x44: {  	_ =	shalt  }
0x45: {  	_ =	shalt  }
0x46: {  	_ =	shalt  }
0x47: {  	_ =	shalt  }
0x48: {  	_ =	shalt  }
0x49: {  	_ =	shalt  }
0x4a: {  	_ =	shalt  }
0x4b: {  	_ =	shalt  }
0x4c: {  	_ =	shalt  }
0x4d: {  	_ =	shalt  }
0x4e: {  	_ =	shalt  }
0x4f: {  	_ =	shalt  }
0x50: {  	_ =	shalt  }
0x51: {  	_ =	shalt  }
0x52: {  	_ =	shalt  }
0x53: {  	_ =	shalt  }
0x54: {  	_ =	shalt  }
0x55: {  	_ =	shalt  }
0x56: {  	_ =	shalt  }
0x57: {  	_ =	shalt  }
0x58: {  	_ =	shalt  }
0x59: {  	_ =	shalt  }
0x5a: {  	_ =	shalt  }
0x5b: {  	_ =	shalt  }
0x5c: {  	_ =	shalt  }
0x5d: {  	_ =	shalt  }
0x5e: {  	_ =	shalt  }
0x5f: {  	_ =	shalt  }
0x60: {  	_ =	shalt  }
0x61: {  	_ =	shalt  }
0x62: {  	_ =	shalt  }
0x63: {  	_ =	shalt  }
0x64: {  	_ =	shalt  }
0x65: {  	_ =	shalt  }
0x66: {  	_ =	shalt  }
0x67: {  	_ =	shalt  }
0x68: {  	_ =	shalt  }
0x69: {  	_ =	shalt  }
0x6a: {  	_ =	shalt  }
0x6b: {  	_ =	shalt  }
0x6c: {  	_ =	shalt  }
0x6d: {  	_ =	shalt  }
0x6e: {  	_ =	shalt  }
0x6f: {  	_ =	shalt  }
0x70: {  	_ =	shalt  }
0x71: {  	_ =	shalt  }
0x72: {  	_ =	shalt  }
0x73: {  	_ =	shalt  }
0x74: {  	_ =	shalt  }
0x75: {  	_ =	shalt  }
0x76: {  	_ =	shalt  }
0x77: {  	_ =	shalt  }
0x78: {  	_ =	shalt  }
0x79: {  	_ =	shalt  }
0x7a: {  	_ =	shalt  }
0x7b: {  	_ =	shalt  }
0x7c: {  	_ =	shalt  }
0x7d: {  	_ =	shalt  }
0x7e: {  	_ =	shalt  }
0x7f: {  	_ =	shalt  }
0x80: {  	_ =	shalt  }
0x81: {  	_ =	shalt  }
0x82: {  	_ =	shalt  }
0x83: {  	_ =	shalt  }
0x84: {  	_ =	shalt  }
0x85: {  	_ =	shalt  }
0x86: {  	_ =	shalt  }
0x87: {  	_ =	shalt  }
.Lfunc_end0:
.L_simem_size_0:
called_computation_lowered:
.L_overlay_start_0:
0x88: {  	s2 =	sld [smem:$0x3FD9]  }
0x89: {  	s3 =	sld [smem:$0x3FFE];
	_ =	sdelay $0x1  }
0x8a: {  	s1 =	srdreg.scid  }
0x8b: {  	s0 =	sand.u32 $0x1, s1  }
0x8c: {  	s14 =	sshll.u32 s0, $0xA;
	s2 =	sadd.s32 s3, s2  }
0x8d: {  	s2 =	sadd.s32 s2, s14  }
0x8e: {  	[smem:$0x3FC1] =	sst s2  }
0x8f: {  	_ = 	snop  }
0x90: {  	s2 =	sld [smem:$0x3FD0];
	_ =	sdelay $0x2  }
0x91: {  	s15 =	simm.s32 $0xA;
	s4 =	simm.s32 $0x10  }
0x92: {  	[smem:s4], [sflag:s15] =	dma.local [hbm:s2], $0x1  }
0x93: {  	_ =	swait.eq [sflag:s15], $0x1  }
0x94: {  	s16 =	sld [smem:$0x10]  }
0x95: {  	s17 =	sld [smem:$0x11];
	[sflag:s15] =	ssyncset.done $0x0  }
0x96: {  	s5 =	sld [smem:$0x12];
	[sflag:s15] =	ssyncadd.s32 $0xFFFFFFFF  }
0x97: {  	s18 =	sld [smem:$0x13];
	(tm) =	ssettm $0x1  }
0x98: {  	s6 =	sld [smem:$0x3FFB];
	_ =	sdelay $0x3  }
0x99: {  	_ =	strace s6  }
0x9a: {  	s6 =	sld [smem:$0x3FFC];
	_ =	sdelay $0x3  }
0x9b: {  	_ =	strace s6  }
0x9c: {  	s6 =	sld [smem:$0x3FFD];
	_ =	sdelay $0x3  }
0x9d: {  	_ =	strace s6  }
0x9e: {  	_ =	strace $0x8FFFFFFF  }
0x9f: {  	s19 =	sld [smem:$0x3FDB];
	_ =	sdelay $0x1  }
0xa0: {  	s7 =	simm.s32 $_scs_section_size  }
0xa1: {  	s8 =	simm.s32 $_size__tile_overlayer_lowered;
	s9 =	simm.s32 $_tile_overlayer_lowered  }
0xa2: {  	s22 =	simm.s32 $0x1BFF;
	s21 =	sshll.u32 s9, $0x1;
	s6 =	sadd.s32 s7, s19  }
0xa3: {  	s10 =	simm.s32 $0x0;
	s20 =	sshll.u32 s8, $0x1;
	s8 =	sadd.s32 s21, s6  }
0xa4: {  	[timem:s10], [sflag:s22] =	dma.local [hbm:s8], s20  }
0xa5: {  	_ =	swait.ge [sflag:s22], s20  }
0xa6: {  	s7 =	ssub.s32 $0x0, s20;
	[sflag:s22] =	ssyncset.done $0x0  }
0xa7: {  	[sflag:s22] =	ssyncadd.s32 s7;
	_ =	sdelay $0x1  }
0xa8: {  	s23 =	simm.s32 $0x1B8B  }
0xa9: {  	_ =	swait.ge [sflag:s23], $0x1  }
0xaa: {  	[sflag:s23] =	ssyncset.done $0x0  }
0xab: {  	s25 =	simm.s32 $0x1B8E;
	s24 =	sld [smem:$0x3FFE];
	[sflag:s23] =	ssyncadd.s32 $0xFFFFFFFF  }
0xac: {  	s26 =	simm.s32 $execute0_lowered;
	[smem:$0x3FD2] =	sst s25  }
0xad: {  	s8 =	sshll.u32 s26, $0x1;
	_ =	strace $0x80000046;
	[dreg:$0x1] =	wrdreg $0xFFFFFFFF  }
0xae: {  	s28 =	simm.s32 $_size_execute0_lowered;
	s6 =	sadd.s32 s6, s8;
	[dreg:$0x0] =	wrdreg $0x0  }
0xaf: {  	s8 =	sshll.u32 s28, $0x1;
	[dreg:$0x2] =	wrdreg s6  }
0xb0: {  	[dreg:$0x3] =	wrdreg s8  }
0xb1: {  	[dreg:$0x4] =	wrdreg $0xC0  }
0xb2: {  	_ =	task [dreg:s10], $0x5FFFF  }
0xb3: {  	[dreg:$0x1] =	wrdreg $0xFFFFFFFF  }
0xb4: {  	[dreg:$0x0] =	wrdreg $0x60  }
0xb5: {  	[dreg:$0x2] =	wrdreg s16  }
0xb6: {  	[dreg:$0x3] =	wrdreg s5  }
0xb7: {  	[dreg:$0x4] =	wrdreg s24  }
0xb8: {  	[dreg:$0x5] =	wrdreg s17  }
0xb9: {  	[dreg:$0x6] =	wrdreg s18  }
0xba: {  	[dreg:$0x7] =	wrdreg $0x9  }
0xbb: {  	_ =	task.clear_ibuf [dreg:s10], $0x8FFFF;
	_ =	strace $0x90000046  }
0xbc: {  	s29 =	simm.s32 $0x9;
	_ =	strace $0x80000048  }
0xbd: {  	_ =	swait.ge [sflag:s29], $0x1  }
0xbe: {  	[sflag:s29] =	ssyncadd.s32 $0xFFFFFFFF  }
0xbf: {  	_ =	strace $0x90000048  }
0xc0: {  	_ =	sfence  }
0xc1: {  	s30 =	sld [smem:$0x0];
	_ =	sdelay $0x2  }
0xc2: {  	s31 =	sshll.u32 s1, $0xD;
	s1 =	sshrl.u32 s1, $0x2  }
0xc3: {  	s3 =	sand.u32 $0x4000, s31;
	s1 =	sadd.s32 s1, s30  }
0xc4: {  	s0 =	sor.u32 s3, s0;
	s1 =	sshll.u32 s1, $0x11  }
0xc5: {  	s0 =	sor.u32 s1, s0  }
0xc6: {  	s0 =	sadd.s32 $0x8F2B, s0  }
0xc7: {  	[sflag:s0] =	ssyncadd.remote.s32 $0x1  }
0xc8: {  	_ =	sfence.sel $0xFFFF  }
0xc9: {  	[dreg:$0x0] =	wrdreg $0xFFFFFFFF;
	(pc) =	sbr.abs _section_cstart, $3  }
0xca: {  	[dreg:$0x1] =	wrdreg $0xFFFFFFFF  }
0xcb: {  	_ =	task.clear_ibuf [dreg:s10], $0x2FFFF;
	_ =	strace $0x9FFFFFFF  }
0xcc: {  	(tm) =	ssettm $0x7FFFFFFF  }
0xcd: {  	_ =	shalt  }
tec
execute0_lowered:
.L_overlay_start_1:
0x0: {  	(tag) =	ssettag $0x1  }
0x1: {  	s0 =	srdreg.scid;
	s3 =	stileid.u32  }
0x2: {  	s1 =	sand.u32 $0x1, s0;
	s3 =	sshll.u32 s3, $0x1  }
0x3: {  	s2 =	rddreg [dreg:$0x0];
	s3 =	sor.u32 s1, s3  }
0x4: {  	s4 =	rddreg [dreg:$0x3];
	s5 =	smul.u32 $0x2710, s3  }
0x5: {  	s0 =	rddreg [dreg:$0x2];
	s1 =	ssub.s32 $0x2, s1;
	s10 =	smul.u32 $0x500, s3  }
0x6: {  	s6 =	sadd.s32 $0x2800, s0;
	s7 =	sadd.s32 $0xC800, s0;
	s12 =	smul.u32 $0x2800, s3  }
0x7: {  	s0 =	sadd.s32 $0x1800, s0;
	s8 =	sshrl.u32 s1, $0x1;
	s19 =	smul.u32 $0x7530, s3  }
0x8: {  	s8 =	ssub.s32 s1, s8;
	s9 =	sadd.s32 $0x7D0, s5;
	s21 =	sadd.s32 s6, s10  }
0x9: {  	s5 =	sshrl.u32 s5, $0x3;
	s10 =	sadd.s32 s7, s10;
	[dreg:$0x8] =	wrdreg s21  }
0xa: {  	s11 =	sshrl.u32 s9, $0x3;
	s20 =	sadd.s32 s4, s5;
	[dreg:$0x9] =	wrdreg s10  }
0xb: {  	s22 =	sadd.s32 $0x1F4, s5;
	s13 =	sadd.s32 s2, s11;
	[dreg:$0x7] =	wrdreg s20  }
0xc: {  	s12 =	sshrl.u32 s12, $0x3;
	s23 =	sadd.s32 s2, s22;
	[dreg:$0x6] =	wrdreg s13  }
0xd: {  	s24 =	sadd.s32 $0x100, s12;
	s11 =	sadd.s32 s4, s11;
	[dreg:$0xa] =	wrdreg s23  }
0xe: {  	s1 =	sadd.s32 s2, s5;
	s25 =	sadd.s32 s6, s24;
	[dreg:$0xb] =	wrdreg s11  }
0xf: {  	s26 =	sadd.s32 $0x2EE, s5;
	s10 =	sadd.s32 s7, s24;
	[dreg:$0xc] =	wrdreg s25  }
0x10: {  	s9 =	smul.u32 $0x3, s9;
	s28 =	sadd.s32 s2, s26;
	[dreg:$0xd] =	wrdreg s10  }
0x11: {  	s30 =	sadd.s32 $0x200, s12;
	s29 =	sadd.s32 s4, s22;
	[dreg:$0xe] =	wrdreg s28  }
0x12: {  	s5 =	sadd.s32 $0x3E8, s5;
	s31 =	sadd.s32 s6, s30;
	[dreg:$0xf] =	wrdreg s29  }
0x13: {  	s15 =	sadd.s32 $0x300, s12;
	s2 =	sadd.s32 s2, s5;
	[dreg:$0x10] =	wrdreg s31  }
0x14: {  	s17 =	sadd.s32 $0x400, s12;
	s14 =	sadd.s32 s4, s26;
	[dreg:$0x12] =	wrdreg s2  }
0x15: {  	s21 =	smul.u32 $0xEA6, s3;
	s4 =	sadd.s32 s4, s5;
	[dreg:$0x13] =	wrdreg s14  }
0x16: {  	s12 =	simm.s32 $0x10B00;
	s16 =	sadd.s32 s6, s15;
	[dreg:$0x14] =	wrdreg s4  }
0x17: {  	s18 =	sadd.s32 s6, s17;
	s20 =	simm.s32 $0x0;
	[dreg:$0x15] =	wrdreg s16  }
0x18: {  	s24 =	sadd.s32 $0x2EE0, s19;
	s5 =	simm.s32 $0x7580;
	[dreg:$0x17] =	wrdreg s18  }
0x19: {  	s6 =	simm.s32 $0x0;
	s10 =	sadd.s32 s7, s30;
	[smem:$0x7FF] =	sst s20  }
0x1a: {  	s2 =	sadd.s32 s7, s15;
	s22 =	sshrl.u32 s9, $0x3;
	s23 =	rddreg [dreg:$0x4]  }
0x1b: {  	s26 =	sshrl.u32 s24, $0x3;
	s28 =	sadd.s32 $0x4650, s19;
	s29 =	sadd.s32 $0x5DC0, s19  }
0x1c: {  	s31 =	smax.u32 s8, $0x1;
	s4 =	simm.s32 $0x5;
	s8 =	simm.s32 $0x1  }
0x1d: {  	s9 =	simm.s32 $0x11300;
	s11 =	simm.s32 $0x10300;
	s13 =	simm.s32 $0xEB00  }
0x1e: {  	s14 =	simm.s32 $0xF300;
	s15 =	simm.s32 $0x2;
	s16 =	simm.s32 $0x15280  }
0x1f: {  	s18 =	simm.s32 $0x14280;
	s19 =	simm.s32 $0x14A80;
	[dreg:$0x11] =	wrdreg s10  }
0x20: {  	[dreg:$0x16] =	wrdreg s2;
	s2 =	sadd.s32 s7, s17;
	s25 =	sadd.s32 s23, s22  }
0x21: {  	s3 =	sshrl.u32 s29, $0x3;
	s10 =	simm.s32 $0xFB00;
	[dreg:$0x18] =	wrdreg s2  }
0x22: {  	s17 =	simm.s32 $0x13A80;
	s2 =	sadd.s32 s23, s21;
	[dreg:$0x1a] =	wrdreg s25  }
0x23: {  	s22 =	simm.s32 $0x4;
	[dreg:$0x19] =	wrdreg s2;
	s2 =	sadd.s32 s23, s26  }
0x24: {  	s30 =	sadd.s32 s23, s3;
	[dreg:$0x1b] =	wrdreg s2;
	s2 =	sshrl.u32 s28, $0x3  }
0x25: {  	v0 =	vlaneseq.u32;
	s25 =	sadd.s32 $0x9C40, s1;
	[dreg:$0x1d] =	wrdreg s30;
	s2 =	sadd.s32 s23, s2  }
0x26: {  	v0 =	vmul.u32 $0x3, v0;
	s3 =	sadd.s32 $0xA028, s1;
	s21 =	simm.s32 $0x3;
	[dreg:$0x1c] =	wrdreg s2  }
0x27: {  	s26 =	sadd.s32 $0x9E34, s1;
	_ =	strace $0x80000047;
	[dreg:$0x1e] =	wrdreg s0  }
0x28: {  	v1 =	vadd.s32 $0x1, v0;
	v2 =	vadd.s32 $0x2, v0;
	s2 =	sadd.s32 $0x9F2E, s1;
	[dreg:$0x1f] =	wrdreg s31;
	s0 =	sadd.s32 $0x9D3A, s1  }
.LBB2_1:
0x29: {  	s7 =	rddreg [dreg:$0x1]  }
0x2a: {  	[tilespmem:s20], [sflag:$0x5] =	stream.linear.gather [hbm4b:s7+s20], $0x7580, $0x38;
	[tilespmem:$0x16A00] =	vst v63  }
0x2b: {  	_ =	swait.ge [sflag:s4], $0x7580  }
0x2c: {  	[sflag:s4] =	ssyncset.done $0x0  }
0x2d: {  	s23 =	rddreg [dreg:$0x1e];
	[sflag:s4] =	ssyncadd.s32 $0xFFFF8A80  }
0x2e: {  	[tilespmem:s5], [sflag:$0x5] =	stream.linear.gather [hbm4b:s23+s20], $0x7580, $0x38;
	[tilespmem:$0x16A00] =	vst v63  }
0x2f: {  	_ =	swait.ge [sflag:s4], $0x7580  }
0x30: {  	[sflag:s4] =	ssyncset.done $0x0  }
0x31: {  	[sflag:s4] =	ssyncadd.s32 $0xFFFF8A80  }
0x32: {  	[tilespmem:s13], [sflag:$0x1] =	stream.linear.gather [hbm4b:s1+s20], $0x7D0, $0x38;
	[tilespmem:$0x16A00] =	vst v63  }
0x33: {  	_ = 	snop  }
0x34: {  	[tilespmem:s14], [sflag:$0x1] =	stream.linear.gather [hbm4b:s25+s20], $0x7D0, $0x38;
	[tilespmem:$0x16A00] =	vst v63  }
0x35: {  	s23 =	simm.s32 $0x12A80;
	s24 =	rddreg [dreg:$0x6]  }
0x36: {  	[tilespmem:s23], [sflag:$0x2] =	stream.linear.gather [hbm4b:s24+s20], $0x7D0, $0x38;
	[tilespmem:$0x16A00] =	vst v63  }
0x37: {  	s31 =	simm.s32 $0x13280  }
0x38: {  	[tilespmem:s31], [sflag:$0x2] =	stream.linear.gather [hbm4b:s0+s20], $0x7D0, $0x38;
	[tilespmem:$0x16A00] =	vst v63  }
0x39: {  	_ =	swait.ge [sflag:s8], $0x7D0  }
0x3a: {  	[sflag:s8] =	ssyncset.done $0x0  }
0x3b: {  	[sflag:s8] =	ssyncadd.s32 $0xFFFFF830  }
0x3c: {  	_ =	swait.ge [sflag:s8], $0x7D0  }
0x3d: {  	[sflag:s8] =	ssyncset.done $0x0  }
0x3e: {  	[sflag:s8] =	ssyncadd.s32 $0xFFFFF830  }
0x3f: {  	v3 =	vld [tilespmem:s13+$0x0]  }
0x40: {  	v4 =	vld [tilespmem:s14+$0x0];
	_ =	sdelay $0x3  }
0x41: {  	v3 =	vmul.u32 $0x3, v3  }
0x42: {  	v4 =	vmul.u32 $0x3, v4;
	_ =	sdelay $0x1  }
0x43: {  	v5 =	vadd.s32 $0x1, v3  }
0x44: {  	v6 =	vadd.s32 $0x1, v4  }
0x45: {  	v7 =	vadd.s32 $0x2, v3  }
0x46: {  	v8 =	vadd.s32 $0x2, v4;
	v3 =	vld.idx.msk [tilespmem:v3+s20+$0x0], $0xffff  }
0x47: {  	v4 =	vld.idx.msk [tilespmem:v4+s5+$0x0], $0xffff  }
0x48: {  	v5 =	vld.idx.msk [tilespmem:v5+s20+$0x0], $0xffff  }
0x49: {  	v6 =	vld.idx.msk [tilespmem:v6+s5+$0x0], $0xffff  }
0x4a: {  	v7 =	vld.idx.msk [tilespmem:v7+s20+$0x0], $0xffff  }
0x4b: {  	v8 =	vld.idx.msk [tilespmem:v8+s5+$0x0], $0xffff;
	_ =	sdelay $0x2  }
0x4c: {  	v3 =	vsub.f32 v3, v4;
	v4 =	vsub.f32 v5, v6;
	_ =	sdelay $0x1  }
0x4d: {  	v5 =	vsub.f32 v7, v8;
	v6 =	vmul.f32 v3, v3;
	v7 =	vmul.f32 v4, v4;
	_ =	sdelay $0x1  }
0x4e: {  	v6 =	vadd.f32 v7, v6;
	v7 =	vmul.f32 v5, v5;
	_ =	sdelay $0x1  }
0x4f: {  	v6 =	vadd.f32 v7, v6;
	_ =	sdelay $0x1  }
0x50: {  	v7 =	vshrl.u32 v6, $0x1;
	v55 =	vmul.f32 $5.000000000e-01, v6  }
0x51: {  	v7 =	vsub.s32 $0x5F3759DF, v7  }
0x52: {  	v9 =	vmul.f32 v7, v55;
	_ =	sdelay $0x1  }
0x53: {  	v9 =	vmul.f32 v7, v9;
	_ =	sdelay $0x1  }
0x54: {  	v9 =	vsub.f32 $1.500000000e+00, v9;
	_ =	sdelay $0x1  }
0x55: {  	v7 =	vmul.f32 v7, v9  }
0x56: {  	v56 =	vmin.f32 v6, $1.000000000e+02  }
0x57: {  	v9 =	vmul.f32 $9.869604550e-02, v56;
	v10 =	vmul.f32 v7, v55;
	_ =	sdelay $0x1  }
0x58: {  	v11 =	vmul.f32 $1.724375200e-09, v9;
	v10 =	vmul.f32 v10, v7;
	_ =	sdelay $0x1  }
0x59: {  	v11 =	vadd.f32 $-2.707544980e-07, v11;
	v10 =	vsub.f32 $1.500000000e+00, v10;
	_ =	sdelay $0x1  }
0x5a: {  	v11 =	vmul.f32 v11, v9;
	v7 =	vmul.f32 v10, v7;
	_ =	sdelay $0x1  }
0x5b: {  	v57 =	vadd.f32 $2.476905320e-05, v11;
	v8 =	vmul.f32 v7, v55;
	_ =	sdelay $0x1  }
0x5c: {  	v10 =	vmul.f32 v57, v9;
	v8 =	vmul.f32 v8, v7;
	_ =	sdelay $0x1  }
0x5d: {  	v10 =	vadd.f32 $-1.388773210e-03, v10;
	v8 =	vsub.f32 $1.500000000e+00, v8;
	_ =	sdelay $0x1  }
0x5e: {  	v10 =	vmul.f32 v10, v9;
	v7 =	vmul.f32 v8, v7;
	_ =	sdelay $0x1  }
0x5f: {  	v58 =	vadd.f32 $4.166646300e-02, v10;
	v59 =	vmul.f32 v7, v6;
	_ =	sdelay $0x1  }
0x60: {  	v8 =	vmul.f32 v58, v9;
	v60 =	vmul.f32 $-5.000000000e-01, v59;
	_ =	sdelay $0x1  }
0x61: {  	v8 =	vadd.f32 $-4.999998510e-01, v8;
	v11 =	vmul.f32 $1.442695020e+00, v60;
	_ =	sdelay $0x1  }
0x62: {  	v8 =	vmul.f32 v8, v9;
	(erf) = vpow2.f32 v11;
	_ =	sdelay $0x1  }
0x63: {  	v8 =	vadd.f32 $1.000000000e+00, v8;
	_ =	sdelay $0x1  }
0x64: {  	v8 =	vadd.f32 $1.000000000e+00, v8;
	_ =	sdelay $0x1  }
0x65: {  	v61 =	vadd.s32 s20, v0;
	v8 =	vmul.f32 $5.000000000e-01, v8  }
0x66: {  	vm0 =	vlt.f32 v6, $1.000000000e+02;
	v6 =	vadd.s32 s20, v1  }
0x67: {  	v63 =	vmul.f32 v7, v4;
	v4 =	vadd.s32 s20, v2;
	[tilespmem:s10+$0x0] =	vst v59;
	v8 =	vnsel vm0, $0x0, v8  }
0x68: {  	v3 =	vmul.f32 v7, v3;
	[tilespmem:s11+$0x0] =	vst v8;
	v62 =	vpop (erf)  }
0x69: {  	[tilespmem:s12+$0x0] =	vst v62  }
0x6a: {  	s28 =	simm.s32 $0xEB00;
	s29 =	simm.s32 $0xF300;
	s30 =	simm.s32 $0xFB00;
	[tilespmem:v61+s9+$0x0] =	vst.idx.msk $0xffff, v3;
	v3 =	vmul.f32 v7, v5  }
0x6b: {  	s7 =	simm.s32 $0x30;
	s23 =	simm.s32 $0x10310;
	s24 =	simm.s32 $0x10B10;
	[tilespmem:v6+s9+$0x0] =	vst.idx.msk $0xffff, v63  }
.LBB2_2:
0x6c: {  	[tilespmem:v4+s9+$0x0] =	vst.idx.msk $0xffff, v3;
	s28 =	sadd.s32 $0x10, s28;
	s29 =	sadd.s32 $0x10, s29;
	s30 =	sadd.s32 $0x10, s30  }
0x6d: {  	p0 =	sne.s32 s7, $0x1740;
	s31 =	smov.u32 s7;
	s7 =	sadd.s32 $0x30, s7;
	v3 =	vld [tilespmem:s28+$0x0]  }
0x6e: {  	_ = 	snop  }
0x6f: {  	v4 =	vld [tilespmem:s29+$0x0];
	_ =	sdelay $0x2  }
0x70: {  	v3 =	vmul.u32 $0x3, v3;
	_ =	sdelay $0x1  }
0x71: {  	v4 =	vmul.u32 $0x3, v4;
	v5 =	vadd.s32 $0x1, v3;
	v6 =	vadd.s32 $0x2, v3;
	_ =	sdelay $0x1  }
0x72: {  	v7 =	vadd.s32 $0x1, v4;
	v8 =	vadd.s32 $0x2, v4;
	_ =	sdelay $0x1  }
0x73: {  	v3 =	vld.idx.msk [tilespmem:v3+s20+$0x0], $0xffff  }
0x74: {  	v5 =	vld.idx.msk [tilespmem:v5+s20+$0x0], $0xffff  }
0x75: {  	v4 =	vld.idx.msk [tilespmem:v4+s5+$0x0], $0xffff  }
0x76: {  	v7 =	vld.idx.msk [tilespmem:v7+s5+$0x0], $0xffff  }
0x77: {  	v6 =	vld.idx.msk [tilespmem:v6+s20+$0x0], $0xffff  }
0x78: {  	v8 =	vld.idx.msk [tilespmem:v8+s5+$0x0], $0xffff;
	_ =	sdelay $0x3  }
0x79: {  	v3 =	vsub.f32 v3, v4;
	v4 =	vsub.f32 v5, v7;
	_ =	sdelay $0x1  }
0x7a: {  	v5 =	vsub.f32 v6, v8;
	v6 =	vmul.f32 v3, v3;
	v7 =	vmul.f32 v4, v4;
	_ =	sdelay $0x1  }
0x7b: {  	v6 =	vadd.f32 v7, v6;
	v7 =	vmul.f32 v5, v5;
	_ =	sdelay $0x1  }
0x7c: {  	v6 =	vadd.f32 v7, v6;
	_ =	sdelay $0x1  }
0x7d: {  	v7 =	vshrl.u32 v6, $0x1;
	v8 =	vmul.f32 $5.000000000e-01, v6;
	v9 =	vmin.f32 v6, $1.000000000e+02  }
0x7e: {  	v7 =	vsub.s32 $0x5F3759DF, v7;
	v9 =	vmul.f32 $9.869604550e-02, v9  }
0x7f: {  	v10 =	vmul.f32 v7, v8  }
0x80: {  	v11 =	vmul.f32 $1.724375200e-09, v9  }
0x81: {  	v10 =	vmul.f32 v7, v10  }
0x82: {  	v11 =	vadd.f32 $-2.707544980e-07, v11  }
0x83: {  	v10 =	vsub.f32 $1.500000000e+00, v10  }
0x84: {  	v11 =	vmul.f32 v11, v9  }
0x85: {  	v7 =	vmul.f32 v7, v10  }
0x86: {  	v10 =	vadd.f32 $2.476905320e-05, v11  }
0x87: {  	v11 =	vmul.f32 v7, v8  }
0x88: {  	v10 =	vmul.f32 v10, v9  }
0x89: {  	v11 =	vmul.f32 v11, v7  }
0x8a: {  	v10 =	vadd.f32 $-1.388773210e-03, v10  }
0x8b: {  	v11 =	vsub.f32 $1.500000000e+00, v11  }
0x8c: {  	v10 =	vmul.f32 v10, v9  }
0x8d: {  	v7 =	vmul.f32 v11, v7  }
0x8e: {  	v10 =	vadd.f32 $4.166646300e-02, v10  }
0x8f: {  	v8 =	vmul.f32 v7, v8  }
0x90: {  	v10 =	vmul.f32 v10, v9  }
0x91: {  	v8 =	vmul.f32 v8, v7  }
0x92: {  	v10 =	vadd.f32 $-4.999998510e-01, v10  }
0x93: {  	v8 =	vsub.f32 $1.500000000e+00, v8  }
0x94: {  	v9 =	vmul.f32 v10, v9  }
0x95: {  	v7 =	vmul.f32 v8, v7  }
0x96: {  	v8 =	vadd.f32 $1.000000000e+00, v9  }
0x97: {  	v9 =	vmul.f32 v7, v6;
	v10 =	vmul.f32 v7, v3  }
0x98: {  	v11 =	vmul.f32 v7, v4;
	v3 =	vmul.f32 v7, v5;
	v8 =	vadd.f32 $1.000000000e+00, v8  }
0x99: {  	v4 =	vmul.f32 $-5.000000000e-01, v9;
	[tilespmem:s30+$0x0] =	vst v9  }
0x9a: {  	v5 =	vmul.f32 $5.000000000e-01, v8  }
0x9b: {  	vm0 =	vlt.f32 v6, $1.000000000e+02;
	v4 =	vmul.f32 $1.442695020e+00, v4  }
0x9c: {  	v5 =	vnsel vm0, $0x0, v5  }
0x9d: {  	[tilespmem:s23+$0x0] =	vst v5;
	(erf) = vpow2.f32 v4;
	_ =	sdelay $0x5  }
0x9e: {  	v5 =	vadd.s32 s31, v0  }
0x9f: {  	v6 =	vadd.s32 s31, v1  }
.Ltmp0:
0xa0: {  	v4 =	vadd.s32 s31, v2;
	(pc) =	sbr.rel @p0 .LBB2_2-.Ltmp0, $4  }
0xa1: {  	v7 =	vpop (erf)  }
0xa2: {  	[tilespmem:s24+$0x0] =	vst v7  }
0xa3: {  	[tilespmem:v5+s9+$0x0] =	vst.idx.msk $0xffff, v10  }
0xa4: {  	s23 =	sadd.s32 $0x10, s23;
	s24 =	sadd.s32 $0x10, s24;
	[tilespmem:v6+s9+$0x0] =	vst.idx.msk $0xffff, v11  }
0xa5: {  	_ =	sdelay $0x3  }
0xa6: {  	[tilespmem:v4+s9+$0x0] =	vst.idx.msk $0xffff, v3;
	s29 =	simm.s32 $0x0;
	s7 =	rddreg [dreg:$0x7]  }
0xa7: {  	[hbm4b:s7+s29] =	stream.linear.scatter [tilespmem:s10], [sflag:$0x3], $0x7D0, $0x38;
	[tilespmem:$0x16A00] =	vst v63  }
0xa8: {  	s31 =	rddreg [dreg:$0x8]  }
0xa9: {  	[hbm4b:s31+s29] =	stream.linear.scatter [tilespmem:s11], [sflag:$0x3], $0x800, $0x38;
	[tilespmem:$0x16A00] =	vst v63  }
0xaa: {  	s23 =	rddreg [dreg:$0x9]  }
0xab: {  	[hbm4b:s23+s29] =	stream.linear.scatter [tilespmem:s12], [sflag:$0x3], $0x800, $0x38;
	[tilespmem:$0x16A00] =	vst v63  }
0xac: {  	s24 =	rddreg [dreg:$0x19]  }
0xad: {  	[hbm4b:s24+s29] =	stream.linear.scatter [tilespmem:s9], [sflag:$0x3], $0x1770, $0x38;
	[tilespmem:$0x16A00] =	vst v63  }
0xae: {  	s31 =	rddreg [dreg:$0xa]  }
0xaf: {  	[tilespmem:s13], [sflag:$0x1] =	stream.linear.gather [hbm4b:s31+s29], $0x7D0, $0x38;
	[tilespmem:$0x16A00] =	vst v63  }
0xb0: {  	_ = 	snop  }
0xb1: {  	[tilespmem:s14], [sflag:$0x1] =	stream.linear.gather [hbm4b:s26+s29], $0x7D0, $0x38;
	[tilespmem:$0x16A00] =	vst v63  }
0xb2: {  	_ =	swait.ge [sflag:s15], $0x7D0  }
0xb3: {  	[sflag:s15] =	ssyncset.done $0x0  }
0xb4: {  	[sflag:s15] =	ssyncadd.s32 $0xFFFFF830  }
0xb5: {  	_ =	swait.ge [sflag:s15], $0x7D0  }
0xb6: {  	[sflag:s15] =	ssyncset.done $0x0  }
0xb7: {  	s23 =	simm.s32 $0x12A80;
	[sflag:s15] =	ssyncadd.s32 $0xFFFFF830  }
0xb8: {  	s7 =	simm.s32 $0x13280;
	v3 =	vld [tilespmem:s23+$0x0]  }
0xb9: {  	v4 =	vld [tilespmem:s7+$0x0];
	_ =	sdelay $0x3  }
0xba: {  	v3 =	vmul.u32 $0x3, v3  }
0xbb: {  	v4 =	vmul.u32 $0x3, v4;
	_ =	sdelay $0x1  }
0xbc: {  	v5 =	vadd.s32 $0x1, v3  }
0xbd: {  	v6 =	vadd.s32 $0x1, v4  }
0xbe: {  	v7 =	vadd.s32 $0x2, v3  }
0xbf: {  	v8 =	vadd.s32 $0x2, v4;
	v3 =	vld.idx.msk [tilespmem:v3+s20+$0x0], $0xffff  }
0xc0: {  	v4 =	vld.idx.msk [tilespmem:v4+s5+$0x0], $0xffff  }
0xc1: {  	v5 =	vld.idx.msk [tilespmem:v5+s20+$0x0], $0xffff  }
0xc2: {  	v6 =	vld.idx.msk [tilespmem:v6+s5+$0x0], $0xffff  }
0xc3: {  	v7 =	vld.idx.msk [tilespmem:v7+s20+$0x0], $0xffff  }
0xc4: {  	v8 =	vld.idx.msk [tilespmem:v8+s5+$0x0], $0xffff;
	_ =	sdelay $0x2  }
0xc5: {  	v3 =	vsub.f32 v3, v4;
	v4 =	vsub.f32 v5, v6;
	_ =	sdelay $0x1  }
0xc6: {  	v5 =	vsub.f32 v7, v8;
	v6 =	vmul.f32 v3, v3;
	v7 =	vmul.f32 v4, v4;
	_ =	sdelay $0x1  }
0xc7: {  	v6 =	vadd.f32 v7, v6;
	v7 =	vmul.f32 v5, v5;
	_ =	sdelay $0x1  }
0xc8: {  	v6 =	vadd.f32 v7, v6;
	_ =	sdelay $0x1  }
0xc9: {  	v7 =	vshrl.u32 v6, $0x1;
	v55 =	vmul.f32 $5.000000000e-01, v6  }
0xca: {  	v7 =	vsub.s32 $0x5F3759DF, v7  }
0xcb: {  	v9 =	vmul.f32 v7, v55;
	_ =	sdelay $0x1  }
0xcc: {  	v9 =	vmul.f32 v7, v9;
	_ =	sdelay $0x1  }
0xcd: {  	v9 =	vsub.f32 $1.500000000e+00, v9;
	_ =	sdelay $0x1  }
0xce: {  	v7 =	vmul.f32 v7, v9  }
0xcf: {  	v56 =	vmin.f32 v6, $1.000000000e+02  }
0xd0: {  	v9 =	vmul.f32 $9.869604550e-02, v56;
	v10 =	vmul.f32 v7, v55;
	_ =	sdelay $0x1  }
0xd1: {  	v11 =	vmul.f32 $1.724375200e-09, v9;
	v10 =	vmul.f32 v10, v7;
	_ =	sdelay $0x1  }
0xd2: {  	v11 =	vadd.f32 $-2.707544980e-07, v11;
	v10 =	vsub.f32 $1.500000000e+00, v10;
	_ =	sdelay $0x1  }
0xd3: {  	v11 =	vmul.f32 v11, v9;
	v7 =	vmul.f32 v10, v7;
	_ =	sdelay $0x1  }
0xd4: {  	v57 =	vadd.f32 $2.476905320e-05, v11;
	v8 =	vmul.f32 v7, v55;
	_ =	sdelay $0x1  }
0xd5: {  	v10 =	vmul.f32 v57, v9;
	v8 =	vmul.f32 v8, v7;
	_ =	sdelay $0x1  }
0xd6: {  	v10 =	vadd.f32 $-1.388773210e-03, v10;
	v8 =	vsub.f32 $1.500000000e+00, v8;
	_ =	sdelay $0x1  }
0xd7: {  	v10 =	vmul.f32 v10, v9;
	v7 =	vmul.f32 v8, v7;
	_ =	sdelay $0x1  }
0xd8: {  	v58 =	vadd.f32 $4.166646300e-02, v10;
	v59 =	vmul.f32 v7, v6;
	_ =	sdelay $0x1  }
0xd9: {  	v8 =	vmul.f32 v58, v9;
	v60 =	vmul.f32 $-5.000000000e-01, v59;
	_ =	sdelay $0x1  }
0xda: {  	v8 =	vadd.f32 $-4.999998510e-01, v8;
	v11 =	vmul.f32 $1.442695020e+00, v60;
	_ =	sdelay $0x1  }
0xdb: {  	v8 =	vmul.f32 v8, v9;
	(erf) = vpow2.f32 v11;
	_ =	sdelay $0x1  }
0xdc: {  	v8 =	vadd.f32 $1.000000000e+00, v8;
	_ =	sdelay $0x1  }
0xdd: {  	v8 =	vadd.f32 $1.000000000e+00, v8;
	_ =	sdelay $0x1  }
0xde: {  	v61 =	vadd.s32 s29, v0;
	v8 =	vmul.f32 $5.000000000e-01, v8  }
0xdf: {  	s24 =	simm.s32 $0x13A80;
	vm0 =	vlt.f32 v6, $1.000000000e+02;
	v6 =	vadd.s32 s29, v1  }
0xe0: {  	s28 =	simm.s32 $0x14280;
	v63 =	vmul.f32 v7, v4;
	v4 =	vadd.s32 s29, v2;
	[tilespmem:s24+$0x0] =	vst v59;
	v8 =	vnsel vm0, $0x0, v8  }
0xe1: {  	s30 =	simm.s32 $0x14A80;
	v3 =	vmul.f32 v7, v3;
	[tilespmem:s28+$0x0] =	vst v8;
	v62 =	vpop (erf)  }
0xe2: {  	[tilespmem:s30+$0x0] =	vst v62  }
0xe3: {  	[tilespmem:v61+s16+$0x0] =	vst.idx.msk $0xffff, v3;
	v3 =	vmul.f32 v7, v5  }
0xe4: {  	s29 =	simm.s32 $0x14290;
	s28 =	simm.s32 $0x30;
	s30 =	simm.s32 $0x14A90;
	[tilespmem:v6+s16+$0x0] =	vst.idx.msk $0xffff, v63  }
.LBB2_4:
0xe5: {  	[tilespmem:v4+s16+$0x0] =	vst.idx.msk $0xffff, v3;
	s23 =	sadd.s32 $0x10, s23;
	s7 =	sadd.s32 $0x10, s7;
	s24 =	sadd.s32 $0x10, s24  }
0xe6: {  	p0 =	sne.s32 s28, $0x1740;
	s31 =	smov.u32 s28;
	s28 =	sadd.s32 $0x30, s28;
	v3 =	vld [tilespmem:s23+$0x0]  }
0xe7: {  	_ = 	snop  }
0xe8: {  	v4 =	vld [tilespmem:s7+$0x0];
	_ =	sdelay $0x2  }
0xe9: {  	v3 =	vmul.u32 $0x3, v3;
	_ =	sdelay $0x1  }
0xea: {  	v4 =	vmul.u32 $0x3, v4;
	v5 =	vadd.s32 $0x1, v3;
	v6 =	vadd.s32 $0x2, v3;
	_ =	sdelay $0x1  }
0xeb: {  	v7 =	vadd.s32 $0x1, v4;
	v8 =	vadd.s32 $0x2, v4;
	_ =	sdelay $0x1  }
0xec: {  	v3 =	vld.idx.msk [tilespmem:v3+s20+$0x0], $0xffff  }
0xed: {  	v5 =	vld.idx.msk [tilespmem:v5+s20+$0x0], $0xffff  }
0xee: {  	v4 =	vld.idx.msk [tilespmem:v4+s5+$0x0], $0xffff  }
0xef: {  	v7 =	vld.idx.msk [tilespmem:v7+s5+$0x0], $0xffff  }
0xf0: {  	v6 =	vld.idx.msk [tilespmem:v6+s20+$0x0], $0xffff  }
0xf1: {  	v8 =	vld.idx.msk [tilespmem:v8+s5+$0x0], $0xffff;
	_ =	sdelay $0x3  }
0xf2: {  	v3 =	vsub.f32 v3, v4;
	v4 =	vsub.f32 v5, v7;
	_ =	sdelay $0x1  }
0xf3: {  	v5 =	vsub.f32 v6, v8;
	v6 =	vmul.f32 v3, v3;
	v7 =	vmul.f32 v4, v4;
	_ =	sdelay $0x1  }
0xf4: {  	v6 =	vadd.f32 v7, v6;
	v7 =	vmul.f32 v5, v5;
	_ =	sdelay $0x1  }
0xf5: {  	v6 =	vadd.f32 v7, v6;
	_ =	sdelay $0x1  }
0xf6: {  	v7 =	vshrl.u32 v6, $0x1;
	v8 =	vmul.f32 $5.000000000e-01, v6;
	v9 =	vmin.f32 v6, $1.000000000e+02  }
0xf7: {  	v7 =	vsub.s32 $0x5F3759DF, v7;
	v9 =	vmul.f32 $9.869604550e-02, v9  }
0xf8: {  	v10 =	vmul.f32 v7, v8  }
0xf9: {  	v11 =	vmul.f32 $1.724375200e-09, v9  }
0xfa: {  	v10 =	vmul.f32 v7, v10  }
0xfb: {  	v11 =	vadd.f32 $-2.707544980e-07, v11  }
0xfc: {  	v10 =	vsub.f32 $1.500000000e+00, v10  }
0xfd: {  	v11 =	vmul.f32 v11, v9  }
0xfe: {  	v7 =	vmul.f32 v7, v10  }
0xff: {  	v10 =	vadd.f32 $2.476905320e-05, v11  }
0x100: {  	v11 =	vmul.f32 v7, v8  }
0x101: {  	v10 =	vmul.f32 v10, v9  }
0x102: {  	v11 =	vmul.f32 v11, v7  }
0x103: {  	v10 =	vadd.f32 $-1.388773210e-03, v10  }
0x104: {  	v11 =	vsub.f32 $1.500000000e+00, v11  }
0x105: {  	v10 =	vmul.f32 v10, v9  }
0x106: {  	v7 =	vmul.f32 v11, v7  }
0x107: {  	v10 =	vadd.f32 $4.166646300e-02, v10  }
0x108: {  	v8 =	vmul.f32 v7, v8  }
0x109: {  	v10 =	vmul.f32 v10, v9  }
0x10a: {  	v8 =	vmul.f32 v8, v7  }
0x10b: {  	v10 =	vadd.f32 $-4.999998510e-01, v10  }
0x10c: {  	v8 =	vsub.f32 $1.500000000e+00, v8  }
0x10d: {  	v9 =	vmul.f32 v10, v9  }
0x10e: {  	v7 =	vmul.f32 v8, v7  }
0x10f: {  	v8 =	vadd.f32 $1.000000000e+00, v9  }
0x110: {  	v9 =	vmul.f32 v7, v6;
	v10 =	vmul.f32 v7, v3  }
0x111: {  	v11 =	vmul.f32 v7, v4;
	v3 =	vmul.f32 v7, v5;
	v8 =	vadd.f32 $1.000000000e+00, v8  }
0x112: {  	v4 =	vmul.f32 $-5.000000000e-01, v9;
	[tilespmem:s24+$0x0] =	vst v9  }
0x113: {  	v5 =	vmul.f32 $5.000000000e-01, v8  }
0x114: {  	vm0 =	vlt.f32 v6, $1.000000000e+02;
	v4 =	vmul.f32 $1.442695020e+00, v4  }
0x115: {  	v5 =	vnsel vm0, $0x0, v5  }
0x116: {  	[tilespmem:s29+$0x0] =	vst v5;
	(erf) = vpow2.f32 v4;
	_ =	sdelay $0x5  }
0x117: {  	v5 =	vadd.s32 s31, v0  }
0x118: {  	v6 =	vadd.s32 s31, v1  }
.Ltmp1:
0x119: {  	v4 =	vadd.s32 s31, v2;
	(pc) =	sbr.rel @p0 .LBB2_4-.Ltmp1, $4  }
0x11a: {  	v7 =	vpop (erf)  }
0x11b: {  	[tilespmem:s30+$0x0] =	vst v7  }
0x11c: {  	[tilespmem:v5+s16+$0x0] =	vst.idx.msk $0xffff, v10  }
0x11d: {  	s29 =	sadd.s32 $0x10, s29;
	s30 =	sadd.s32 $0x10, s30;
	[tilespmem:v6+s16+$0x0] =	vst.idx.msk $0xffff, v11  }
0x11e: {  	_ =	sdelay $0x3  }
0x11f: {  	[tilespmem:v4+s16+$0x0] =	vst.idx.msk $0xffff, v3;
	s29 =	simm.s32 $0x0;
	s7 =	rddreg [dreg:$0xb]  }
0x120: {  	[hbm4b:s7+s29] =	stream.linear.scatter [tilespmem:s17], [sflag:$0x4], $0x7D0, $0x38;
	[tilespmem:$0x16A00] =	vst v63  }
0x121: {  	s24 =	rddreg [dreg:$0xc]  }
0x122: {  	[hbm4b:s24+s29] =	stream.linear.scatter [tilespmem:s18], [sflag:$0x4], $0x800, $0x38;
	[tilespmem:$0x16A00] =	vst v63  }
0x123: {  	s31 =	rddreg [dreg:$0xd]  }
0x124: {  	[hbm4b:s31+s29] =	stream.linear.scatter [tilespmem:s19], [sflag:$0x4], $0x800, $0x38;
	[tilespmem:$0x16A00] =	vst v63  }
0x125: {  	s23 =	rddreg [dreg:$0x1a]  }
0x126: {  	[hbm4b:s23+s29] =	stream.linear.scatter [tilespmem:s16], [sflag:$0x4], $0x1770, $0x38;
	[tilespmem:$0x16A00] =	vst v63  }
0x127: {  	s24 =	rddreg [dreg:$0xe];
	s23 =	simm.s32 $0x12A80  }
0x128: {  	[tilespmem:s23], [sflag:$0x2] =	stream.linear.gather [hbm4b:s24+s29], $0x7D0, $0x38;
	[tilespmem:$0x16A00] =	vst v63  }
0x129: {  	s31 =	simm.s32 $0x13280  }
0x12a: {  	[tilespmem:s31], [sflag:$0x2] =	stream.linear.gather [hbm4b:s2+s29], $0x7D0, $0x38;
	[tilespmem:$0x16A00] =	vst v63  }
0x12b: {  	_ =	swait.ge [sflag:s8], $0x7D0  }
0x12c: {  	[sflag:s8] =	ssyncset.done $0x0  }
0x12d: {  	[sflag:s8] =	ssyncadd.s32 $0xFFFFF830  }
0x12e: {  	_ =	swait.ge [sflag:s8], $0x7D0  }
0x12f: {  	[sflag:s8] =	ssyncset.done $0x0  }
0x130: {  	[sflag:s8] =	ssyncadd.s32 $0xFFFFF830  }
0x131: {  	_ =	swait.ge [sflag:s21], $0x7D0  }
0x132: {  	[sflag:s21] =	ssyncset.done $0x0  }
0x133: {  	[sflag:s21] =	ssyncadd.s32 $0xFFFFF830  }
0x134: {  	_ =	swait.ge [sflag:s21], $0x800  }
0x135: {  	[sflag:s21] =	ssyncset.done $0x0  }
0x136: {  	[sflag:s21] =	ssyncadd.s32 $0xFFFFF800  }
0x137: {  	_ =	swait.ge [sflag:s21], $0x800  }
0x138: {  	[sflag:s21] =	ssyncset.done $0x0  }
0x139: {  	[sflag:s21] =	ssyncadd.s32 $0xFFFFF800  }
0x13a: {  	_ =	swait.ge [sflag:s21], $0x1770  }
0x13b: {  	[sflag:s21] =	ssyncset.done $0x0  }
0x13c: {  	s23 =	simm.s32 $0xEB00;
	[sflag:s21] =	ssyncadd.s32 $0xFFFFE890  }
0x13d: {  	s7 =	simm.s32 $0xF300;
	v3 =	vld [tilespmem:s23+$0x0]  }
0x13e: {  	v4 =	vld [tilespmem:s7+$0x0];
	_ =	sdelay $0x3  }
0x13f: {  	v3 =	vmul.u32 $0x3, v3  }
0x140: {  	v4 =	vmul.u32 $0x3, v4;
	_ =	sdelay $0x1  }
0x141: {  	v5 =	vadd.s32 $0x1, v3  }
0x142: {  	v6 =	vadd.s32 $0x1, v4  }
0x143: {  	v7 =	vadd.s32 $0x2, v3  }
0x144: {  	v8 =	vadd.s32 $0x2, v4;
	v3 =	vld.idx.msk [tilespmem:v3+s20+$0x0], $0xffff  }
0x145: {  	v4 =	vld.idx.msk [tilespmem:v4+s5+$0x0], $0xffff  }
0x146: {  	v5 =	vld.idx.msk [tilespmem:v5+s20+$0x0], $0xffff  }
0x147: {  	v6 =	vld.idx.msk [tilespmem:v6+s5+$0x0], $0xffff  }
0x148: {  	v7 =	vld.idx.msk [tilespmem:v7+s20+$0x0], $0xffff  }
0x149: {  	v8 =	vld.idx.msk [tilespmem:v8+s5+$0x0], $0xffff;
	_ =	sdelay $0x2  }
0x14a: {  	v3 =	vsub.f32 v3, v4;
	v4 =	vsub.f32 v5, v6;
	_ =	sdelay $0x1  }
0x14b: {  	v5 =	vsub.f32 v7, v8;
	v6 =	vmul.f32 v3, v3;
	v7 =	vmul.f32 v4, v4;
	_ =	sdelay $0x1  }
0x14c: {  	v6 =	vadd.f32 v7, v6;
	v7 =	vmul.f32 v5, v5;
	_ =	sdelay $0x1  }
0x14d: {  	v6 =	vadd.f32 v7, v6;
	_ =	sdelay $0x1  }
0x14e: {  	v7 =	vshrl.u32 v6, $0x1;
	v55 =	vmul.f32 $5.000000000e-01, v6  }
0x14f: {  	v7 =	vsub.s32 $0x5F3759DF, v7  }
0x150: {  	v9 =	vmul.f32 v7, v55;
	_ =	sdelay $0x1  }
0x151: {  	v9 =	vmul.f32 v7, v9;
	_ =	sdelay $0x1  }
0x152: {  	v9 =	vsub.f32 $1.500000000e+00, v9;
	_ =	sdelay $0x1  }
0x153: {  	v7 =	vmul.f32 v7, v9  }
0x154: {  	v56 =	vmin.f32 v6, $1.000000000e+02  }
0x155: {  	v9 =	vmul.f32 $9.869604550e-02, v56;
	v10 =	vmul.f32 v7, v55;
	_ =	sdelay $0x1  }
0x156: {  	v11 =	vmul.f32 $1.724375200e-09, v9;
	v10 =	vmul.f32 v10, v7;
	_ =	sdelay $0x1  }
0x157: {  	v11 =	vadd.f32 $-2.707544980e-07, v11;
	v10 =	vsub.f32 $1.500000000e+00, v10;
	_ =	sdelay $0x1  }
0x158: {  	v11 =	vmul.f32 v11, v9;
	v7 =	vmul.f32 v10, v7;
	_ =	sdelay $0x1  }
0x159: {  	v57 =	vadd.f32 $2.476905320e-05, v11;
	v8 =	vmul.f32 v7, v55;
	_ =	sdelay $0x1  }
0x15a: {  	v10 =	vmul.f32 v57, v9;
	v8 =	vmul.f32 v8, v7;
	_ =	sdelay $0x1  }
0x15b: {  	v10 =	vadd.f32 $-1.388773210e-03, v10;
	v8 =	vsub.f32 $1.500000000e+00, v8;
	_ =	sdelay $0x1  }
0x15c: {  	v10 =	vmul.f32 v10, v9;
	v7 =	vmul.f32 v8, v7;
	_ =	sdelay $0x1  }
0x15d: {  	v58 =	vadd.f32 $4.166646300e-02, v10;
	v59 =	vmul.f32 v7, v6;
	_ =	sdelay $0x1  }
0x15e: {  	v8 =	vmul.f32 v58, v9;
	v60 =	vmul.f32 $-5.000000000e-01, v59;
	_ =	sdelay $0x1  }
0x15f: {  	v8 =	vadd.f32 $-4.999998510e-01, v8;
	v11 =	vmul.f32 $1.442695020e+00, v60;
	_ =	sdelay $0x1  }
0x160: {  	v8 =	vmul.f32 v8, v9;
	(erf) = vpow2.f32 v11;
	_ =	sdelay $0x1  }
0x161: {  	v8 =	vadd.f32 $1.000000000e+00, v8;
	_ =	sdelay $0x1  }
0x162: {  	v8 =	vadd.f32 $1.000000000e+00, v8;
	_ =	sdelay $0x1  }
0x163: {  	v61 =	vadd.s32 s29, v0;
	v8 =	vmul.f32 $5.000000000e-01, v8  }
0x164: {  	s24 =	simm.s32 $0xFB00;
	vm0 =	vlt.f32 v6, $1.000000000e+02;
	v6 =	vadd.s32 s29, v1  }
0x165: {  	s28 =	simm.s32 $0x10300;
	v63 =	vmul.f32 v7, v4;
	v4 =	vadd.s32 s29, v2;
	[tilespmem:s24+$0x0] =	vst v59;
	v8 =	vnsel vm0, $0x0, v8  }
0x166: {  	s30 =	simm.s32 $0x10B00;
	v3 =	vmul.f32 v7, v3;
	[tilespmem:s28+$0x0] =	vst v8;
	v62 =	vpop (erf)  }
0x167: {  	[tilespmem:s30+$0x0] =	vst v62  }
0x168: {  	[tilespmem:v61+s9+$0x0] =	vst.idx.msk $0xffff, v3;
	v3 =	vmul.f32 v7, v5  }
0x169: {  	s29 =	simm.s32 $0x10310;
	s28 =	simm.s32 $0x30;
	s30 =	simm.s32 $0x10B10;
	[tilespmem:v6+s9+$0x0] =	vst.idx.msk $0xffff, v63  }
.LBB2_6:
0x16a: {  	[tilespmem:v4+s9+$0x0] =	vst.idx.msk $0xffff, v3;
	s23 =	sadd.s32 $0x10, s23;
	s7 =	sadd.s32 $0x10, s7;
	s24 =	sadd.s32 $0x10, s24  }
0x16b: {  	p0 =	sne.s32 s28, $0x1740;
	s31 =	smov.u32 s28;
	s28 =	sadd.s32 $0x30, s28;
	v3 =	vld [tilespmem:s23+$0x0]  }
0x16c: {  	_ = 	snop  }
0x16d: {  	v4 =	vld [tilespmem:s7+$0x0];
	_ =	sdelay $0x2  }
0x16e: {  	v3 =	vmul.u32 $0x3, v3;
	_ =	sdelay $0x1  }
0x16f: {  	v4 =	vmul.u32 $0x3, v4;
	v5 =	vadd.s32 $0x1, v3;
	v6 =	vadd.s32 $0x2, v3;
	_ =	sdelay $0x1  }
0x170: {  	v7 =	vadd.s32 $0x1, v4;
	v8 =	vadd.s32 $0x2, v4;
	_ =	sdelay $0x1  }
0x171: {  	v3 =	vld.idx.msk [tilespmem:v3+s20+$0x0], $0xffff  }
0x172: {  	v5 =	vld.idx.msk [tilespmem:v5+s20+$0x0], $0xffff  }
0x173: {  	v4 =	vld.idx.msk [tilespmem:v4+s5+$0x0], $0xffff  }
0x174: {  	v7 =	vld.idx.msk [tilespmem:v7+s5+$0x0], $0xffff  }
0x175: {  	v6 =	vld.idx.msk [tilespmem:v6+s20+$0x0], $0xffff  }
0x176: {  	v8 =	vld.idx.msk [tilespmem:v8+s5+$0x0], $0xffff;
	_ =	sdelay $0x3  }
0x177: {  	v3 =	vsub.f32 v3, v4;
	v4 =	vsub.f32 v5, v7;
	_ =	sdelay $0x1  }
0x178: {  	v5 =	vsub.f32 v6, v8;
	v6 =	vmul.f32 v3, v3;
	v7 =	vmul.f32 v4, v4;
	_ =	sdelay $0x1  }
0x179: {  	v6 =	vadd.f32 v7, v6;
	v7 =	vmul.f32 v5, v5;
	_ =	sdelay $0x1  }
0x17a: {  	v6 =	vadd.f32 v7, v6;
	_ =	sdelay $0x1  }
0x17b: {  	v7 =	vshrl.u32 v6, $0x1;
	v8 =	vmul.f32 $5.000000000e-01, v6;
	v9 =	vmin.f32 v6, $1.000000000e+02  }
0x17c: {  	v7 =	vsub.s32 $0x5F3759DF, v7;
	v9 =	vmul.f32 $9.869604550e-02, v9  }
0x17d: {  	v10 =	vmul.f32 v7, v8  }
0x17e: {  	v11 =	vmul.f32 $1.724375200e-09, v9  }
0x17f: {  	v10 =	vmul.f32 v7, v10  }
0x180: {  	v11 =	vadd.f32 $-2.707544980e-07, v11  }
0x181: {  	v10 =	vsub.f32 $1.500000000e+00, v10  }
0x182: {  	v11 =	vmul.f32 v11, v9  }
0x183: {  	v7 =	vmul.f32 v7, v10  }
0x184: {  	v10 =	vadd.f32 $2.476905320e-05, v11  }
0x185: {  	v11 =	vmul.f32 v7, v8  }
0x186: {  	v10 =	vmul.f32 v10, v9  }
0x187: {  	v11 =	vmul.f32 v11, v7  }
0x188: {  	v10 =	vadd.f32 $-1.388773210e-03, v10  }
0x189: {  	v11 =	vsub.f32 $1.500000000e+00, v11  }
0x18a: {  	v10 =	vmul.f32 v10, v9  }
0x18b: {  	v7 =	vmul.f32 v11, v7  }
0x18c: {  	v10 =	vadd.f32 $4.166646300e-02, v10  }
0x18d: {  	v8 =	vmul.f32 v7, v8  }
0x18e: {  	v10 =	vmul.f32 v10, v9  }
0x18f: {  	v8 =	vmul.f32 v8, v7  }
0x190: {  	v10 =	vadd.f32 $-4.999998510e-01, v10  }
0x191: {  	v8 =	vsub.f32 $1.500000000e+00, v8  }
0x192: {  	v9 =	vmul.f32 v10, v9  }
0x193: {  	v7 =	vmul.f32 v8, v7  }
0x194: {  	v8 =	vadd.f32 $1.000000000e+00, v9  }
0x195: {  	v9 =	vmul.f32 v7, v6;
	v10 =	vmul.f32 v7, v3  }
0x196: {  	v11 =	vmul.f32 v7, v4;
	v3 =	vmul.f32 v7, v5;
	v8 =	vadd.f32 $1.000000000e+00, v8  }
0x197: {  	v4 =	vmul.f32 $-5.000000000e-01, v9;
	[tilespmem:s24+$0x0] =	vst v9  }
0x198: {  	v5 =	vmul.f32 $5.000000000e-01, v8  }
0x199: {  	vm0 =	vlt.f32 v6, $1.000000000e+02;
	v4 =	vmul.f32 $1.442695020e+00, v4  }
0x19a: {  	v5 =	vnsel vm0, $0x0, v5  }
0x19b: {  	[tilespmem:s29+$0x0] =	vst v5;
	(erf) = vpow2.f32 v4;
	_ =	sdelay $0x5  }
0x19c: {  	v5 =	vadd.s32 s31, v0  }
0x19d: {  	v6 =	vadd.s32 s31, v1  }
.Ltmp2:
0x19e: {  	v4 =	vadd.s32 s31, v2;
	(pc) =	sbr.rel @p0 .LBB2_6-.Ltmp2, $4  }
0x19f: {  	v7 =	vpop (erf)  }
0x1a0: {  	[tilespmem:s30+$0x0] =	vst v7  }
0x1a1: {  	[tilespmem:v5+s9+$0x0] =	vst.idx.msk $0xffff, v10  }
0x1a2: {  	s29 =	sadd.s32 $0x10, s29;
	s30 =	sadd.s32 $0x10, s30;
	[tilespmem:v6+s9+$0x0] =	vst.idx.msk $0xffff, v11  }
0x1a3: {  	_ =	sdelay $0x3  }
0x1a4: {  	[tilespmem:v4+s9+$0x0] =	vst.idx.msk $0xffff, v3;
	s29 =	simm.s32 $0x0;
	s7 =	rddreg [dreg:$0xf]  }
0x1a5: {  	[hbm4b:s7+s29] =	stream.linear.scatter [tilespmem:s10], [sflag:$0x3], $0x7D0, $0x38;
	[tilespmem:$0x16A00] =	vst v63  }
0x1a6: {  	s31 =	rddreg [dreg:$0x10]  }
0x1a7: {  	[hbm4b:s31+s29] =	stream.linear.scatter [tilespmem:s11], [sflag:$0x3], $0x800, $0x38;
	[tilespmem:$0x16A00] =	vst v63  }
0x1a8: {  	s23 =	rddreg [dreg:$0x11]  }
0x1a9: {  	[hbm4b:s23+s29] =	stream.linear.scatter [tilespmem:s12], [sflag:$0x3], $0x800, $0x38;
	[tilespmem:$0x16A00] =	vst v63  }
0x1aa: {  	s24 =	rddreg [dreg:$0x1b]  }
0x1ab: {  	[hbm4b:s24+s29] =	stream.linear.scatter [tilespmem:s9], [sflag:$0x3], $0x1770, $0x38;
	[tilespmem:$0x16A00] =	vst v63  }
0x1ac: {  	s31 =	rddreg [dreg:$0x12]  }
0x1ad: {  	[tilespmem:s13], [sflag:$0x1] =	stream.linear.gather [hbm4b:s31+s29], $0x7D0, $0x38;
	[tilespmem:$0x16A00] =	vst v63  }
0x1ae: {  	_ = 	snop  }
0x1af: {  	[tilespmem:s14], [sflag:$0x1] =	stream.linear.gather [hbm4b:s3+s29], $0x7D0, $0x38;
	[tilespmem:$0x16A00] =	vst v63  }
0x1b0: {  	_ =	swait.ge [sflag:s15], $0x7D0  }
0x1b1: {  	[sflag:s15] =	ssyncset.done $0x0  }
0x1b2: {  	[sflag:s15] =	ssyncadd.s32 $0xFFFFF830  }
0x1b3: {  	_ =	swait.ge [sflag:s15], $0x7D0  }
0x1b4: {  	[sflag:s15] =	ssyncset.done $0x0  }
0x1b5: {  	[sflag:s15] =	ssyncadd.s32 $0xFFFFF830  }
0x1b6: {  	_ =	swait.ge [sflag:s22], $0x7D0  }
0x1b7: {  	[sflag:s22] =	ssyncset.done $0x0  }
0x1b8: {  	[sflag:s22] =	ssyncadd.s32 $0xFFFFF830  }
0x1b9: {  	_ =	swait.ge [sflag:s22], $0x800  }
0x1ba: {  	[sflag:s22] =	ssyncset.done $0x0  }
0x1bb: {  	[sflag:s22] =	ssyncadd.s32 $0xFFFFF800  }
0x1bc: {  	_ =	swait.ge [sflag:s22], $0x800  }
0x1bd: {  	[sflag:s22] =	ssyncset.done $0x0  }
0x1be: {  	[sflag:s22] =	ssyncadd.s32 $0xFFFFF800  }
0x1bf: {  	_ =	swait.ge [sflag:s22], $0x1770  }
0x1c0: {  	[sflag:s22] =	ssyncset.done $0x0  }
0x1c1: {  	s23 =	simm.s32 $0x12A80;
	[sflag:s22] =	ssyncadd.s32 $0xFFFFE890  }
0x1c2: {  	s7 =	simm.s32 $0x13280;
	v3 =	vld [tilespmem:s23+$0x0]  }
0x1c3: {  	v4 =	vld [tilespmem:s7+$0x0];
	_ =	sdelay $0x3  }
0x1c4: {  	v3 =	vmul.u32 $0x3, v3  }
0x1c5: {  	v4 =	vmul.u32 $0x3, v4;
	_ =	sdelay $0x1  }
0x1c6: {  	v5 =	vadd.s32 $0x1, v3  }
0x1c7: {  	v6 =	vadd.s32 $0x1, v4  }
0x1c8: {  	v7 =	vadd.s32 $0x2, v3  }
0x1c9: {  	v8 =	vadd.s32 $0x2, v4;
	v3 =	vld.idx.msk [tilespmem:v3+s20+$0x0], $0xffff  }
0x1ca: {  	v4 =	vld.idx.msk [tilespmem:v4+s5+$0x0], $0xffff  }
0x1cb: {  	v5 =	vld.idx.msk [tilespmem:v5+s20+$0x0], $0xffff  }
0x1cc: {  	v6 =	vld.idx.msk [tilespmem:v6+s5+$0x0], $0xffff  }
0x1cd: {  	v7 =	vld.idx.msk [tilespmem:v7+s20+$0x0], $0xffff  }
0x1ce: {  	v8 =	vld.idx.msk [tilespmem:v8+s5+$0x0], $0xffff;
	_ =	sdelay $0x2  }
0x1cf: {  	v3 =	vsub.f32 v3, v4;
	v4 =	vsub.f32 v5, v6;
	_ =	sdelay $0x1  }
0x1d0: {  	v5 =	vsub.f32 v7, v8;
	v6 =	vmul.f32 v3, v3;
	v7 =	vmul.f32 v4, v4;
	_ =	sdelay $0x1  }
0x1d1: {  	v6 =	vadd.f32 v7, v6;
	v7 =	vmul.f32 v5, v5;
	_ =	sdelay $0x1  }
0x1d2: {  	v6 =	vadd.f32 v7, v6;
	_ =	sdelay $0x1  }
0x1d3: {  	v7 =	vshrl.u32 v6, $0x1;
	v55 =	vmul.f32 $5.000000000e-01, v6  }
0x1d4: {  	v7 =	vsub.s32 $0x5F3759DF, v7  }
0x1d5: {  	v9 =	vmul.f32 v7, v55;
	_ =	sdelay $0x1  }
0x1d6: {  	v9 =	vmul.f32 v7, v9;
	_ =	sdelay $0x1  }
0x1d7: {  	v9 =	vsub.f32 $1.500000000e+00, v9;
	_ =	sdelay $0x1  }
0x1d8: {  	v7 =	vmul.f32 v7, v9  }
0x1d9: {  	v56 =	vmin.f32 v6, $1.000000000e+02  }
0x1da: {  	v9 =	vmul.f32 $9.869604550e-02, v56;
	v10 =	vmul.f32 v7, v55;
	_ =	sdelay $0x1  }
0x1db: {  	v11 =	vmul.f32 $1.724375200e-09, v9;
	v10 =	vmul.f32 v10, v7;
	_ =	sdelay $0x1  }
0x1dc: {  	v11 =	vadd.f32 $-2.707544980e-07, v11;
	v10 =	vsub.f32 $1.500000000e+00, v10;
	_ =	sdelay $0x1  }
0x1dd: {  	v11 =	vmul.f32 v11, v9;
	v7 =	vmul.f32 v10, v7;
	_ =	sdelay $0x1  }
0x1de: {  	v57 =	vadd.f32 $2.476905320e-05, v11;
	v8 =	vmul.f32 v7, v55;
	_ =	sdelay $0x1  }
0x1df: {  	v10 =	vmul.f32 v57, v9;
	v8 =	vmul.f32 v8, v7;
	_ =	sdelay $0x1  }
0x1e0: {  	v10 =	vadd.f32 $-1.388773210e-03, v10;
	v8 =	vsub.f32 $1.500000000e+00, v8;
	_ =	sdelay $0x1  }
0x1e1: {  	v10 =	vmul.f32 v10, v9;
	v7 =	vmul.f32 v8, v7;
	_ =	sdelay $0x1  }
0x1e2: {  	v58 =	vadd.f32 $4.166646300e-02, v10;
	v59 =	vmul.f32 v7, v6;
	_ =	sdelay $0x1  }
0x1e3: {  	v8 =	vmul.f32 v58, v9;
	v60 =	vmul.f32 $-5.000000000e-01, v59;
	_ =	sdelay $0x1  }
0x1e4: {  	v8 =	vadd.f32 $-4.999998510e-01, v8;
	v11 =	vmul.f32 $1.442695020e+00, v60;
	_ =	sdelay $0x1  }
0x1e5: {  	v8 =	vmul.f32 v8, v9;
	(erf) = vpow2.f32 v11;
	_ =	sdelay $0x1  }
0x1e6: {  	v8 =	vadd.f32 $1.000000000e+00, v8;
	_ =	sdelay $0x1  }
0x1e7: {  	v8 =	vadd.f32 $1.000000000e+00, v8;
	_ =	sdelay $0x1  }
0x1e8: {  	v61 =	vadd.s32 s29, v0;
	v8 =	vmul.f32 $5.000000000e-01, v8  }
0x1e9: {  	s24 =	simm.s32 $0x13A80;
	vm0 =	vlt.f32 v6, $1.000000000e+02;
	v6 =	vadd.s32 s29, v1  }
0x1ea: {  	s28 =	simm.s32 $0x14280;
	v63 =	vmul.f32 v7, v4;
	v4 =	vadd.s32 s29, v2;
	[tilespmem:s24+$0x0] =	vst v59;
	v8 =	vnsel vm0, $0x0, v8  }
0x1eb: {  	s30 =	simm.s32 $0x14A80;
	v3 =	vmul.f32 v7, v3;
	[tilespmem:s28+$0x0] =	vst v8;
	v62 =	vpop (erf)  }
0x1ec: {  	[tilespmem:s30+$0x0] =	vst v62  }
0x1ed: {  	[tilespmem:v61+s16+$0x0] =	vst.idx.msk $0xffff, v3;
	v3 =	vmul.f32 v7, v5  }
0x1ee: {  	s29 =	simm.s32 $0x14290;
	s28 =	simm.s32 $0x30;
	s30 =	simm.s32 $0x14A90;
	[tilespmem:v6+s16+$0x0] =	vst.idx.msk $0xffff, v63  }
.LBB2_8:
0x1ef: {  	[tilespmem:v4+s16+$0x0] =	vst.idx.msk $0xffff, v3;
	s23 =	sadd.s32 $0x10, s23;
	s7 =	sadd.s32 $0x10, s7;
	s24 =	sadd.s32 $0x10, s24  }
0x1f0: {  	p0 =	sne.s32 s28, $0x1740;
	s31 =	smov.u32 s28;
	s28 =	sadd.s32 $0x30, s28;
	v3 =	vld [tilespmem:s23+$0x0]  }
0x1f1: {  	_ = 	snop  }
0x1f2: {  	v4 =	vld [tilespmem:s7+$0x0];
	_ =	sdelay $0x2  }
0x1f3: {  	v3 =	vmul.u32 $0x3, v3;
	_ =	sdelay $0x1  }
0x1f4: {  	v4 =	vmul.u32 $0x3, v4;
	v5 =	vadd.s32 $0x1, v3;
	v6 =	vadd.s32 $0x2, v3;
	_ =	sdelay $0x1  }
0x1f5: {  	v7 =	vadd.s32 $0x1, v4;
	v8 =	vadd.s32 $0x2, v4;
	_ =	sdelay $0x1  }
0x1f6: {  	v3 =	vld.idx.msk [tilespmem:v3+s20+$0x0], $0xffff  }
0x1f7: {  	v5 =	vld.idx.msk [tilespmem:v5+s20+$0x0], $0xffff  }
0x1f8: {  	v4 =	vld.idx.msk [tilespmem:v4+s5+$0x0], $0xffff  }
0x1f9: {  	v7 =	vld.idx.msk [tilespmem:v7+s5+$0x0], $0xffff  }
0x1fa: {  	v6 =	vld.idx.msk [tilespmem:v6+s20+$0x0], $0xffff  }
0x1fb: {  	v8 =	vld.idx.msk [tilespmem:v8+s5+$0x0], $0xffff;
	_ =	sdelay $0x3  }
0x1fc: {  	v3 =	vsub.f32 v3, v4;
	v4 =	vsub.f32 v5, v7;
	_ =	sdelay $0x1  }
0x1fd: {  	v5 =	vsub.f32 v6, v8;
	v6 =	vmul.f32 v3, v3;
	v7 =	vmul.f32 v4, v4;
	_ =	sdelay $0x1  }
0x1fe: {  	v6 =	vadd.f32 v7, v6;
	v7 =	vmul.f32 v5, v5;
	_ =	sdelay $0x1  }
0x1ff: {  	v6 =	vadd.f32 v7, v6;
	_ =	sdelay $0x1  }
0x200: {  	v7 =	vshrl.u32 v6, $0x1;
	v8 =	vmul.f32 $5.000000000e-01, v6;
	v9 =	vmin.f32 v6, $1.000000000e+02  }
0x201: {  	v7 =	vsub.s32 $0x5F3759DF, v7;
	v9 =	vmul.f32 $9.869604550e-02, v9  }
0x202: {  	v10 =	vmul.f32 v7, v8  }
0x203: {  	v11 =	vmul.f32 $1.724375200e-09, v9  }
0x204: {  	v10 =	vmul.f32 v7, v10  }
0x205: {  	v11 =	vadd.f32 $-2.707544980e-07, v11  }
0x206: {  	v10 =	vsub.f32 $1.500000000e+00, v10  }
0x207: {  	v11 =	vmul.f32 v11, v9  }
0x208: {  	v7 =	vmul.f32 v7, v10  }
0x209: {  	v10 =	vadd.f32 $2.476905320e-05, v11  }
0x20a: {  	v11 =	vmul.f32 v7, v8  }
0x20b: {  	v10 =	vmul.f32 v10, v9  }
0x20c: {  	v11 =	vmul.f32 v11, v7  }
0x20d: {  	v10 =	vadd.f32 $-1.388773210e-03, v10  }
0x20e: {  	v11 =	vsub.f32 $1.500000000e+00, v11  }
0x20f: {  	v10 =	vmul.f32 v10, v9  }
0x210: {  	v7 =	vmul.f32 v11, v7  }
0x211: {  	v10 =	vadd.f32 $4.166646300e-02, v10  }
0x212: {  	v8 =	vmul.f32 v7, v8  }
0x213: {  	v10 =	vmul.f32 v10, v9  }
0x214: {  	v8 =	vmul.f32 v8, v7  }
0x215: {  	v10 =	vadd.f32 $-4.999998510e-01, v10  }
0x216: {  	v8 =	vsub.f32 $1.500000000e+00, v8  }
0x217: {  	v9 =	vmul.f32 v10, v9  }
0x218: {  	v7 =	vmul.f32 v8, v7  }
0x219: {  	v8 =	vadd.f32 $1.000000000e+00, v9  }
0x21a: {  	v9 =	vmul.f32 v7, v6;
	v10 =	vmul.f32 v7, v3  }
0x21b: {  	v11 =	vmul.f32 v7, v4;
	v3 =	vmul.f32 v7, v5;
	v8 =	vadd.f32 $1.000000000e+00, v8  }
0x21c: {  	v4 =	vmul.f32 $-5.000000000e-01, v9;
	[tilespmem:s24+$0x0] =	vst v9  }
0x21d: {  	v5 =	vmul.f32 $5.000000000e-01, v8  }
0x21e: {  	vm0 =	vlt.f32 v6, $1.000000000e+02;
	v4 =	vmul.f32 $1.442695020e+00, v4  }
0x21f: {  	v5 =	vnsel vm0, $0x0, v5  }
0x220: {  	[tilespmem:s29+$0x0] =	vst v5;
	(erf) = vpow2.f32 v4;
	_ =	sdelay $0x5  }
0x221: {  	v5 =	vadd.s32 s31, v0  }
0x222: {  	v6 =	vadd.s32 s31, v1  }
.Ltmp3:
0x223: {  	v4 =	vadd.s32 s31, v2;
	(pc) =	sbr.rel @p0 .LBB2_8-.Ltmp3, $4  }
0x224: {  	v7 =	vpop (erf)  }
0x225: {  	[tilespmem:s30+$0x0] =	vst v7  }
0x226: {  	[tilespmem:v5+s16+$0x0] =	vst.idx.msk $0xffff, v10  }
0x227: {  	s29 =	sadd.s32 $0x10, s29;
	s30 =	sadd.s32 $0x10, s30;
	[tilespmem:v6+s16+$0x0] =	vst.idx.msk $0xffff, v11  }
0x228: {  	_ =	sdelay $0x3  }
0x229: {  	[tilespmem:v4+s16+$0x0] =	vst.idx.msk $0xffff, v3;
	s29 =	simm.s32 $0x0;
	s7 =	rddreg [dreg:$0x13]  }
0x22a: {  	[hbm4b:s7+s29] =	stream.linear.scatter [tilespmem:s17], [sflag:$0x4], $0x7D0, $0x38;
	[tilespmem:$0x16A00] =	vst v63  }
0x22b: {  	s23 =	rddreg [dreg:$0x15]  }
0x22c: {  	[hbm4b:s23+s29] =	stream.linear.scatter [tilespmem:s18], [sflag:$0x4], $0x800, $0x38;
	[tilespmem:$0x16A00] =	vst v63  }
0x22d: {  	s24 =	rddreg [dreg:$0x16]  }
0x22e: {  	[hbm4b:s24+s29] =	stream.linear.scatter [tilespmem:s19], [sflag:$0x4], $0x800, $0x38;
	[tilespmem:$0x16A00] =	vst v63  }
0x22f: {  	s31 =	rddreg [dreg:$0x1c]  }
0x230: {  	[hbm4b:s31+s29] =	stream.linear.scatter [tilespmem:s16], [sflag:$0x4], $0x1770, $0x38;
	[tilespmem:$0x16A00] =	vst v63  }
0x231: {  	_ =	swait.ge [sflag:s8], $0x7D0  }
0x232: {  	[sflag:s8] =	ssyncset.done $0x0  }
0x233: {  	[sflag:s8] =	ssyncadd.s32 $0xFFFFF830  }
0x234: {  	_ =	swait.ge [sflag:s8], $0x7D0  }
0x235: {  	[sflag:s8] =	ssyncset.done $0x0  }
0x236: {  	[sflag:s8] =	ssyncadd.s32 $0xFFFFF830  }
0x237: {  	_ =	swait.ge [sflag:s21], $0x7D0  }
0x238: {  	[sflag:s21] =	ssyncset.done $0x0  }
0x239: {  	[sflag:s21] =	ssyncadd.s32 $0xFFFFF830  }
0x23a: {  	_ =	swait.ge [sflag:s21], $0x800  }
0x23b: {  	[sflag:s21] =	ssyncset.done $0x0  }
0x23c: {  	[sflag:s21] =	ssyncadd.s32 $0xFFFFF800  }
0x23d: {  	_ =	swait.ge [sflag:s21], $0x800  }
0x23e: {  	[sflag:s21] =	ssyncset.done $0x0  }
0x23f: {  	[sflag:s21] =	ssyncadd.s32 $0xFFFFF800  }
0x240: {  	_ =	swait.ge [sflag:s21], $0x1770  }
0x241: {  	[sflag:s21] =	ssyncset.done $0x0  }
0x242: {  	s23 =	simm.s32 $0xEB00;
	[sflag:s21] =	ssyncadd.s32 $0xFFFFE890  }
0x243: {  	s7 =	simm.s32 $0xF300;
	v3 =	vld [tilespmem:s23+$0x0]  }
0x244: {  	v4 =	vld [tilespmem:s7+$0x0];
	_ =	sdelay $0x3  }
0x245: {  	v3 =	vmul.u32 $0x3, v3  }
0x246: {  	v4 =	vmul.u32 $0x3, v4;
	_ =	sdelay $0x1  }
0x247: {  	v5 =	vadd.s32 $0x1, v3  }
0x248: {  	v6 =	vadd.s32 $0x1, v4  }
0x249: {  	v7 =	vadd.s32 $0x2, v3  }
0x24a: {  	v8 =	vadd.s32 $0x2, v4;
	v3 =	vld.idx.msk [tilespmem:v3+s20+$0x0], $0xffff  }
0x24b: {  	v4 =	vld.idx.msk [tilespmem:v4+s5+$0x0], $0xffff  }
0x24c: {  	v5 =	vld.idx.msk [tilespmem:v5+s20+$0x0], $0xffff  }
0x24d: {  	v6 =	vld.idx.msk [tilespmem:v6+s5+$0x0], $0xffff  }
0x24e: {  	v7 =	vld.idx.msk [tilespmem:v7+s20+$0x0], $0xffff  }
0x24f: {  	v8 =	vld.idx.msk [tilespmem:v8+s5+$0x0], $0xffff;
	_ =	sdelay $0x2  }
0x250: {  	v3 =	vsub.f32 v3, v4;
	v4 =	vsub.f32 v5, v6;
	_ =	sdelay $0x1  }
0x251: {  	v5 =	vsub.f32 v7, v8;
	v6 =	vmul.f32 v3, v3;
	v7 =	vmul.f32 v4, v4;
	_ =	sdelay $0x1  }
0x252: {  	v6 =	vadd.f32 v7, v6;
	v7 =	vmul.f32 v5, v5;
	_ =	sdelay $0x1  }
0x253: {  	v6 =	vadd.f32 v7, v6;
	_ =	sdelay $0x1  }
0x254: {  	v7 =	vshrl.u32 v6, $0x1;
	v55 =	vmul.f32 $5.000000000e-01, v6  }
0x255: {  	v7 =	vsub.s32 $0x5F3759DF, v7  }
0x256: {  	v9 =	vmul.f32 v7, v55;
	_ =	sdelay $0x1  }
0x257: {  	v9 =	vmul.f32 v7, v9;
	_ =	sdelay $0x1  }
0x258: {  	v9 =	vsub.f32 $1.500000000e+00, v9;
	_ =	sdelay $0x1  }
0x259: {  	v7 =	vmul.f32 v7, v9  }
0x25a: {  	v56 =	vmin.f32 v6, $1.000000000e+02  }
0x25b: {  	v9 =	vmul.f32 $9.869604550e-02, v56;
	v10 =	vmul.f32 v7, v55;
	_ =	sdelay $0x1  }
0x25c: {  	v11 =	vmul.f32 $1.724375200e-09, v9;
	v10 =	vmul.f32 v10, v7;
	_ =	sdelay $0x1  }
0x25d: {  	v11 =	vadd.f32 $-2.707544980e-07, v11;
	v10 =	vsub.f32 $1.500000000e+00, v10;
	_ =	sdelay $0x1  }
0x25e: {  	v11 =	vmul.f32 v11, v9;
	v7 =	vmul.f32 v10, v7;
	_ =	sdelay $0x1  }
0x25f: {  	v57 =	vadd.f32 $2.476905320e-05, v11;
	v8 =	vmul.f32 v7, v55;
	_ =	sdelay $0x1  }
0x260: {  	v10 =	vmul.f32 v57, v9;
	v8 =	vmul.f32 v8, v7;
	_ =	sdelay $0x1  }
0x261: {  	v10 =	vadd.f32 $-1.388773210e-03, v10;
	v8 =	vsub.f32 $1.500000000e+00, v8;
	_ =	sdelay $0x1  }
0x262: {  	v10 =	vmul.f32 v10, v9;
	v7 =	vmul.f32 v8, v7;
	_ =	sdelay $0x1  }
0x263: {  	v58 =	vadd.f32 $4.166646300e-02, v10;
	v59 =	vmul.f32 v7, v6;
	_ =	sdelay $0x1  }
0x264: {  	v8 =	vmul.f32 v58, v9;
	v60 =	vmul.f32 $-5.000000000e-01, v59;
	_ =	sdelay $0x1  }
0x265: {  	v8 =	vadd.f32 $-4.999998510e-01, v8;
	v11 =	vmul.f32 $1.442695020e+00, v60;
	_ =	sdelay $0x1  }
0x266: {  	v8 =	vmul.f32 v8, v9;
	(erf) = vpow2.f32 v11;
	_ =	sdelay $0x1  }
0x267: {  	v8 =	vadd.f32 $1.000000000e+00, v8;
	_ =	sdelay $0x1  }
0x268: {  	v8 =	vadd.f32 $1.000000000e+00, v8;
	_ =	sdelay $0x1  }
0x269: {  	v61 =	vadd.s32 s29, v0;
	v8 =	vmul.f32 $5.000000000e-01, v8  }
0x26a: {  	s24 =	simm.s32 $0xFB00;
	vm0 =	vlt.f32 v6, $1.000000000e+02;
	v6 =	vadd.s32 s29, v1  }
0x26b: {  	s28 =	simm.s32 $0x10300;
	v63 =	vmul.f32 v7, v4;
	v4 =	vadd.s32 s29, v2;
	[tilespmem:s24+$0x0] =	vst v59;
	v8 =	vnsel vm0, $0x0, v8  }
0x26c: {  	s30 =	simm.s32 $0x10B00;
	v3 =	vmul.f32 v7, v3;
	[tilespmem:s28+$0x0] =	vst v8;
	v62 =	vpop (erf)  }
0x26d: {  	[tilespmem:s30+$0x0] =	vst v62  }
0x26e: {  	[tilespmem:v61+s9+$0x0] =	vst.idx.msk $0xffff, v3;
	v3 =	vmul.f32 v7, v5  }
0x26f: {  	s29 =	simm.s32 $0x10310;
	s28 =	simm.s32 $0x30;
	s30 =	simm.s32 $0x10B10;
	[tilespmem:v6+s9+$0x0] =	vst.idx.msk $0xffff, v63  }
.LBB2_10:
0x270: {  	[tilespmem:v4+s9+$0x0] =	vst.idx.msk $0xffff, v3;
	s23 =	sadd.s32 $0x10, s23;
	s7 =	sadd.s32 $0x10, s7;
	s24 =	sadd.s32 $0x10, s24  }
0x271: {  	p0 =	sne.s32 s28, $0x1740;
	s31 =	smov.u32 s28;
	s28 =	sadd.s32 $0x30, s28;
	v3 =	vld [tilespmem:s23+$0x0]  }
0x272: {  	_ = 	snop  }
0x273: {  	v4 =	vld [tilespmem:s7+$0x0];
	_ =	sdelay $0x2  }
0x274: {  	v3 =	vmul.u32 $0x3, v3;
	_ =	sdelay $0x1  }
0x275: {  	v4 =	vmul.u32 $0x3, v4;
	v5 =	vadd.s32 $0x1, v3;
	v6 =	vadd.s32 $0x2, v3;
	_ =	sdelay $0x1  }
0x276: {  	v7 =	vadd.s32 $0x1, v4;
	v8 =	vadd.s32 $0x2, v4;
	_ =	sdelay $0x1  }
0x277: {  	v3 =	vld.idx.msk [tilespmem:v3+s20+$0x0], $0xffff  }
0x278: {  	v5 =	vld.idx.msk [tilespmem:v5+s20+$0x0], $0xffff  }
0x279: {  	v4 =	vld.idx.msk [tilespmem:v4+s5+$0x0], $0xffff  }
0x27a: {  	v7 =	vld.idx.msk [tilespmem:v7+s5+$0x0], $0xffff  }
0x27b: {  	v6 =	vld.idx.msk [tilespmem:v6+s20+$0x0], $0xffff  }
0x27c: {  	v8 =	vld.idx.msk [tilespmem:v8+s5+$0x0], $0xffff;
	_ =	sdelay $0x3  }
0x27d: {  	v3 =	vsub.f32 v3, v4;
	v4 =	vsub.f32 v5, v7;
	_ =	sdelay $0x1  }
0x27e: {  	v5 =	vsub.f32 v6, v8;
	v6 =	vmul.f32 v3, v3;
	v7 =	vmul.f32 v4, v4;
	_ =	sdelay $0x1  }
0x27f: {  	v6 =	vadd.f32 v7, v6;
	v7 =	vmul.f32 v5, v5;
	_ =	sdelay $0x1  }
0x280: {  	v6 =	vadd.f32 v7, v6;
	_ =	sdelay $0x1  }
0x281: {  	v7 =	vshrl.u32 v6, $0x1;
	v8 =	vmul.f32 $5.000000000e-01, v6;
	v9 =	vmin.f32 v6, $1.000000000e+02  }
0x282: {  	v7 =	vsub.s32 $0x5F3759DF, v7;
	v9 =	vmul.f32 $9.869604550e-02, v9  }
0x283: {  	v10 =	vmul.f32 v7, v8  }
0x284: {  	v11 =	vmul.f32 $1.724375200e-09, v9  }
0x285: {  	v10 =	vmul.f32 v7, v10  }
0x286: {  	v11 =	vadd.f32 $-2.707544980e-07, v11  }
0x287: {  	v10 =	vsub.f32 $1.500000000e+00, v10  }
0x288: {  	v11 =	vmul.f32 v11, v9  }
0x289: {  	v7 =	vmul.f32 v7, v10  }
0x28a: {  	v10 =	vadd.f32 $2.476905320e-05, v11  }
0x28b: {  	v11 =	vmul.f32 v7, v8  }
0x28c: {  	v10 =	vmul.f32 v10, v9  }
0x28d: {  	v11 =	vmul.f32 v11, v7  }
0x28e: {  	v10 =	vadd.f32 $-1.388773210e-03, v10  }
0x28f: {  	v11 =	vsub.f32 $1.500000000e+00, v11  }
0x290: {  	v10 =	vmul.f32 v10, v9  }
0x291: {  	v7 =	vmul.f32 v11, v7  }
0x292: {  	v10 =	vadd.f32 $4.166646300e-02, v10  }
0x293: {  	v8 =	vmul.f32 v7, v8  }
0x294: {  	v10 =	vmul.f32 v10, v9  }
0x295: {  	v8 =	vmul.f32 v8, v7  }
0x296: {  	v10 =	vadd.f32 $-4.999998510e-01, v10  }
0x297: {  	v8 =	vsub.f32 $1.500000000e+00, v8  }
0x298: {  	v9 =	vmul.f32 v10, v9  }
0x299: {  	v7 =	vmul.f32 v8, v7  }
0x29a: {  	v8 =	vadd.f32 $1.000000000e+00, v9  }
0x29b: {  	v9 =	vmul.f32 v7, v6;
	v10 =	vmul.f32 v7, v3  }
0x29c: {  	v11 =	vmul.f32 v7, v4;
	v3 =	vmul.f32 v7, v5;
	v8 =	vadd.f32 $1.000000000e+00, v8  }
0x29d: {  	v4 =	vmul.f32 $-5.000000000e-01, v9;
	[tilespmem:s24+$0x0] =	vst v9  }
0x29e: {  	v5 =	vmul.f32 $5.000000000e-01, v8  }
0x29f: {  	vm0 =	vlt.f32 v6, $1.000000000e+02;
	v4 =	vmul.f32 $1.442695020e+00, v4  }
0x2a0: {  	v5 =	vnsel vm0, $0x0, v5  }
0x2a1: {  	[tilespmem:s29+$0x0] =	vst v5;
	(erf) = vpow2.f32 v4;
	_ =	sdelay $0x5  }
0x2a2: {  	v5 =	vadd.s32 s31, v0  }
0x2a3: {  	v6 =	vadd.s32 s31, v1  }
.Ltmp4:
0x2a4: {  	v4 =	vadd.s32 s31, v2;
	(pc) =	sbr.rel @p0 .LBB2_10-.Ltmp4, $4  }
0x2a5: {  	v7 =	vpop (erf)  }
0x2a6: {  	[tilespmem:s30+$0x0] =	vst v7  }
0x2a7: {  	[tilespmem:v5+s9+$0x0] =	vst.idx.msk $0xffff, v10  }
0x2a8: {  	s29 =	sadd.s32 $0x10, s29;
	s30 =	sadd.s32 $0x10, s30;
	[tilespmem:v6+s9+$0x0] =	vst.idx.msk $0xffff, v11  }
0x2a9: {  	_ =	sdelay $0x3  }
0x2aa: {  	[tilespmem:v4+s9+$0x0] =	vst.idx.msk $0xffff, v3;
	s7 =	rddreg [dreg:$0x14]  }
0x2ab: {  	[hbm4b:s7+s20] =	stream.linear.scatter [tilespmem:s10], [sflag:$0x3], $0x7D0, $0x38;
	[tilespmem:$0x16A00] =	vst v63  }
0x2ac: {  	s28 =	rddreg [dreg:$0x17]  }
0x2ad: {  	[hbm4b:s28+s20] =	stream.linear.scatter [tilespmem:s11], [sflag:$0x3], $0x800, $0x38;
	[tilespmem:$0x16A00] =	vst v63  }
0x2ae: {  	s29 =	rddreg [dreg:$0x18]  }
0x2af: {  	[hbm4b:s29+s20] =	stream.linear.scatter [tilespmem:s12], [sflag:$0x3], $0x800, $0x38;
	[tilespmem:$0x16A00] =	vst v63  }
0x2b0: {  	s30 =	rddreg [dreg:$0x1d]  }
0x2b1: {  	[hbm4b:s30+s20] =	stream.linear.scatter [tilespmem:s9], [sflag:$0x3], $0x1770, $0x38;
	[tilespmem:$0x16A00] =	vst v63  }
0x2b2: {  	_ =	swait.ge [sflag:s22], $0x7D0  }
0x2b3: {  	[sflag:s22] =	ssyncset.done $0x0  }
0x2b4: {  	[sflag:s22] =	ssyncadd.s32 $0xFFFFF830  }
0x2b5: {  	_ =	swait.ge [sflag:s22], $0x800  }
0x2b6: {  	[sflag:s22] =	ssyncset.done $0x0  }
0x2b7: {  	[sflag:s22] =	ssyncadd.s32 $0xFFFFF800  }
0x2b8: {  	_ =	swait.ge [sflag:s22], $0x800  }
0x2b9: {  	[sflag:s22] =	ssyncset.done $0x0  }
0x2ba: {  	[sflag:s22] =	ssyncadd.s32 $0xFFFFF800  }
0x2bb: {  	_ =	swait.ge [sflag:s22], $0x1770  }
0x2bc: {  	[sflag:s22] =	ssyncset.done $0x0  }
0x2bd: {  	[sflag:s22] =	ssyncadd.s32 $0xFFFFE890  }
0x2be: {  	_ =	swait.ge [sflag:s21], $0x7D0  }
0x2bf: {  	[sflag:s21] =	ssyncset.done $0x0  }
0x2c0: {  	[sflag:s21] =	ssyncadd.s32 $0xFFFFF830  }
0x2c1: {  	_ =	swait.ge [sflag:s21], $0x800  }
0x2c2: {  	[sflag:s21] =	ssyncset.done $0x0  }
0x2c3: {  	[sflag:s21] =	ssyncadd.s32 $0xFFFFF800  }
0x2c4: {  	_ =	swait.ge [sflag:s21], $0x800  }
0x2c5: {  	[sflag:s21] =	ssyncset.done $0x0  }
0x2c6: {  	[sflag:s21] =	ssyncadd.s32 $0xFFFFF800  }
0x2c7: {  	_ =	swait.ge [sflag:s21], $0x1770  }
0x2c8: {  	s6 =	sadd.s32 $0x1, s6;
	s31 =	rddreg [dreg:$0x1f]  }
0x2c9: {  	p0 =	sne.s32 s6, s31  }
.Ltmp5:
0x2ca: {  	_ = 	snop;
	(pc) =	sbr.rel @p0 .LBB2_1-.Ltmp5, $3  }
0x2cb: {  	_ =	sdelay $0x1  }
0x2cc: {  	[sflag:s21] =	ssyncset.done $0x0  }
0x2cd: {  	[sflag:s21] =	ssyncadd.s32 $0xFFFFE890  }
0x2ce: {  	_ =	sfence.sel $0x180000  }
0x2cf: {  	[bflag:$0x0] =	sbarrier.arrive $0xFFFF  }
0x2d0: {  	_ =	strace $0x90000047  }
0x2d1: {  	s0 =	stileid.u32;
	[bflag:$0x2] =	sbarrier.arrive $0xFFFF  }
0x2d2: {  	p0 =	sne.s32 s0, $0x0;
	s0 =	rddreg [dreg:$0x5]  }
0x2d3: {  	s0 =	sadd.s32 @!p0 $0x100000, s0  }
0x2d4: {  	[sflag:s0] =	ssyncadd.tile.s32 @!p0 $0x1;
	_ =	shalt  }
.Lfunc_end2:
_tile_overlayer_lowered:
.L_overlay_start_2:
0x2d5: {  	(tag) =	ssettag $0x2  }
0x2d6: {  	s0 =	rddreg [dreg:$0x0];
	s2 =	stileid.u32  }
0x2d7: {  	s1 =	rddreg [dreg:$0x1];
	p0 =	sne.s32 s2, $0x0  }
0x2d8: {  	s3 =	rddreg [dreg:$0x2];
	[bflag:$0x3] =	sbarrier.arrive $0xFFFF;
	s2 =	simm.s32 @!p0 $0x1C05  }
0x2d9: {  	[timem:s3], [sflag:s2] =	dma.local @!p0 [hbm:s0], s1  }
0x2da: {  	s0 =	simm.s32 @!p0 $0x5  }
0x2db: {  	_ =	swait.ge @!p0 [sflag:s0], s1  }
0x2dc: {  	s1 =	ssub.s32 @!p0 $0x0, s1;
	[sflag:s0] =	ssyncset.done @!p0 $0x0  }
0x2dd: {  	[sflag:s0] =	ssyncadd.s32 @!p0 s1  }
0x2de: {  	[bflag:$0x3] =	sbarrier.arrive $0xFFFF  }
0x2df: {  	_ =	shalt  }

</sc_bundles>
